<compile_context>
chip_gen: v7x
topology: tpu7x:2x2x1
jax: 0.10.2.dev20260603
libtpu: 0.0.44.dev20260713+nightly
codegen_flags: <defaults>
</compile_context>

<pallas_src>
import functools

import jax
import jax.numpy as jnp
from jax import lax
from jax.experimental import pallas as pl
from jax.experimental.pallas import tpu as pltpu
from jax.experimental.pallas import tpu_sc as plsc

_L = 16


def _flat_view(table):
    n, d = table.shape
    t = table.reshape(n // 128, 128, d // 8, 8)
    return t.transpose(2, 0, 3, 1).reshape(-1)


@functools.lru_cache(maxsize=None)
def _build(B, D, NUM, n_rows_a, n_rows_b):
    info = plsc.get_sparse_core_info()
    NC, NS = info.num_cores, info.num_subcores
    NW = NC * NS
    assert B % (8 * NW) == 0 and D == _L
    n_per_w = B // NW
    n_groups = n_per_w // _L
    n_flat = n_per_w * D
    b_elems = n_rows_b * D
    assert b_elems % (8 * NS) == 0
    b_stage = b_elems // NS

    mesh = plsc.VectorSubcoreMesh(core_axis_name="c", subcore_axis_name="s")

    @functools.partial(
        pl.kernel,
        mesh=mesh,
        compiler_params=pltpu.CompilerParams(
            needs_layout_passes=False, use_tc_tiling_on_sc=False),
        out_type=jax.ShapeDtypeStruct((B,), jnp.float32),
        scratch_types=[
            pltpu.VMEM((n_per_w,), jnp.int32),
            pltpu.VMEM((n_per_w,), jnp.int32),
            pltpu.VMEM((n_per_w,), jnp.int32),
            pltpu.VMEM((2, 2048), jnp.int32),
            pltpu.VMEM((2, 2048), jnp.int32),
            pltpu.VMEM((2, 2048), jnp.float32),
            pltpu.VMEM((2, 2048), jnp.float32),
            pltpu.VMEM((n_per_w,), jnp.float32),
            pltpu.VMEM_SHARED((b_elems,), jnp.float32),
            pltpu.SemaphoreType.DMA,
            pltpu.SemaphoreType.DMA,
            pltpu.SemaphoreType.DMA,
            pltpu.SemaphoreType.DMA,
            pltpu.SemaphoreType.DMA,
        ],
    )
    def k(layer_hbm, aidx_hbm, bidx_hbm, a_hbm, b_hbm, out_hbm,
          layer_v, aidx_v, bidx_v, idxa_v, idxb_v, arows_v, brows_v, out_v,
          bsh, sem_a0, sem_a1, sem_b0, sem_b1, sem_st):
        sid = lax.axis_index("s")
        wid = sid * NC + lax.axis_index("c")
        base = wid * n_per_w
        sems_a = (sem_a0, sem_a1)
        sems_b = (sem_b0, sem_b1)
        n_chunks = 4
        cg = n_groups // n_chunks
        cn = n_per_w // n_chunks
        assert cg == 8 and cn == 128

        ssl = pl.ds(sid * b_stage, b_stage)
        cp_st = pltpu.async_copy(b_hbm.at[ssl], bsh.at[ssl], sem_st)

        pltpu.sync_copy(layer_hbm.at[pl.ds(base, n_per_w)], layer_v)
        pltpu.sync_copy(aidx_hbm.at[pl.ds(base, n_per_w)], aidx_v)
        pltpu.sync_copy(bidx_hbm.at[pl.ds(base, n_per_w)], bidx_v)

        def build(c):
            p = c % 2

            def idx_body(g, _):
                off = g * _L
                loc = off - c * cn
                sl = pl.ds(off, _L)
                ra = layer_v[sl] * NUM + aidx_v[sl]
                rb = bidx_v[sl]
                jca = ((ra >> 7) << 10) + (ra & 127)
                jcb = ((rb >> 7) << 10) + (rb & 127)
                for d in range(_L):
                    ca = ((d >> 3) * (8 * n_rows_a)) + ((d & 7) << 7)
                    cb = ((d >> 3) * (8 * n_rows_b)) + ((d & 7) << 7)
                    idxa_v[p, pl.ds(d * cn + loc, _L)] = jca + ca
                    idxb_v[p, pl.ds(d * cn + loc, _L)] = jcb + cb
                return 0

            lax.fori_loop(c * cg, (c + 1) * cg, idx_body, 0)

        def fire_a(c):
            p = c % 2
            return pltpu.async_copy(
                a_hbm.at[idxa_v.at[p]], arows_v.at[p], sems_a[p])

        def fire_b(c):
            p = c % 2
            return pltpu.async_copy(
                bsh.at[idxb_v.at[p]], brows_v.at[p], sems_b[p])

        def dot(c):
            p = c % 2

            def dot_body(g, _):
                off = g * _L
                loc = off - c * cn
                acc = jnp.zeros((_L,), jnp.float32)
                for d in range(_L):
                    sl = pl.ds(d * cn + loc, _L)
                    acc = acc + arows_v[p, sl] * brows_v[p, sl]
                out_v[pl.ds(off, _L)] = acc
                return 0

            lax.fori_loop(c * cg, (c + 1) * cg, dot_body, 0)

        build(0)
        cpa0 = fire_a(0)
        build(1)
        cpa1 = fire_a(1)
        cp_st.wait()
        plsc.subcore_barrier()
        cpb0 = fire_b(0)
        cpb1 = fire_b(1)
        cpa0.wait()
        cpb0.wait()
        dot(0)
        build(2)
        cpa2 = fire_a(2)
        cpb2 = fire_b(2)
        cpa1.wait()
        cpb1.wait()
        dot(1)
        build(3)
        cpa3 = fire_a(3)
        cpb3 = fire_b(3)
        cpa2.wait()
        cpb2.wait()
        dot(2)
        cpa3.wait()
        cpb3.wait()
        dot(3)

        pltpu.sync_copy(out_v, out_hbm.at[pl.ds(base, n_per_w)])

    return k


def kernel(layerIdx, aIdx, bIdx, A_table, B_table):
    B = layerIdx.shape[0]
    NUM, D = B_table.shape
    n_rows_a = A_table.shape[0]
    assert n_rows_a % 128 == 0 and D % 8 == 0
    pad_b = (-NUM) % 128
    b_padded = jnp.pad(B_table, ((0, pad_b), (0, 0)))
    a_flat = _flat_view(A_table)
    b_flat = _flat_view(b_padded)
    k = _build(B, D, NUM, n_rows_a, NUM + pad_b)
    return k(layerIdx.astype(jnp.int32), aIdx.astype(jnp.int32),
             bIdx.astype(jnp.int32), a_flat, b_flat)

# --- scband reference (transcript-rebuilt; emitter-appended) ---
"""Pipeline reference for scband-matrix-factorization-51762945851917 (READ-ONLY COPY).

The authoritative reference and input builder live on the scoring server;
editing this copy changes nothing except your own understanding.
"""

import jax, jax.numpy as jnp
import numpy as np

NUM = 100000
DIM = 16
NUM_LAYERS = 4
BATCH = 16384

def setup_inputs(seed: int = 0) -> dict:
    key = jax.random.key(seed)
    k1, k2, k3, k4, k5 = jax.random.split(key, 5)
    layerIdx = jax.random.randint(k1, (BATCH,), 0, NUM_LAYERS, dtype=jnp.int64) if jax.config.jax_enable_x64 else jax.random.randint(k1, (BATCH,), 0, NUM_LAYERS).astype(jnp.int32)
    aIdx = jax.random.randint(k2, (BATCH,), 0, NUM).astype(layerIdx.dtype)
    bIdx = jax.random.randint(k3, (BATCH,), 0, NUM).astype(layerIdx.dtype)
    A_table = jax.random.normal(k4, (NUM_LAYERS * NUM, DIM), dtype=jnp.float32)
    B_table = jax.random.normal(k5, (NUM, DIM), dtype=jnp.float32)
    return {"layerIdx": layerIdx, "aIdx": aIdx, "bIdx": bIdx, "A_table": A_table, "B_table": B_table}

def reference(layerIdx, aIdx, bIdx, A_table, B_table):
    a_rows = jnp.take(A_table, layerIdx * NUM + aIdx, axis=0)
    b_rows = jnp.take(B_table, bIdx, axis=0)
    return (a_rows * b_rows).sum(axis=1)

if __name__ == "__main__":
    import jax
    _d = setup_inputs()
    print(jax.jit(kernel)(*tuple(_d.values())))

</pallas_src>

<mosaic_0001>
#map = affine_map<(d0, d1) -> (0)>
module attributes {stable_mosaic.version = 14 : i64} {
  func.func @k(%arg0: i32, %arg1: i32, %arg2: memref<16384xi32, #tpu.memory_space<hbm>>, %arg3: memref<16384xi32, #tpu.memory_space<hbm>>, %arg4: memref<16384xi32, #tpu.memory_space<hbm>>, %arg5: memref<6400000xf32, #tpu.memory_space<hbm>>, %arg6: memref<1601536xf32, #tpu.memory_space<hbm>>, %arg7: memref<16384xf32, #tpu.memory_space<hbm>>, %arg8: memref<512xi32, #tpu.memory_space<vmem>>, %arg9: memref<512xi32, #tpu.memory_space<vmem>>, %arg10: memref<512xi32, #tpu.memory_space<vmem>>, %arg11: memref<2x2048xi32, #tpu.memory_space<vmem>>, %arg12: memref<2x2048xi32, #tpu.memory_space<vmem>>, %arg13: memref<2x2048xf32, #tpu.memory_space<vmem>>, %arg14: memref<2x2048xf32, #tpu.memory_space<vmem>>, %arg15: memref<512xf32, #tpu.memory_space<vmem>>, %arg16: memref<1601536xf32, #tpu.memory_space<vmem_shared>>, %arg17: memref<!tpu.dma_semaphore, #tpu.memory_space<semaphore_mem>>, %arg18: memref<!tpu.dma_semaphore, #tpu.memory_space<semaphore_mem>>, %arg19: memref<!tpu.dma_semaphore, #tpu.memory_space<semaphore_mem>>, %arg20: memref<!tpu.dma_semaphore, #tpu.memory_space<semaphore_mem>>, %arg21: memref<!tpu.dma_semaphore, #tpu.memory_space<semaphore_mem>>) attributes {dimension_semantics = [#tpu.dimension_semantics<core_parallel>, #tpu.dimension_semantics<subcore_parallel>], iteration_bounds = array<i64: 2, 16>, scalar_prefetch = 0 : i64, scratch_operands = 14 : i64, tpu.core_type = #tpu.core_type<sc_vector_subcore>, window_params = [{transform_indices = #map}, {transform_indices = #map}, {transform_indices = #map}, {transform_indices = #map}, {transform_indices = #map}, {transform_indices = #map}]} {
    %mul3A = arith.constant 2 : i32
    %mul3A_0 = arith.muli %arg1, %mul3A : i32
    %add3A = arith.addi %mul3A_0, %arg0 : i32
    %mul3A_1 = arith.constant 512 : i32
    %mul3A_2 = arith.muli %add3A, %mul3A_1 : i32
    %mul3A_3 = arith.constant 100096 : i32
    %mul3A_4 = arith.muli %arg1, %mul3A_3 : i32
    %dma_start3A = tpu.memref_slice %arg16[%mul3A_4] : memref<1601536xf32, #tpu.memory_space<vmem_shared>> -> memref<100096xf32, #tpu.memory_space<vmem_shared>>
    %dma_start3A_5 = tpu.memref_slice %arg6[%mul3A_4] : memref<1601536xf32, #tpu.memory_space<hbm>> -> memref<100096xf32, #tpu.memory_space<hbm>>
    tpu.enqueue_dma source(%dma_start3A_5 : memref<100096xf32, #tpu.memory_space<hbm>>) target(%dma_start3A : memref<100096xf32, #tpu.memory_space<vmem_shared>>) target_semaphore(%arg21 : memref<!tpu.dma_semaphore, #tpu.memory_space<semaphore_mem>>)
    "tpu.region"() ({
      %run_scoped3A = tpu.sem_alloc : memref<!tpu.dma_semaphore, #tpu.memory_space<semaphore_mem>>
      %dma_start3A_222 = tpu.memref_slice %arg2[%mul3A_2] : memref<16384xi32, #tpu.memory_space<hbm>> -> memref<512xi32, #tpu.memory_space<hbm>>
      %dma_start3A_223 = tpu.memref_slice %arg2[%mul3A_2] : memref<16384xi32, #tpu.memory_space<hbm>> -> memref<512xi32, #tpu.memory_space<hbm>>
      tpu.enqueue_dma source(%dma_start3A_223 : memref<512xi32, #tpu.memory_space<hbm>>) target(%arg8 : memref<512xi32, #tpu.memory_space<vmem>>) target_semaphore(%run_scoped3A : memref<!tpu.dma_semaphore, #tpu.memory_space<semaphore_mem>>)
      %dma_wait3A_224 = tpu.memref_slice %arg2[%mul3A_2] : memref<16384xi32, #tpu.memory_space<hbm>> -> memref<512xi32, #tpu.memory_space<hbm>>
      %dma_wait3A_225 = tpu.memref_slice %arg2[%mul3A_2] : memref<16384xi32, #tpu.memory_space<hbm>> -> memref<512xi32, #tpu.memory_space<hbm>>
      tpu.wait_dma2 semaphore(%run_scoped3A : memref<!tpu.dma_semaphore, #tpu.memory_space<semaphore_mem>>) src(%dma_wait3A_225 : memref<512xi32, #tpu.memory_space<hbm>>) dst(%arg8 : memref<512xi32, #tpu.memory_space<vmem>>)
      tpu.yield
    }) : () -> ()
    "tpu.region"() ({
      %run_scoped3A = tpu.sem_alloc : memref<!tpu.dma_semaphore, #tpu.memory_space<semaphore_mem>>
      %dma_start3A_222 = tpu.memref_slice %arg3[%mul3A_2] : memref<16384xi32, #tpu.memory_space<hbm>> -> memref<512xi32, #tpu.memory_space<hbm>>
      %dma_start3A_223 = tpu.memref_slice %arg3[%mul3A_2] : memref<16384xi32, #tpu.memory_space<hbm>> -> memref<512xi32, #tpu.memory_space<hbm>>
      tpu.enqueue_dma source(%dma_start3A_223 : memref<512xi32, #tpu.memory_space<hbm>>) target(%arg9 : memref<512xi32, #tpu.memory_space<vmem>>) target_semaphore(%run_scoped3A : memref<!tpu.dma_semaphore, #tpu.memory_space<semaphore_mem>>)
      %dma_wait3A_224 = tpu.memref_slice %arg3[%mul3A_2] : memref<16384xi32, #tpu.memory_space<hbm>> -> memref<512xi32, #tpu.memory_space<hbm>>
      %dma_wait3A_225 = tpu.memref_slice %arg3[%mul3A_2] : memref<16384xi32, #tpu.memory_space<hbm>> -> memref<512xi32, #tpu.memory_space<hbm>>
      tpu.wait_dma2 semaphore(%run_scoped3A : memref<!tpu.dma_semaphore, #tpu.memory_space<semaphore_mem>>) src(%dma_wait3A_225 : memref<512xi32, #tpu.memory_space<hbm>>) dst(%arg9 : memref<512xi32, #tpu.memory_space<vmem>>)
      tpu.yield
    }) : () -> ()
    "tpu.region"() ({
      %run_scoped3A = tpu.sem_alloc : memref<!tpu.dma_semaphore, #tpu.memory_space<semaphore_mem>>
      %dma_start3A_222 = tpu.memref_slice %arg4[%mul3A_2] : memref<16384xi32, #tpu.memory_space<hbm>> -> memref<512xi32, #tpu.memory_space<hbm>>
      %dma_start3A_223 = tpu.memref_slice %arg4[%mul3A_2] : memref<16384xi32, #tpu.memory_space<hbm>> -> memref<512xi32, #tpu.memory_space<hbm>>
      tpu.enqueue_dma source(%dma_start3A_223 : memref<512xi32, #tpu.memory_space<hbm>>) target(%arg10 : memref<512xi32, #tpu.memory_space<vmem>>) target_semaphore(%run_scoped3A : memref<!tpu.dma_semaphore, #tpu.memory_space<semaphore_mem>>)
      %dma_wait3A_224 = tpu.memref_slice %arg4[%mul3A_2] : memref<16384xi32, #tpu.memory_space<hbm>> -> memref<512xi32, #tpu.memory_space<hbm>>
      %dma_wait3A_225 = tpu.memref_slice %arg4[%mul3A_2] : memref<16384xi32, #tpu.memory_space<hbm>> -> memref<512xi32, #tpu.memory_space<hbm>>
      tpu.wait_dma2 semaphore(%run_scoped3A : memref<!tpu.dma_semaphore, #tpu.memory_space<semaphore_mem>>) src(%dma_wait3A_225 : memref<512xi32, #tpu.memory_space<hbm>>) dst(%arg10 : memref<512xi32, #tpu.memory_space<vmem>>)
      tpu.yield
    }) : () -> ()
    %scan3A = arith.constant 0 : i32
    %scan3A_6 = arith.constant 0 : i32
    %scan3A_7 = arith.constant 8 : i32
    %scan3A_8 = arith.addi %scan3A_6, %scan3A_7 : i32
    %scan3A_9 = arith.constant 1 : i32
    %scan3A_10 = scf.for %scan3A_222 = %scan3A_6 to %scan3A_8 step %scan3A_9 iter_args(%scan3A_223 = %scan3A) -> (i32)  : i32 {
      %mul3A_224 = arith.constant 16 : i32
      %mul3A_225 = arith.muli %scan3A_222, %mul3A_224 : i32
      %sub3A = arith.constant 0 : i32
      %sub3A_226 = arith.subi %mul3A_225, %sub3A : i32
      %get3A = arith.index_cast %mul3A_225 : i32 to index
      %get3A_227 = tpu.vector_load %arg8[%get3A] {strides = array<i32>} : memref<512xi32, #tpu.memory_space<vmem>>, vector<16xi32>,
      %mul3A_228 = arith.constant 100000 : i32
      %mul3A_229 = vector.broadcast %mul3A_228 : i32 to vector<16xi32>
      %mul3A_230 = arith.muli %get3A_227, %mul3A_229 : vector<16xi32>
      %get3A_231 = arith.index_cast %mul3A_225 : i32 to index
      %get3A_232 = tpu.vector_load %arg9[%get3A_231] {strides = array<i32>} : memref<512xi32, #tpu.memory_space<vmem>>, vector<16xi32>,
      %add3A_233 = arith.addi %mul3A_230, %get3A_232 : vector<16xi32>
      %get3A_234 = arith.index_cast %mul3A_225 : i32 to index
      %get3A_235 = tpu.vector_load %arg10[%get3A_234] {strides = array<i32>} : memref<512xi32, #tpu.memory_space<vmem>>, vector<16xi32>,
      %shift_right_arithmetic3A = arith.constant 7 : i32
      %shift_right_arithmetic3A_236 = vector.broadcast %shift_right_arithmetic3A : i32 to vector<16xi32>
      %shift_right_arithmetic3A_237 = arith.shrsi %add3A_233, %shift_right_arithmetic3A_236 : vector<16xi32>
      %shift_left3A = arith.constant 10 : i32
      %shift_left3A_238 = vector.broadcast %shift_left3A : i32 to vector<16xi32>
      %shift_left3A_239 = arith.shli %shift_right_arithmetic3A_237, %shift_left3A_238 : vector<16xi32>
      %and3A = arith.constant 127 : i32
      %and3A_240 = vector.broadcast %and3A : i32 to vector<16xi32>
      %and3A_241 = arith.andi %add3A_233, %and3A_240 : vector<16xi32>
      %add3A_242 = arith.addi %shift_left3A_239, %and3A_241 : vector<16xi32>
      %shift_right_arithmetic3A_243 = arith.constant 7 : i32
      %shift_right_arithmetic3A_244 = vector.broadcast %shift_right_arithmetic3A_243 : i32 to vector<16xi32>
      %shift_right_arithmetic3A_245 = arith.shrsi %get3A_235, %shift_right_arithmetic3A_244 : vector<16xi32>
      %shift_left3A_246 = arith.constant 10 : i32
      %shift_left3A_247 = vector.broadcast %shift_left3A_246 : i32 to vector<16xi32>
      %shift_left3A_248 = arith.shli %shift_right_arithmetic3A_245, %shift_left3A_247 : vector<16xi32>
      %and3A_249 = arith.constant 127 : i32
      %and3A_250 = vector.broadcast %and3A_249 : i32 to vector<16xi32>
      %and3A_251 = arith.andi %get3A_235, %and3A_250 : vector<16xi32>
      %add3A_252 = arith.addi %shift_left3A_248, %and3A_251 : vector<16xi32>
      %add3A_253 = arith.constant 0 : i32
      %add3A_254 = vector.broadcast %add3A_253 : i32 to vector<16xi32>
      %add3A_255 = arith.addi %add3A_242, %add3A_254 : vector<16xi32>
      %add3A_256 = arith.constant 0 : i32
      %add3A_257 = arith.addi %add3A_256, %sub3A_226 : i32
      %swap3A = arith.constant 0 : i32
      %swap3A_258 = arith.index_cast %swap3A : i32 to index
      %swap3A_259 = arith.index_cast %add3A_257 : i32 to index
      %swap3A_260 = tpu.vector_load %arg11[%swap3A_258, %swap3A_259] {strides = array<i32>} : memref<2x2048xi32, #tpu.memory_space<vmem>>, vector<16xi32>,
      tpu.vector_store %arg11[%swap3A_258, %swap3A_259], %add3A_255 {strides = array<i32>} : memref<2x2048xi32, #tpu.memory_space<vmem>>, vector<16xi32>,
      %add3A_261 = arith.constant 0 : i32
      %add3A_262 = vector.broadcast %add3A_261 : i32 to vector<16xi32>
      %add3A_263 = arith.addi %add3A_252, %add3A_262 : vector<16xi32>
      %add3A_264 = arith.constant 0 : i32
      %add3A_265 = arith.addi %add3A_264, %sub3A_226 : i32
      %swap3A_266 = arith.constant 0 : i32
      %swap3A_267 = arith.index_cast %swap3A_266 : i32 to index
      %swap3A_268 = arith.index_cast %add3A_265 : i32 to index
      %swap3A_269 = tpu.vector_load %arg12[%swap3A_267, %swap3A_268] {strides = array<i32>} : memref<2x2048xi32, #tpu.memory_space<vmem>>, vector<16xi32>,
      tpu.vector_store %arg12[%swap3A_267, %swap3A_268], %add3A_263 {strides = array<i32>} : memref<2x2048xi32, #tpu.memory_space<vmem>>, vector<16xi32>,
      %add3A_270 = arith.constant 128 : i32
      %add3A_271 = vector.broadcast %add3A_270 : i32 to vector<16xi32>
      %add3A_272 = arith.addi %add3A_242, %add3A_271 : vector<16xi32>
      %add3A_273 = arith.constant 128 : i32
      %add3A_274 = arith.addi %add3A_273, %sub3A_226 : i32
      %swap3A_275 = arith.constant 0 : i32
      %swap3A_276 = arith.index_cast %swap3A_275 : i32 to index
      %swap3A_277 = arith.index_cast %add3A_274 : i32 to index
      %swap3A_278 = tpu.vector_load %arg11[%swap3A_276, %swap3A_277] {strides = array<i32>} : memref<2x2048xi32, #tpu.memory_space<vmem>>, vector<16xi32>,
      tpu.vector_store %arg11[%swap3A_276, %swap3A_277], %add3A_272 {strides = array<i32>} : memref<2x2048xi32, #tpu.memory_space<vmem>>, vector<16xi32>,
      %add3A_279 = arith.constant 128 : i32
      %add3A_280 = vector.broadcast %add3A_279 : i32 to vector<16xi32>
      %add3A_281 = arith.addi %add3A_252, %add3A_280 : vector<16xi32>
      %add3A_282 = arith.constant 128 : i32
      %add3A_283 = arith.addi %add3A_282, %sub3A_226 : i32
      %swap3A_284 = arith.constant 0 : i32
      %swap3A_285 = arith.index_cast %swap3A_284 : i32 to index
      %swap3A_286 = arith.index_cast %add3A_283 : i32 to index
      %swap3A_287 = tpu.vector_load %arg12[%swap3A_285, %swap3A_286] {strides = array<i32>} : memref<2x2048xi32, #tpu.memory_space<vmem>>, vector<16xi32>,
      tpu.vector_store %arg12[%swap3A_285, %swap3A_286], %add3A_281 {strides = array<i32>} : memref<2x2048xi32, #tpu.memory_space<vmem>>, vector<16xi32>,
      %add3A_288 = arith.constant 256 : i32
      %add3A_289 = vector.broadcast %add3A_288 : i32 to vector<16xi32>
      %add3A_290 = arith.addi %add3A_242, %add3A_289 : vector<16xi32>
      %add3A_291 = arith.constant 256 : i32
      %add3A_292 = arith.addi %add3A_291, %sub3A_226 : i32
      %swap3A_293 = arith.constant 0 : i32
      %swap3A_294 = arith.index_cast %swap3A_293 : i32 to index
      %swap3A_295 = arith.index_cast %add3A_292 : i32 to index
      %swap3A_296 = tpu.vector_load %arg11[%swap3A_294, %swap3A_295] {strides = array<i32>} : memref<2x2048xi32, #tpu.memory_space<vmem>>, vector<16xi32>,
      tpu.vector_store %arg11[%swap3A_294, %swap3A_295], %add3A_290 {strides = array<i32>} : memref<2x2048xi32, #tpu.memory_space<vmem>>, vector<16xi32>,
      %add3A_297 = arith.constant 256 : i32
      %add3A_298 = vector.broadcast %add3A_297 : i32 to vector<16xi32>
      %add3A_299 = arith.addi %add3A_252, %add3A_298 : vector<16xi32>
      %add3A_300 = arith.constant 256 : i32
      %add3A_301 = arith.addi %add3A_300, %sub3A_226 : i32
      %swap3A_302 = arith.constant 0 : i32
      %swap3A_303 = arith.index_cast %swap3A_302 : i32 to index
      %swap3A_304 = arith.index_cast %add3A_301 : i32 to index
      %swap3A_305 = tpu.vector_load %arg12[%swap3A_303, %swap3A_304] {strides = array<i32>} : memref<2x2048xi32, #tpu.memory_space<vmem>>, vector<16xi32>,
      tpu.vector_store %arg12[%swap3A_303, %swap3A_304], %add3A_299 {strides = array<i32>} : memref<2x2048xi32, #tpu.memory_space<vmem>>, vector<16xi32>,
      %add3A_306 = arith.constant 384 : i32
      %add3A_307 = vector.broadcast %add3A_306 : i32 to vector<16xi32>
      %add3A_308 = arith.addi %add3A_242, %add3A_307 : vector<16xi32>
      %add3A_309 = arith.constant 384 : i32
      %add3A_310 = arith.addi %add3A_309, %sub3A_226 : i32
      %swap3A_311 = arith.constant 0 : i32
      %swap3A_312 = arith.index_cast %swap3A_311 : i32 to index
      %swap3A_313 = arith.index_cast %add3A_310 : i32 to index
      %swap3A_314 = tpu.vector_load %arg11[%swap3A_312, %swap3A_313] {strides = array<i32>} : memref<2x2048xi32, #tpu.memory_space<vmem>>, vector<16xi32>,
      tpu.vector_store %arg11[%swap3A_312, %swap3A_313], %add3A_308 {strides = array<i32>} : memref<2x2048xi32, #tpu.memory_space<vmem>>, vector<16xi32>,
      %add3A_315 = arith.constant 384 : i32
      %add3A_316 = vector.broadcast %add3A_315 : i32 to vector<16xi32>
      %add3A_317 = arith.addi %add3A_252, %add3A_316 : vector<16xi32>
      %add3A_318 = arith.constant 384 : i32
      %add3A_319 = arith.addi %add3A_318, %sub3A_226 : i32
      %swap3A_320 = arith.constant 0 : i32
      %swap3A_321 = arith.index_cast %swap3A_320 : i32 to index
      %swap3A_322 = arith.index_cast %add3A_319 : i32 to index
      %swap3A_323 = tpu.vector_load %arg12[%swap3A_321, %swap3A_322] {strides = array<i32>} : memref<2x2048xi32, #tpu.memory_space<vmem>>, vector<16xi32>,
      tpu.vector_store %arg12[%swap3A_321, %swap3A_322], %add3A_317 {strides = array<i32>} : memref<2x2048xi32, #tpu.memory_space<vmem>>, vector<16xi32>,
      %add3A_324 = arith.constant 512 : i32
      %add3A_325 = vector.broadcast %add3A_324 : i32 to vector<16xi32>
      %add3A_326 = arith.addi %add3A_242, %add3A_325 : vector<16xi32>
      %add3A_327 = arith.constant 512 : i32
      %add3A_328 = arith.addi %add3A_327, %sub3A_226 : i32
      %swap3A_329 = arith.constant 0 : i32
      %swap3A_330 = arith.index_cast %swap3A_329 : i32 to index
      %swap3A_331 = arith.index_cast %add3A_328 : i32 to index
      %swap3A_332 = tpu.vector_load %arg11[%swap3A_330, %swap3A_331] {strides = array<i32>} : memref<2x2048xi32, #tpu.memory_space<vmem>>, vector<16xi32>,
      tpu.vector_store %arg11[%swap3A_330, %swap3A_331], %add3A_326 {strides = array<i32>} : memref<2x2048xi32, #tpu.memory_space<vmem>>, vector<16xi32>,
      %add3A_333 = arith.constant 512 : i32
      %add3A_334 = vector.broadcast %add3A_333 : i32 to vector<16xi32>
      %add3A_335 = arith.addi %add3A_252, %add3A_334 : vector<16xi32>
      %add3A_336 = arith.constant 512 : i32
      %add3A_337 = arith.addi %add3A_336, %sub3A_226 : i32
      %swap3A_338 = arith.constant 0 : i32
      %swap3A_339 = arith.index_cast %swap3A_338 : i32 to index
      %swap3A_340 = arith.index_cast %add3A_337 : i32 to index
      %swap3A_341 = tpu.vector_load %arg12[%swap3A_339, %swap3A_340] {strides = array<i32>} : memref<2x2048xi32, #tpu.memory_space<vmem>>, vector<16xi32>,
      tpu.vector_store %arg12[%swap3A_339, %swap3A_340], %add3A_335 {strides = array<i32>} : memref<2x2048xi32, #tpu.memory_space<vmem>>, vector<16xi32>,
      %add3A_342 = arith.constant 640 : i32
      %add3A_343 = vector.broadcast %add3A_342 : i32 to vector<16xi32>
      %add3A_344 = arith.addi %add3A_242, %add3A_343 : vector<16xi32>
      %add3A_345 = arith.constant 640 : i32
      %add3A_346 = arith.addi %add3A_345, %sub3A_226 : i32
      %swap3A_347 = arith.constant 0 : i32
      %swap3A_348 = arith.index_cast %swap3A_347 : i32 to index
      %swap3A_349 = arith.index_cast %add3A_346 : i32 to index
      %swap3A_350 = tpu.vector_load %arg11[%swap3A_348, %swap3A_349] {strides = array<i32>} : memref<2x2048xi32, #tpu.memory_space<vmem>>, vector<16xi32>,
      tpu.vector_store %arg11[%swap3A_348, %swap3A_349], %add3A_344 {strides = array<i32>} : memref<2x2048xi32, #tpu.memory_space<vmem>>, vector<16xi32>,
      %add3A_351 = arith.constant 640 : i32
      %add3A_352 = vector.broadcast %add3A_351 : i32 to vector<16xi32>
      %add3A_353 = arith.addi %add3A_252, %add3A_352 : vector<16xi32>
      %add3A_354 = arith.constant 640 : i32
      %add3A_355 = arith.addi %add3A_354, %sub3A_226 : i32
      %swap3A_356 = arith.constant 0 : i32
      %swap3A_357 = arith.index_cast %swap3A_356 : i32 to index
      %swap3A_358 = arith.index_cast %add3A_355 : i32 to index
      %swap3A_359 = tpu.vector_load %arg12[%swap3A_357, %swap3A_358] {strides = array<i32>} : memref<2x2048xi32, #tpu.memory_space<vmem>>, vector<16xi32>,
      tpu.vector_store %arg12[%swap3A_357, %swap3A_358], %add3A_353 {strides = array<i32>} : memref<2x2048xi32, #tpu.memory_space<vmem>>, vector<16xi32>,
      %add3A_360 = arith.constant 768 : i32
      %add3A_361 = vector.broadcast %add3A_360 : i32 to vector<16xi32>
      %add3A_362 = arith.addi %add3A_242, %add3A_361 : vector<16xi32>
      %add3A_363 = arith.constant 768 : i32
      %add3A_364 = arith.addi %add3A_363, %sub3A_226 : i32
      %swap3A_365 = arith.constant 0 : i32
      %swap3A_366 = arith.index_cast %swap3A_365 : i32 to index
      %swap3A_367 = arith.index_cast %add3A_364 : i32 to index
      %swap3A_368 = tpu.vector_load %arg11[%swap3A_366, %swap3A_367] {strides = array<i32>} : memref<2x2048xi32, #tpu.memory_space<vmem>>, vector<16xi32>,
      tpu.vector_store %arg11[%swap3A_366, %swap3A_367], %add3A_362 {strides = array<i32>} : memref<2x2048xi32, #tpu.memory_space<vmem>>, vector<16xi32>,
      %add3A_369 = arith.constant 768 : i32
      %add3A_370 = vector.broadcast %add3A_369 : i32 to vector<16xi32>
      %add3A_371 = arith.addi %add3A_252, %add3A_370 : vector<16xi32>
      %add3A_372 = arith.constant 768 : i32
      %add3A_373 = arith.addi %add3A_372, %sub3A_226 : i32
      %swap3A_374 = arith.constant 0 : i32
      %swap3A_375 = arith.index_cast %swap3A_374 : i32 to index
      %swap3A_376 = arith.index_cast %add3A_373 : i32 to index
      %swap3A_377 = tpu.vector_load %arg12[%swap3A_375, %swap3A_376] {strides = array<i32>} : memref<2x2048xi32, #tpu.memory_space<vmem>>, vector<16xi32>,
      tpu.vector_store %arg12[%swap3A_375, %swap3A_376], %add3A_371 {strides = array<i32>} : memref<2x2048xi32, #tpu.memory_space<vmem>>, vector<16xi32>,
      %add3A_378 = arith.constant 896 : i32
      %add3A_379 = vector.broadcast %add3A_378 : i32 to vector<16xi32>
      %add3A_380 = arith.addi %add3A_242, %add3A_379 : vector<16xi32>
      %add3A_381 = arith.constant 896 : i32
      %add3A_382 = arith.addi %add3A_381, %sub3A_226 : i32
      %swap3A_383 = arith.constant 0 : i32
      %swap3A_384 = arith.index_cast %swap3A_383 : i32 to index
      %swap3A_385 = arith.index_cast %add3A_382 : i32 to index
      %swap3A_386 = tpu.vector_load %arg11[%swap3A_384, %swap3A_385] {strides = array<i32>} : memref<2x2048xi32, #tpu.memory_space<vmem>>, vector<16xi32>,
      tpu.vector_store %arg11[%swap3A_384, %swap3A_385], %add3A_380 {strides = array<i32>} : memref<2x2048xi32, #tpu.memory_space<vmem>>, vector<16xi32>,
      %add3A_387 = arith.constant 896 : i32
      %add3A_388 = vector.broadcast %add3A_387 : i32 to vector<16xi32>
      %add3A_389 = arith.addi %add3A_252, %add3A_388 : vector<16xi32>
      %add3A_390 = arith.constant 896 : i32
      %add3A_391 = arith.addi %add3A_390, %sub3A_226 : i32
      %swap3A_392 = arith.constant 0 : i32
      %swap3A_393 = arith.index_cast %swap3A_392 : i32 to index
      %swap3A_394 = arith.index_cast %add3A_391 : i32 to index
      %swap3A_395 = tpu.vector_load %arg12[%swap3A_393, %swap3A_394] {strides = array<i32>} : memref<2x2048xi32, #tpu.memory_space<vmem>>, vector<16xi32>,
      tpu.vector_store %arg12[%swap3A_393, %swap3A_394], %add3A_389 {strides = array<i32>} : memref<2x2048xi32, #tpu.memory_space<vmem>>, vector<16xi32>,
      %add3A_396 = arith.constant 3200000 : i32
      %add3A_397 = vector.broadcast %add3A_396 : i32 to vector<16xi32>
      %add3A_398 = arith.addi %add3A_242, %add3A_397 : vector<16xi32>
      %add3A_399 = arith.constant 1024 : i32
      %add3A_400 = arith.addi %add3A_399, %sub3A_226 : i32
      %swap3A_401 = arith.constant 0 : i32
      %swap3A_402 = arith.index_cast %swap3A_401 : i32 to index
      %swap3A_403 = arith.index_cast %add3A_400 : i32 to index
      %swap3A_404 = tpu.vector_load %arg11[%swap3A_402, %swap3A_403] {strides = array<i32>} : memref<2x2048xi32, #tpu.memory_space<vmem>>, vector<16xi32>,
      tpu.vector_store %arg11[%swap3A_402, %swap3A_403], %add3A_398 {strides = array<i32>} : memref<2x2048xi32, #tpu.memory_space<vmem>>, vector<16xi32>,
      %add3A_405 = arith.constant 800768 : i32
      %add3A_406 = vector.broadcast %add3A_405 : i32 to vector<16xi32>
      %add3A_407 = arith.addi %add3A_252, %add3A_406 : vector<16xi32>
      %add3A_408 = arith.constant 1024 : i32
      %add3A_409 = arith.addi %add3A_408, %sub3A_226 : i32
      %swap3A_410 = arith.constant 0 : i32
      %swap3A_411 = arith.index_cast %swap3A_410 : i32 to index
      %swap3A_412 = arith.index_cast %add3A_409 : i32 to index
      %swap3A_413 = tpu.vector_load %arg12[%swap3A_411, %swap3A_412] {strides = array<i32>} : memref<2x2048xi32, #tpu.memory_space<vmem>>, vector<16xi32>,
      tpu.vector_store %arg12[%swap3A_411, %swap3A_412], %add3A_407 {strides = array<i32>} : memref<2x2048xi32, #tpu.memory_space<vmem>>, vector<16xi32>,
      %add3A_414 = arith.constant 3200128 : i32
      %add3A_415 = vector.broadcast %add3A_414 : i32 to vector<16xi32>
      %add3A_416 = arith.addi %add3A_242, %add3A_415 : vector<16xi32>
      %add3A_417 = arith.constant 1152 : i32
      %add3A_418 = arith.addi %add3A_417, %sub3A_226 : i32
      %swap3A_419 = arith.constant 0 : i32
      %swap3A_420 = arith.index_cast %swap3A_419 : i32 to index
      %swap3A_421 = arith.index_cast %add3A_418 : i32 to index
      %swap3A_422 = tpu.vector_load %arg11[%swap3A_420, %swap3A_421] {strides = array<i32>} : memref<2x2048xi32, #tpu.memory_space<vmem>>, vector<16xi32>,
      tpu.vector_store %arg11[%swap3A_420, %swap3A_421], %add3A_416 {strides = array<i32>} : memref<2x2048xi32, #tpu.memory_space<vmem>>, vector<16xi32>,
      %add3A_423 = arith.constant 800896 : i32
      %add3A_424 = vector.broadcast %add3A_423 : i32 to vector<16xi32>
      %add3A_425 = arith.addi %add3A_252, %add3A_424 : vector<16xi32>
      %add3A_426 = arith.constant 1152 : i32
      %add3A_427 = arith.addi %add3A_426, %sub3A_226 : i32
      %swap3A_428 = arith.constant 0 : i32
      %swap3A_429 = arith.index_cast %swap3A_428 : i32 to index
      %swap3A_430 = arith.index_cast %add3A_427 : i32 to index
      %swap3A_431 = tpu.vector_load %arg12[%swap3A_429, %swap3A_430] {strides = array<i32>} : memref<2x2048xi32, #tpu.memory_space<vmem>>, vector<16xi32>,
      tpu.vector_store %arg12[%swap3A_429, %swap3A_430], %add3A_425 {strides = array<i32>} : memref<2x2048xi32, #tpu.memory_space<vmem>>, vector<16xi32>,
      %add3A_432 = arith.constant 3200256 : i32
      %add3A_433 = vector.broadcast %add3A_432 : i32 to vector<16xi32>
      %add3A_434 = arith.addi %add3A_242, %add3A_433 : vector<16xi32>
      %add3A_435 = arith.constant 1280 : i32
      %add3A_436 = arith.addi %add3A_435, %sub3A_226 : i32
      %swap3A_437 = arith.constant 0 : i32
      %swap3A_438 = arith.index_cast %swap3A_437 : i32 to index
      %swap3A_439 = arith.index_cast %add3A_436 : i32 to index
      %swap3A_440 = tpu.vector_load %arg11[%swap3A_438, %swap3A_439] {strides = array<i32>} : memref<2x2048xi32, #tpu.memory_space<vmem>>, vector<16xi32>,
      tpu.vector_store %arg11[%swap3A_438, %swap3A_439], %add3A_434 {strides = array<i32>} : memref<2x2048xi32, #tpu.memory_space<vmem>>, vector<16xi32>,
      %add3A_441 = arith.constant 801024 : i32
      %add3A_442 = vector.broadcast %add3A_441 : i32 to vector<16xi32>
      %add3A_443 = arith.addi %add3A_252, %add3A_442 : vector<16xi32>
      %add3A_444 = arith.constant 1280 : i32
      %add3A_445 = arith.addi %add3A_444, %sub3A_226 : i32
      %swap3A_446 = arith.constant 0 : i32
      %swap3A_447 = arith.index_cast %swap3A_446 : i32 to index
      %swap3A_448 = arith.index_cast %add3A_445 : i32 to index
      %swap3A_449 = tpu.vector_load %arg12[%swap3A_447, %swap3A_448] {strides = array<i32>} : memref<2x2048xi32, #tpu.memory_space<vmem>>, vector<16xi32>,
      tpu.vector_store %arg12[%swap3A_447, %swap3A_448], %add3A_443 {strides = array<i32>} : memref<2x2048xi32, #tpu.memory_space<vmem>>, vector<16xi32>,
      %add3A_450 = arith.constant 3200384 : i32
      %add3A_451 = vector.broadcast %add3A_450 : i32 to vector<16xi32>
      %add3A_452 = arith.addi %add3A_242, %add3A_451 : vector<16xi32>
      %add3A_453 = arith.constant 1408 : i32
      %add3A_454 = arith.addi %add3A_453, %sub3A_226 : i32
      %swap3A_455 = arith.constant 0 : i32
      %swap3A_456 = arith.index_cast %swap3A_455 : i32 to index
      %swap3A_457 = arith.index_cast %add3A_454 : i32 to index
      %swap3A_458 = tpu.vector_load %arg11[%swap3A_456, %swap3A_457] {strides = array<i32>} : memref<2x2048xi32, #tpu.memory_space<vmem>>, vector<16xi32>,
      tpu.vector_store %arg11[%swap3A_456, %swap3A_457], %add3A_452 {strides = array<i32>} : memref<2x2048xi32, #tpu.memory_space<vmem>>, vector<16xi32>,
      %add3A_459 = arith.constant 801152 : i32
      %add3A_460 = vector.broadcast %add3A_459 : i32 to vector<16xi32>
      %add3A_461 = arith.addi %add3A_252, %add3A_460 : vector<16xi32>
      %add3A_462 = arith.constant 1408 : i32
      %add3A_463 = arith.addi %add3A_462, %sub3A_226 : i32
      %swap3A_464 = arith.constant 0 : i32
      %swap3A_465 = arith.index_cast %swap3A_464 : i32 to index
      %swap3A_466 = arith.index_cast %add3A_463 : i32 to index
      %swap3A_467 = tpu.vector_load %arg12[%swap3A_465, %swap3A_466] {strides = array<i32>} : memref<2x2048xi32, #tpu.memory_space<vmem>>, vector<16xi32>,
      tpu.vector_store %arg12[%swap3A_465, %swap3A_466], %add3A_461 {strides = array<i32>} : memref<2x2048xi32, #tpu.memory_space<vmem>>, vector<16xi32>,
      %add3A_468 = arith.constant 3200512 : i32
      %add3A_469 = vector.broadcast %add3A_468 : i32 to vector<16xi32>
      %add3A_470 = arith.addi %add3A_242, %add3A_469 : vector<16xi32>
      %add3A_471 = arith.constant 1536 : i32
      %add3A_472 = arith.addi %add3A_471, %sub3A_226 : i32
      %swap3A_473 = arith.constant 0 : i32
      %swap3A_474 = arith.index_cast %swap3A_473 : i32 to index
      %swap3A_475 = arith.index_cast %add3A_472 : i32 to index
      %swap3A_476 = tpu.vector_load %arg11[%swap3A_474, %swap3A_475] {strides = array<i32>} : memref<2x2048xi32, #tpu.memory_space<vmem>>, vector<16xi32>,
      tpu.vector_store %arg11[%swap3A_474, %swap3A_475], %add3A_470 {strides = array<i32>} : memref<2x2048xi32, #tpu.memory_space<vmem>>, vector<16xi32>,
      %add3A_477 = arith.constant 801280 : i32
      %add3A_478 = vector.broadcast %add3A_477 : i32 to vector<16xi32>
      %add3A_479 = arith.addi %add3A_252, %add3A_478 : vector<16xi32>
      %add3A_480 = arith.constant 1536 : i32
      %add3A_481 = arith.addi %add3A_480, %sub3A_226 : i32
      %swap3A_482 = arith.constant 0 : i32
      %swap3A_483 = arith.index_cast %swap3A_482 : i32 to index
      %swap3A_484 = arith.index_cast %add3A_481 : i32 to index
      %swap3A_485 = tpu.vector_load %arg12[%swap3A_483, %swap3A_484] {strides = array<i32>} : memref<2x2048xi32, #tpu.memory_space<vmem>>, vector<16xi32>,
      tpu.vector_store %arg12[%swap3A_483, %swap3A_484], %add3A_479 {strides = array<i32>} : memref<2x2048xi32, #tpu.memory_space<vmem>>, vector<16xi32>,
      %add3A_486 = arith.constant 3200640 : i32
      %add3A_487 = vector.broadcast %add3A_486 : i32 to vector<16xi32>
      %add3A_488 = arith.addi %add3A_242, %add3A_487 : vector<16xi32>
      %add3A_489 = arith.constant 1664 : i32
      %add3A_490 = arith.addi %add3A_489, %sub3A_226 : i32
      %swap3A_491 = arith.constant 0 : i32
      %swap3A_492 = arith.index_cast %swap3A_491 : i32 to index
      %swap3A_493 = arith.index_cast %add3A_490 : i32 to index
      %swap3A_494 = tpu.vector_load %arg11[%swap3A_492, %swap3A_493] {strides = array<i32>} : memref<2x2048xi32, #tpu.memory_space<vmem>>, vector<16xi32>,
      tpu.vector_store %arg11[%swap3A_492, %swap3A_493], %add3A_488 {strides = array<i32>} : memref<2x2048xi32, #tpu.memory_space<vmem>>, vector<16xi32>,
      %add3A_495 = arith.constant 801408 : i32
      %add3A_496 = vector.broadcast %add3A_495 : i32 to vector<16xi32>
      %add3A_497 = arith.addi %add3A_252, %add3A_496 : vector<16xi32>
      %add3A_498 = arith.constant 1664 : i32
      %add3A_499 = arith.addi %add3A_498, %sub3A_226 : i32
      %swap3A_500 = arith.constant 0 : i32
      %swap3A_501 = arith.index_cast %swap3A_500 : i32 to index
      %swap3A_502 = arith.index_cast %add3A_499 : i32 to index
      %swap3A_503 = tpu.vector_load %arg12[%swap3A_501, %swap3A_502] {strides = array<i32>} : memref<2x2048xi32, #tpu.memory_space<vmem>>, vector<16xi32>,
      tpu.vector_store %arg12[%swap3A_501, %swap3A_502], %add3A_497 {strides = array<i32>} : memref<2x2048xi32, #tpu.memory_space<vmem>>, vector<16xi32>,
      %add3A_504 = arith.constant 3200768 : i32
      %add3A_505 = vector.broadcast %add3A_504 : i32 to vector<16xi32>
      %add3A_506 = arith.addi %add3A_242, %add3A_505 : vector<16xi32>
      %add3A_507 = arith.constant 1792 : i32
      %add3A_508 = arith.addi %add3A_507, %sub3A_226 : i32
      %swap3A_509 = arith.constant 0 : i32
      %swap3A_510 = arith.index_cast %swap3A_509 : i32 to index
      %swap3A_511 = arith.index_cast %add3A_508 : i32 to index
      %swap3A_512 = tpu.vector_load %arg11[%swap3A_510, %swap3A_511] {strides = array<i32>} : memref<2x2048xi32, #tpu.memory_space<vmem>>, vector<16xi32>,
      tpu.vector_store %arg11[%swap3A_510, %swap3A_511], %add3A_506 {strides = array<i32>} : memref<2x2048xi32, #tpu.memory_space<vmem>>, vector<16xi32>,
      %add3A_513 = arith.constant 801536 : i32
      %add3A_514 = vector.broadcast %add3A_513 : i32 to vector<16xi32>
      %add3A_515 = arith.addi %add3A_252, %add3A_514 : vector<16xi32>
      %add3A_516 = arith.constant 1792 : i32
      %add3A_517 = arith.addi %add3A_516, %sub3A_226 : i32
      %swap3A_518 = arith.constant 0 : i32
      %swap3A_519 = arith.index_cast %swap3A_518 : i32 to index
      %swap3A_520 = arith.index_cast %add3A_517 : i32 to index
      %swap3A_521 = tpu.vector_load %arg12[%swap3A_519, %swap3A_520] {strides = array<i32>} : memref<2x2048xi32, #tpu.memory_space<vmem>>, vector<16xi32>,
      tpu.vector_store %arg12[%swap3A_519, %swap3A_520], %add3A_515 {strides = array<i32>} : memref<2x2048xi32, #tpu.memory_space<vmem>>, vector<16xi32>,
      %add3A_522 = arith.constant 3200896 : i32
      %add3A_523 = vector.broadcast %add3A_522 : i32 to vector<16xi32>
      %add3A_524 = arith.addi %add3A_242, %add3A_523 : vector<16xi32>
      %add3A_525 = arith.constant 1920 : i32
      %add3A_526 = arith.addi %add3A_525, %sub3A_226 : i32
      %swap3A_527 = arith.constant 0 : i32
      %swap3A_528 = arith.index_cast %swap3A_527 : i32 to index
      %swap3A_529 = arith.index_cast %add3A_526 : i32 to index
      %swap3A_530 = tpu.vector_load %arg11[%swap3A_528, %swap3A_529] {strides = array<i32>} : memref<2x2048xi32, #tpu.memory_space<vmem>>, vector<16xi32>,
      tpu.vector_store %arg11[%swap3A_528, %swap3A_529], %add3A_524 {strides = array<i32>} : memref<2x2048xi32, #tpu.memory_space<vmem>>, vector<16xi32>,
      %add3A_531 = arith.constant 801664 : i32
      %add3A_532 = vector.broadcast %add3A_531 : i32 to vector<16xi32>
      %add3A_533 = arith.addi %add3A_252, %add3A_532 : vector<16xi32>
      %add3A_534 = arith.constant 1920 : i32
      %add3A_535 = arith.addi %add3A_534, %sub3A_226 : i32
      %swap3A_536 = arith.constant 0 : i32
      %swap3A_537 = arith.index_cast %swap3A_536 : i32 to index
      %swap3A_538 = arith.index_cast %add3A_535 : i32 to index
      %swap3A_539 = tpu.vector_load %arg12[%swap3A_537, %swap3A_538] {strides = array<i32>} : memref<2x2048xi32, #tpu.memory_space<vmem>>, vector<16xi32>,
      tpu.vector_store %arg12[%swap3A_537, %swap3A_538], %add3A_533 {strides = array<i32>} : memref<2x2048xi32, #tpu.memory_space<vmem>>, vector<16xi32>,
      %scan3A_540 = arith.constant 0 : i32
      scf.yield %scan3A_540 : i32
    }
    %scan3A_11 = arith.constant 8 : i32
    %dma_start3A_12 = arith.constant 0 : i32
    %dma_start3A_13 = arith.constant 0 : i32
    %dma_start3A_14 = arith.constant 0 : i32
    %dma_start3A_15 = tpu.memref_slice %arg13[%dma_start3A_13, %dma_start3A_14] : memref<2x2048xf32, #tpu.memory_space<vmem>> -> memref<1x2048xf32, #tpu.memory_space<vmem>>
    %dma_start3A_16 = tpu.memref_squeeze %dma_start3A_15 : memref<1x2048xf32, #tpu.memory_space<vmem>> -> memref<2048xf32, #tpu.memory_space<vmem>>
    %dma_start3A_17 = arith.constant 0 : i32
    %dma_start3A_18 = tpu.memref_slice %arg11[%dma_start3A_12, %dma_start3A_17] : memref<2x2048xi32, #tpu.memory_space<vmem>> -> memref<1x2048xi32, #tpu.memory_space<vmem>>
    %dma_start3A_19 = tpu.memref_squeeze %dma_start3A_18 : memref<1x2048xi32, #tpu.memory_space<vmem>> -> memref<2048xi32, #tpu.memory_space<vmem>>
    %dma_start3A_20 = arith.constant 0 : i32
    %dma_start3A_21 = tpu.memref_slice %arg5[%dma_start3A_20] : memref<6400000xf32, #tpu.memory_space<hbm>> -> memref<6400000xf32, #tpu.memory_space<hbm>>
    tpu.enqueue_indirect_dma source(%dma_start3A_21 : memref<6400000xf32, #tpu.memory_space<hbm>>) target(%dma_start3A_16 : memref<2048xf32, #tpu.memory_space<vmem>>) offsets(%dma_start3A_19 : memref<2048xi32, #tpu.memory_space<vmem>>) semaphore(%arg17 : memref<!tpu.dma_semaphore, #tpu.memory_space<semaphore_mem>>)
    %scan3A_22 = arith.constant 0 : i32
    %scan3A_23 = arith.constant 8 : i32
    %scan3A_24 = arith.constant 8 : i32
    %scan3A_25 = arith.addi %scan3A_23, %scan3A_24 : i32
    %scan3A_26 = arith.constant 1 : i32
    %scan3A_27 = scf.for %scan3A_222 = %scan3A_23 to %scan3A_25 step %scan3A_26 iter_args(%scan3A_223 = %scan3A_22) -> (i32)  : i32 {
      %mul3A_224 = arith.constant 16 : i32
      %mul3A_225 = arith.muli %scan3A_222, %mul3A_224 : i32
      %sub3A = arith.constant 128 : i32
      %sub3A_226 = arith.subi %mul3A_225, %sub3A : i32
      %get3A = arith.index_cast %mul3A_225 : i32 to index
      %get3A_227 = tpu.vector_load %arg8[%get3A] {strides = array<i32>} : memref<512xi32, #tpu.memory_space<vmem>>, vector<16xi32>,
      %mul3A_228 = arith.constant 100000 : i32
      %mul3A_229 = vector.broadcast %mul3A_228 : i32 to vector<16xi32>
      %mul3A_230 = arith.muli %get3A_227, %mul3A_229 : vector<16xi32>
      %get3A_231 = arith.index_cast %mul3A_225 : i32 to index
      %get3A_232 = tpu.vector_load %arg9[%get3A_231] {strides = array<i32>} : memref<512xi32, #tpu.memory_space<vmem>>, vector<16xi32>,
      %add3A_233 = arith.addi %mul3A_230, %get3A_232 : vector<16xi32>
      %get3A_234 = arith.index_cast %mul3A_225 : i32 to index
      %get3A_235 = tpu.vector_load %arg10[%get3A_234] {strides = array<i32>} : memref<512xi32, #tpu.memory_space<vmem>>, vector<16xi32>,
      %shift_right_arithmetic3A = arith.constant 7 : i32
      %shift_right_arithmetic3A_236 = vector.broadcast %shift_right_arithmetic3A : i32 to vector<16xi32>
      %shift_right_arithmetic3A_237 = arith.shrsi %add3A_233, %shift_right_arithmetic3A_236 : vector<16xi32>
      %shift_left3A = arith.constant 10 : i32
      %shift_left3A_238 = vector.broadcast %shift_left3A : i32 to vector<16xi32>
      %shift_left3A_239 = arith.shli %shift_right_arithmetic3A_237, %shift_left3A_238 : vector<16xi32>
      %and3A = arith.constant 127 : i32
      %and3A_240 = vector.broadcast %and3A : i32 to vector<16xi32>
      %and3A_241 = arith.andi %add3A_233, %and3A_240 : vector<16xi32>
      %add3A_242 = arith.addi %shift_left3A_239, %and3A_241 : vector<16xi32>
      %shift_right_arithmetic3A_243 = arith.constant 7 : i32
      %shift_right_arithmetic3A_244 = vector.broadcast %shift_right_arithmetic3A_243 : i32 to vector<16xi32>
      %shift_right_arithmetic3A_245 = arith.shrsi %get3A_235, %shift_right_arithmetic3A_244 : vector<16xi32>
      %shift_left3A_246 = arith.constant 10 : i32
      %shift_left3A_247 = vector.broadcast %shift_left3A_246 : i32 to vector<16xi32>
      %shift_left3A_248 = arith.shli %shift_right_arithmetic3A_245, %shift_left3A_247 : vector<16xi32>
      %and3A_249 = arith.constant 127 : i32
      %and3A_250 = vector.broadcast %and3A_249 : i32 to vector<16xi32>
      %and3A_251 = arith.andi %get3A_235, %and3A_250 : vector<16xi32>
      %add3A_252 = arith.addi %shift_left3A_248, %and3A_251 : vector<16xi32>
      %add3A_253 = arith.constant 0 : i32
      %add3A_254 = vector.broadcast %add3A_253 : i32 to vector<16xi32>
      %add3A_255 = arith.addi %add3A_242, %add3A_254 : vector<16xi32>
      %add3A_256 = arith.constant 0 : i32
      %add3A_257 = arith.addi %add3A_256, %sub3A_226 : i32
      %swap3A = arith.constant 1 : i32
      %swap3A_258 = arith.index_cast %swap3A : i32 to index
      %swap3A_259 = arith.index_cast %add3A_257 : i32 to index
      %swap3A_260 = tpu.vector_load %arg11[%swap3A_258, %swap3A_259] {strides = array<i32>} : memref<2x2048xi32, #tpu.memory_space<vmem>>, vector<16xi32>,
      tpu.vector_store %arg11[%swap3A_258, %swap3A_259], %add3A_255 {strides = array<i32>} : memref<2x2048xi32, #tpu.memory_space<vmem>>, vector<16xi32>,
      %add3A_261 = arith.constant 0 : i32
      %add3A_262 = vector.broadcast %add3A_261 : i32 to vector<16xi32>
      %add3A_263 = arith.addi %add3A_252, %add3A_262 : vector<16xi32>
      %add3A_264 = arith.constant 0 : i32
      %add3A_265 = arith.addi %add3A_264, %sub3A_226 : i32
      %swap3A_266 = arith.constant 1 : i32
      %swap3A_267 = arith.index_cast %swap3A_266 : i32 to index
      %swap3A_268 = arith.index_cast %add3A_265 : i32 to index
      %swap3A_269 = tpu.vector_load %arg12[%swap3A_267, %swap3A_268] {strides = array<i32>} : memref<2x2048xi32, #tpu.memory_space<vmem>>, vector<16xi32>,
      tpu.vector_store %arg12[%swap3A_267, %swap3A_268], %add3A_263 {strides = array<i32>} : memref<2x2048xi32, #tpu.memory_space<vmem>>, vector<16xi32>,
      %add3A_270 = arith.constant 128 : i32
      %add3A_271 = vector.broadcast %add3A_270 : i32 to vector<16xi32>
      %add3A_272 = arith.addi %add3A_242, %add3A_271 : vector<16xi32>
      %add3A_273 = arith.constant 128 : i32
      %add3A_274 = arith.addi %add3A_273, %sub3A_226 : i32
      %swap3A_275 = arith.constant 1 : i32
      %swap3A_276 = arith.index_cast %swap3A_275 : i32 to index
      %swap3A_277 = arith.index_cast %add3A_274 : i32 to index
      %swap3A_278 = tpu.vector_load %arg11[%swap3A_276, %swap3A_277] {strides = array<i32>} : memref<2x2048xi32, #tpu.memory_space<vmem>>, vector<16xi32>,
      tpu.vector_store %arg11[%swap3A_276, %swap3A_277], %add3A_272 {strides = array<i32>} : memref<2x2048xi32, #tpu.memory_space<vmem>>, vector<16xi32>,
      %add3A_279 = arith.constant 128 : i32
      %add3A_280 = vector.broadcast %add3A_279 : i32 to vector<16xi32>
      %add3A_281 = arith.addi %add3A_252, %add3A_280 : vector<16xi32>
      %add3A_282 = arith.constant 128 : i32
      %add3A_283 = arith.addi %add3A_282, %sub3A_226 : i32
      %swap3A_284 = arith.constant 1 : i32
      %swap3A_285 = arith.index_cast %swap3A_284 : i32 to index
      %swap3A_286 = arith.index_cast %add3A_283 : i32 to index
      %swap3A_287 = tpu.vector_load %arg12[%swap3A_285, %swap3A_286] {strides = array<i32>} : memref<2x2048xi32, #tpu.memory_space<vmem>>, vector<16xi32>,
      tpu.vector_store %arg12[%swap3A_285, %swap3A_286], %add3A_281 {strides = array<i32>} : memref<2x2048xi32, #tpu.memory_space<vmem>>, vector<16xi32>,
      %add3A_288 = arith.constant 256 : i32
      %add3A_289 = vector.broadcast %add3A_288 : i32 to vector<16xi32>
      %add3A_290 = arith.addi %add3A_242, %add3A_289 : vector<16xi32>
      %add3A_291 = arith.constant 256 : i32
      %add3A_292 = arith.addi %add3A_291, %sub3A_226 : i32
      %swap3A_293 = arith.constant 1 : i32
      %swap3A_294 = arith.index_cast %swap3A_293 : i32 to index
      %swap3A_295 = arith.index_cast %add3A_292 : i32 to index
      %swap3A_296 = tpu.vector_load %arg11[%swap3A_294, %swap3A_295] {strides = array<i32>} : memref<2x2048xi32, #tpu.memory_space<vmem>>, vector<16xi32>,
      tpu.vector_store %arg11[%swap3A_294, %swap3A_295], %add3A_290 {strides = array<i32>} : memref<2x2048xi32, #tpu.memory_space<vmem>>, vector<16xi32>,
      %add3A_297 = arith.constant 256 : i32
      %add3A_298 = vector.broadcast %add3A_297 : i32 to vector<16xi32>
      %add3A_299 = arith.addi %add3A_252, %add3A_298 : vector<16xi32>
      %add3A_300 = arith.constant 256 : i32
      %add3A_301 = arith.addi %add3A_300, %sub3A_226 : i32
      %swap3A_302 = arith.constant 1 : i32
      %swap3A_303 = arith.index_cast %swap3A_302 : i32 to index
      %swap3A_304 = arith.index_cast %add3A_301 : i32 to index
      %swap3A_305 = tpu.vector_load %arg12[%swap3A_303, %swap3A_304] {strides = array<i32>} : memref<2x2048xi32, #tpu.memory_space<vmem>>, vector<16xi32>,
      tpu.vector_store %arg12[%swap3A_303, %swap3A_304], %add3A_299 {strides = array<i32>} : memref<2x2048xi32, #tpu.memory_space<vmem>>, vector<16xi32>,
      %add3A_306 = arith.constant 384 : i32
      %add3A_307 = vector.broadcast %add3A_306 : i32 to vector<16xi32>
      %add3A_308 = arith.addi %add3A_242, %add3A_307 : vector<16xi32>
      %add3A_309 = arith.constant 384 : i32
      %add3A_310 = arith.addi %add3A_309, %sub3A_226 : i32
      %swap3A_311 = arith.constant 1 : i32
      %swap3A_312 = arith.index_cast %swap3A_311 : i32 to index
      %swap3A_313 = arith.index_cast %add3A_310 : i32 to index
      %swap3A_314 = tpu.vector_load %arg11[%swap3A_312, %swap3A_313] {strides = array<i32>} : memref<2x2048xi32, #tpu.memory_space<vmem>>, vector<16xi32>,
      tpu.vector_store %arg11[%swap3A_312, %swap3A_313], %add3A_308 {strides = array<i32>} : memref<2x2048xi32, #tpu.memory_space<vmem>>, vector<16xi32>,
      %add3A_315 = arith.constant 384 : i32
      %add3A_316 = vector.broadcast %add3A_315 : i32 to vector<16xi32>
      %add3A_317 = arith.addi %add3A_252, %add3A_316 : vector<16xi32>
      %add3A_318 = arith.constant 384 : i32
      %add3A_319 = arith.addi %add3A_318, %sub3A_226 : i32
      %swap3A_320 = arith.constant 1 : i32
      %swap3A_321 = arith.index_cast %swap3A_320 : i32 to index
      %swap3A_322 = arith.index_cast %add3A_319 : i32 to index
      %swap3A_323 = tpu.vector_load %arg12[%swap3A_321, %swap3A_322] {strides = array<i32>} : memref<2x2048xi32, #tpu.memory_space<vmem>>, vector<16xi32>,
      tpu.vector_store %arg12[%swap3A_321, %swap3A_322], %add3A_317 {strides = array<i32>} : memref<2x2048xi32, #tpu.memory_space<vmem>>, vector<16xi32>,
      %add3A_324 = arith.constant 512 : i32
      %add3A_325 = vector.broadcast %add3A_324 : i32 to vector<16xi32>
      %add3A_326 = arith.addi %add3A_242, %add3A_325 : vector<16xi32>
      %add3A_327 = arith.constant 512 : i32
      %add3A_328 = arith.addi %add3A_327, %sub3A_226 : i32
      %swap3A_329 = arith.constant 1 : i32
      %swap3A_330 = arith.index_cast %swap3A_329 : i32 to index
      %swap3A_331 = arith.index_cast %add3A_328 : i32 to index
      %swap3A_332 = tpu.vector_load %arg11[%swap3A_330, %swap3A_331] {strides = array<i32>} : memref<2x2048xi32, #tpu.memory_space<vmem>>, vector<16xi32>,
      tpu.vector_store %arg11[%swap3A_330, %swap3A_331], %add3A_326 {strides = array<i32>} : memref<2x2048xi32, #tpu.memory_space<vmem>>, vector<16xi32>,
      %add3A_333 = arith.constant 512 : i32
      %add3A_334 = vector.broadcast %add3A_333 : i32 to vector<16xi32>
      %add3A_335 = arith.addi %add3A_252, %add3A_334 : vector<16xi32>
      %add3A_336 = arith.constant 512 : i32
      %add3A_337 = arith.addi %add3A_336, %sub3A_226 : i32
      %swap3A_338 = arith.constant 1 : i32
      %swap3A_339 = arith.index_cast %swap3A_338 : i32 to index
      %swap3A_340 = arith.index_cast %add3A_337 : i32 to index
      %swap3A_341 = tpu.vector_load %arg12[%swap3A_339, %swap3A_340] {strides = array<i32>} : memref<2x2048xi32, #tpu.memory_space<vmem>>, vector<16xi32>,
      tpu.vector_store %arg12[%swap3A_339, %swap3A_340], %add3A_335 {strides = array<i32>} : memref<2x2048xi32, #tpu.memory_space<vmem>>, vector<16xi32>,
      %add3A_342 = arith.constant 640 : i32
      %add3A_343 = vector.broadcast %add3A_342 : i32 to vector<16xi32>
      %add3A_344 = arith.addi %add3A_242, %add3A_343 : vector<16xi32>
      %add3A_345 = arith.constant 640 : i32
      %add3A_346 = arith.addi %add3A_345, %sub3A_226 : i32
      %swap3A_347 = arith.constant 1 : i32
      %swap3A_348 = arith.index_cast %swap3A_347 : i32 to index
      %swap3A_349 = arith.index_cast %add3A_346 : i32 to index
      %swap3A_350 = tpu.vector_load %arg11[%swap3A_348, %swap3A_349] {strides = array<i32>} : memref<2x2048xi32, #tpu.memory_space<vmem>>, vector<16xi32>,
      tpu.vector_store %arg11[%swap3A_348, %swap3A_349], %add3A_344 {strides = array<i32>} : memref<2x2048xi32, #tpu.memory_space<vmem>>, vector<16xi32>,
      %add3A_351 = arith.constant 640 : i32
      %add3A_352 = vector.broadcast %add3A_351 : i32 to vector<16xi32>
      %add3A_353 = arith.addi %add3A_252, %add3A_352 : vector<16xi32>
      %add3A_354 = arith.constant 640 : i32
      %add3A_355 = arith.addi %add3A_354, %sub3A_226 : i32
      %swap3A_356 = arith.constant 1 : i32
      %swap3A_357 = arith.index_cast %swap3A_356 : i32 to index
      %swap3A_358 = arith.index_cast %add3A_355 : i32 to index
      %swap3A_359 = tpu.vector_load %arg12[%swap3A_357, %swap3A_358] {strides = array<i32>} : memref<2x2048xi32, #tpu.memory_space<vmem>>, vector<16xi32>,
      tpu.vector_store %arg12[%swap3A_357, %swap3A_358], %add3A_353 {strides = array<i32>} : memref<2x2048xi32, #tpu.memory_space<vmem>>, vector<16xi32>,
      %add3A_360 = arith.constant 768 : i32
      %add3A_361 = vector.broadcast %add3A_360 : i32 to vector<16xi32>
      %add3A_362 = arith.addi %add3A_242, %add3A_361 : vector<16xi32>
      %add3A_363 = arith.constant 768 : i32
      %add3A_364 = arith.addi %add3A_363, %sub3A_226 : i32
      %swap3A_365 = arith.constant 1 : i32
      %swap3A_366 = arith.index_cast %swap3A_365 : i32 to index
      %swap3A_367 = arith.index_cast %add3A_364 : i32 to index
      %swap3A_368 = tpu.vector_load %arg11[%swap3A_366, %swap3A_367] {strides = array<i32>} : memref<2x2048xi32, #tpu.memory_space<vmem>>, vector<16xi32>,
      tpu.vector_store %arg11[%swap3A_366, %swap3A_367], %add3A_362 {strides = array<i32>} : memref<2x2048xi32, #tpu.memory_space<vmem>>, vector<16xi32>,
      %add3A_369 = arith.constant 768 : i32
      %add3A_370 = vector.broadcast %add3A_369 : i32 to vector<16xi32>
      %add3A_371 = arith.addi %add3A_252, %add3A_370 : vector<16xi32>
      %add3A_372 = arith.constant 768 : i32
      %add3A_373 = arith.addi %add3A_372, %sub3A_226 : i32
      %swap3A_374 = arith.constant 1 : i32
      %swap3A_375 = arith.index_cast %swap3A_374 : i32 to index
      %swap3A_376 = arith.index_cast %add3A_373 : i32 to index
      %swap3A_377 = tpu.vector_load %arg12[%swap3A_375, %swap3A_376] {strides = array<i32>} : memref<2x2048xi32, #tpu.memory_space<vmem>>, vector<16xi32>,
      tpu.vector_store %arg12[%swap3A_375, %swap3A_376], %add3A_371 {strides = array<i32>} : memref<2x2048xi32, #tpu.memory_space<vmem>>, vector<16xi32>,
      %add3A_378 = arith.constant 896 : i32
      %add3A_379 = vector.broadcast %add3A_378 : i32 to vector<16xi32>
      %add3A_380 = arith.addi %add3A_242, %add3A_379 : vector<16xi32>
      %add3A_381 = arith.constant 896 : i32
      %add3A_382 = arith.addi %add3A_381, %sub3A_226 : i32
      %swap3A_383 = arith.constant 1 : i32
      %swap3A_384 = arith.index_cast %swap3A_383 : i32 to index
      %swap3A_385 = arith.index_cast %add3A_382 : i32 to index
      %swap3A_386 = tpu.vector_load %arg11[%swap3A_384, %swap3A_385] {strides = array<i32>} : memref<2x2048xi32, #tpu.memory_space<vmem>>, vector<16xi32>,
      tpu.vector_store %arg11[%swap3A_384, %swap3A_385], %add3A_380 {strides = array<i32>} : memref<2x2048xi32, #tpu.memory_space<vmem>>, vector<16xi32>,
      %add3A_387 = arith.constant 896 : i32
      %add3A_388 = vector.broadcast %add3A_387 : i32 to vector<16xi32>
      %add3A_389 = arith.addi %add3A_252, %add3A_388 : vector<16xi32>
      %add3A_390 = arith.constant 896 : i32
      %add3A_391 = arith.addi %add3A_390, %sub3A_226 : i32
      %swap3A_392 = arith.constant 1 : i32
      %swap3A_393 = arith.index_cast %swap3A_392 : i32 to index
      %swap3A_394 = arith.index_cast %add3A_391 : i32 to index
      %swap3A_395 = tpu.vector_load %arg12[%swap3A_393, %swap3A_394] {strides = array<i32>} : memref<2x2048xi32, #tpu.memory_space<vmem>>, vector<16xi32>,
      tpu.vector_store %arg12[%swap3A_393, %swap3A_394], %add3A_389 {strides = array<i32>} : memref<2x2048xi32, #tpu.memory_space<vmem>>, vector<16xi32>,
      %add3A_396 = arith.constant 3200000 : i32
      %add3A_397 = vector.broadcast %add3A_396 : i32 to vector<16xi32>
      %add3A_398 = arith.addi %add3A_242, %add3A_397 : vector<16xi32>
      %add3A_399 = arith.constant 1024 : i32
      %add3A_400 = arith.addi %add3A_399, %sub3A_226 : i32
      %swap3A_401 = arith.constant 1 : i32
      %swap3A_402 = arith.index_cast %swap3A_401 : i32 to index
      %swap3A_403 = arith.index_cast %add3A_400 : i32 to index
      %swap3A_404 = tpu.vector_load %arg11[%swap3A_402, %swap3A_403] {strides = array<i32>} : memref<2x2048xi32, #tpu.memory_space<vmem>>, vector<16xi32>,
      tpu.vector_store %arg11[%swap3A_402, %swap3A_403], %add3A_398 {strides = array<i32>} : memref<2x2048xi32, #tpu.memory_space<vmem>>, vector<16xi32>,
      %add3A_405 = arith.constant 800768 : i32
      %add3A_406 = vector.broadcast %add3A_405 : i32 to vector<16xi32>
      %add3A_407 = arith.addi %add3A_252, %add3A_406 : vector<16xi32>
      %add3A_408 = arith.constant 1024 : i32
      %add3A_409 = arith.addi %add3A_408, %sub3A_226 : i32
      %swap3A_410 = arith.constant 1 : i32
      %swap3A_411 = arith.index_cast %swap3A_410 : i32 to index
      %swap3A_412 = arith.index_cast %add3A_409 : i32 to index
      %swap3A_413 = tpu.vector_load %arg12[%swap3A_411, %swap3A_412] {strides = array<i32>} : memref<2x2048xi32, #tpu.memory_space<vmem>>, vector<16xi32>,
      tpu.vector_store %arg12[%swap3A_411, %swap3A_412], %add3A_407 {strides = array<i32>} : memref<2x2048xi32, #tpu.memory_space<vmem>>, vector<16xi32>,
      %add3A_414 = arith.constant 3200128 : i32
      %add3A_415 = vector.broadcast %add3A_414 : i32 to vector<16xi32>
      %add3A_416 = arith.addi %add3A_242, %add3A_415 : vector<16xi32>
      %add3A_417 = arith.constant 1152 : i32
      %add3A_418 = arith.addi %add3A_417, %sub3A_226 : i32
      %swap3A_419 = arith.constant 1 : i32
      %swap3A_420 = arith.index_cast %swap3A_419 : i32 to index
      %swap3A_421 = arith.index_cast %add3A_418 : i32 to index
      %swap3A_422 = tpu.vector_load %arg11[%swap3A_420, %swap3A_421] {strides = array<i32>} : memref<2x2048xi32, #tpu.memory_space<vmem>>, vector<16xi32>,
      tpu.vector_store %arg11[%swap3A_420, %swap3A_421], %add3A_416 {strides = array<i32>} : memref<2x2048xi32, #tpu.memory_space<vmem>>, vector<16xi32>,
      %add3A_423 = arith.constant 800896 : i32
      %add3A_424 = vector.broadcast %add3A_423 : i32 to vector<16xi32>
      %add3A_425 = arith.addi %add3A_252, %add3A_424 : vector<16xi32>
      %add3A_426 = arith.constant 1152 : i32
      %add3A_427 = arith.addi %add3A_426, %sub3A_226 : i32
      %swap3A_428 = arith.constant 1 : i32
      %swap3A_429 = arith.index_cast %swap3A_428 : i32 to index
      %swap3A_430 = arith.index_cast %add3A_427 : i32 to index
      %swap3A_431 = tpu.vector_load %arg12[%swap3A_429, %swap3A_430] {strides = array<i32>} : memref<2x2048xi32, #tpu.memory_space<vmem>>, vector<16xi32>,
      tpu.vector_store %arg12[%swap3A_429, %swap3A_430], %add3A_425 {strides = array<i32>} : memref<2x2048xi32, #tpu.memory_space<vmem>>, vector<16xi32>,
      %add3A_432 = arith.constant 3200256 : i32
      %add3A_433 = vector.broadcast %add3A_432 : i32 to vector<16xi32>
      %add3A_434 = arith.addi %add3A_242, %add3A_433 : vector<16xi32>
      %add3A_435 = arith.constant 1280 : i32
      %add3A_436 = arith.addi %add3A_435, %sub3A_226 : i32
      %swap3A_437 = arith.constant 1 : i32
      %swap3A_438 = arith.index_cast %swap3A_437 : i32 to index
      %swap3A_439 = arith.index_cast %add3A_436 : i32 to index
      %swap3A_440 = tpu.vector_load %arg11[%swap3A_438, %swap3A_439] {strides = array<i32>} : memref<2x2048xi32, #tpu.memory_space<vmem>>, vector<16xi32>,
      tpu.vector_store %arg11[%swap3A_438, %swap3A_439], %add3A_434 {strides = array<i32>} : memref<2x2048xi32, #tpu.memory_space<vmem>>, vector<16xi32>,
      %add3A_441 = arith.constant 801024 : i32
      %add3A_442 = vector.broadcast %add3A_441 : i32 to vector<16xi32>
      %add3A_443 = arith.addi %add3A_252, %add3A_442 : vector<16xi32>
      %add3A_444 = arith.constant 1280 : i32
      %add3A_445 = arith.addi %add3A_444, %sub3A_226 : i32
      %swap3A_446 = arith.constant 1 : i32
      %swap3A_447 = arith.index_cast %swap3A_446 : i32 to index
      %swap3A_448 = arith.index_cast %add3A_445 : i32 to index
      %swap3A_449 = tpu.vector_load %arg12[%swap3A_447, %swap3A_448] {strides = array<i32>} : memref<2x2048xi32, #tpu.memory_space<vmem>>, vector<16xi32>,
      tpu.vector_store %arg12[%swap3A_447, %swap3A_448], %add3A_443 {strides = array<i32>} : memref<2x2048xi32, #tpu.memory_space<vmem>>, vector<16xi32>,
      %add3A_450 = arith.constant 3200384 : i32
      %add3A_451 = vector.broadcast %add3A_450 : i32 to vector<16xi32>
      %add3A_452 = arith.addi %add3A_242, %add3A_451 : vector<16xi32>
      %add3A_453 = arith.constant 1408 : i32
      %add3A_454 = arith.addi %add3A_453, %sub3A_226 : i32
      %swap3A_455 = arith.constant 1 : i32
      %swap3A_456 = arith.index_cast %swap3A_455 : i32 to index
      %swap3A_457 = arith.index_cast %add3A_454 : i32 to index
      %swap3A_458 = tpu.vector_load %arg11[%swap3A_456, %swap3A_457] {strides = array<i32>} : memref<2x2048xi32, #tpu.memory_space<vmem>>, vector<16xi32>,
      tpu.vector_store %arg11[%swap3A_456, %swap3A_457], %add3A_452 {strides = array<i32>} : memref<2x2048xi32, #tpu.memory_space<vmem>>, vector<16xi32>,
      %add3A_459 = arith.constant 801152 : i32
      %add3A_460 = vector.broadcast %add3A_459 : i32 to vector<16xi32>
      %add3A_461 = arith.addi %add3A_252, %add3A_460 : vector<16xi32>
      %add3A_462 = arith.constant 1408 : i32
      %add3A_463 = arith.addi %add3A_462, %sub3A_226 : i32
      %swap3A_464 = arith.constant 1 : i32
      %swap3A_465 = arith.index_cast %swap3A_464 : i32 to index
      %swap3A_466 = arith.index_cast %add3A_463 : i32 to index
      %swap3A_467 = tpu.vector_load %arg12[%swap3A_465, %swap3A_466] {strides = array<i32>} : memref<2x2048xi32, #tpu.memory_space<vmem>>, vector<16xi32>,
      tpu.vector_store %arg12[%swap3A_465, %swap3A_466], %add3A_461 {strides = array<i32>} : memref<2x2048xi32, #tpu.memory_space<vmem>>, vector<16xi32>,
      %add3A_468 = arith.constant 3200512 : i32
      %add3A_469 = vector.broadcast %add3A_468 : i32 to vector<16xi32>
      %add3A_470 = arith.addi %add3A_242, %add3A_469 : vector<16xi32>
      %add3A_471 = arith.constant 1536 : i32
      %add3A_472 = arith.addi %add3A_471, %sub3A_226 : i32
      %swap3A_473 = arith.constant 1 : i32
      %swap3A_474 = arith.index_cast %swap3A_473 : i32 to index
      %swap3A_475 = arith.index_cast %add3A_472 : i32 to index
      %swap3A_476 = tpu.vector_load %arg11[%swap3A_474, %swap3A_475] {strides = array<i32>} : memref<2x2048xi32, #tpu.memory_space<vmem>>, vector<16xi32>,
      tpu.vector_store %arg11[%swap3A_474, %swap3A_475], %add3A_470 {strides = array<i32>} : memref<2x2048xi32, #tpu.memory_space<vmem>>, vector<16xi32>,
      %add3A_477 = arith.constant 801280 : i32
      %add3A_478 = vector.broadcast %add3A_477 : i32 to vector<16xi32>
      %add3A_479 = arith.addi %add3A_252, %add3A_478 : vector<16xi32>
      %add3A_480 = arith.constant 1536 : i32
      %add3A_481 = arith.addi %add3A_480, %sub3A_226 : i32
      %swap3A_482 = arith.constant 1 : i32
      %swap3A_483 = arith.index_cast %swap3A_482 : i32 to index
      %swap3A_484 = arith.index_cast %add3A_481 : i32 to index
      %swap3A_485 = tpu.vector_load %arg12[%swap3A_483, %swap3A_484] {strides = array<i32>} : memref<2x2048xi32, #tpu.memory_space<vmem>>, vector<16xi32>,
      tpu.vector_store %arg12[%swap3A_483, %swap3A_484], %add3A_479 {strides = array<i32>} : memref<2x2048xi32, #tpu.memory_space<vmem>>, vector<16xi32>,
      %add3A_486 = arith.constant 3200640 : i32
      %add3A_487 = vector.broadcast %add3A_486 : i32 to vector<16xi32>
      %add3A_488 = arith.addi %add3A_242, %add3A_487 : vector<16xi32>
      %add3A_489 = arith.constant 1664 : i32
      %add3A_490 = arith.addi %add3A_489, %sub3A_226 : i32
      %swap3A_491 = arith.constant 1 : i32
      %swap3A_492 = arith.index_cast %swap3A_491 : i32 to index
      %swap3A_493 = arith.index_cast %add3A_490 : i32 to index
      %swap3A_494 = tpu.vector_load %arg11[%swap3A_492, %swap3A_493] {strides = array<i32>} : memref<2x2048xi32, #tpu.memory_space<vmem>>, vector<16xi32>,
      tpu.vector_store %arg11[%swap3A_492, %swap3A_493], %add3A_488 {strides = array<i32>} : memref<2x2048xi32, #tpu.memory_space<vmem>>, vector<16xi32>,
      %add3A_495 = arith.constant 801408 : i32
      %add3A_496 = vector.broadcast %add3A_495 : i32 to vector<16xi32>
      %add3A_497 = arith.addi %add3A_252, %add3A_496 : vector<16xi32>
      %add3A_498 = arith.constant 1664 : i32
      %add3A_499 = arith.addi %add3A_498, %sub3A_226 : i32
      %swap3A_500 = arith.constant 1 : i32
      %swap3A_501 = arith.index_cast %swap3A_500 : i32 to index
      %swap3A_502 = arith.index_cast %add3A_499 : i32 to index
      %swap3A_503 = tpu.vector_load %arg12[%swap3A_501, %swap3A_502] {strides = array<i32>} : memref<2x2048xi32, #tpu.memory_space<vmem>>, vector<16xi32>,
      tpu.vector_store %arg12[%swap3A_501, %swap3A_502], %add3A_497 {strides = array<i32>} : memref<2x2048xi32, #tpu.memory_space<vmem>>, vector<16xi32>,
      %add3A_504 = arith.constant 3200768 : i32
      %add3A_505 = vector.broadcast %add3A_504 : i32 to vector<16xi32>
      %add3A_506 = arith.addi %add3A_242, %add3A_505 : vector<16xi32>
      %add3A_507 = arith.constant 1792 : i32
      %add3A_508 = arith.addi %add3A_507, %sub3A_226 : i32
      %swap3A_509 = arith.constant 1 : i32
      %swap3A_510 = arith.index_cast %swap3A_509 : i32 to index
      %swap3A_511 = arith.index_cast %add3A_508 : i32 to index
      %swap3A_512 = tpu.vector_load %arg11[%swap3A_510, %swap3A_511] {strides = array<i32>} : memref<2x2048xi32, #tpu.memory_space<vmem>>, vector<16xi32>,
      tpu.vector_store %arg11[%swap3A_510, %swap3A_511], %add3A_506 {strides = array<i32>} : memref<2x2048xi32, #tpu.memory_space<vmem>>, vector<16xi32>,
      %add3A_513 = arith.constant 801536 : i32
      %add3A_514 = vector.broadcast %add3A_513 : i32 to vector<16xi32>
      %add3A_515 = arith.addi %add3A_252, %add3A_514 : vector<16xi32>
      %add3A_516 = arith.constant 1792 : i32
      %add3A_517 = arith.addi %add3A_516, %sub3A_226 : i32
      %swap3A_518 = arith.constant 1 : i32
      %swap3A_519 = arith.index_cast %swap3A_518 : i32 to index
      %swap3A_520 = arith.index_cast %add3A_517 : i32 to index
      %swap3A_521 = tpu.vector_load %arg12[%swap3A_519, %swap3A_520] {strides = array<i32>} : memref<2x2048xi32, #tpu.memory_space<vmem>>, vector<16xi32>,
      tpu.vector_store %arg12[%swap3A_519, %swap3A_520], %add3A_515 {strides = array<i32>} : memref<2x2048xi32, #tpu.memory_space<vmem>>, vector<16xi32>,
      %add3A_522 = arith.constant 3200896 : i32
      %add3A_523 = vector.broadcast %add3A_522 : i32 to vector<16xi32>
      %add3A_524 = arith.addi %add3A_242, %add3A_523 : vector<16xi32>
      %add3A_525 = arith.constant 1920 : i32
      %add3A_526 = arith.addi %add3A_525, %sub3A_226 : i32
      %swap3A_527 = arith.constant 1 : i32
      %swap3A_528 = arith.index_cast %swap3A_527 : i32 to index
      %swap3A_529 = arith.index_cast %add3A_526 : i32 to index
      %swap3A_530 = tpu.vector_load %arg11[%swap3A_528, %swap3A_529] {strides = array<i32>} : memref<2x2048xi32, #tpu.memory_space<vmem>>, vector<16xi32>,
      tpu.vector_store %arg11[%swap3A_528, %swap3A_529], %add3A_524 {strides = array<i32>} : memref<2x2048xi32, #tpu.memory_space<vmem>>, vector<16xi32>,
      %add3A_531 = arith.constant 801664 : i32
      %add3A_532 = vector.broadcast %add3A_531 : i32 to vector<16xi32>
      %add3A_533 = arith.addi %add3A_252, %add3A_532 : vector<16xi32>
      %add3A_534 = arith.constant 1920 : i32
      %add3A_535 = arith.addi %add3A_534, %sub3A_226 : i32
      %swap3A_536 = arith.constant 1 : i32
      %swap3A_537 = arith.index_cast %swap3A_536 : i32 to index
      %swap3A_538 = arith.index_cast %add3A_535 : i32 to index
      %swap3A_539 = tpu.vector_load %arg12[%swap3A_537, %swap3A_538] {strides = array<i32>} : memref<2x2048xi32, #tpu.memory_space<vmem>>, vector<16xi32>,
      tpu.vector_store %arg12[%swap3A_537, %swap3A_538], %add3A_533 {strides = array<i32>} : memref<2x2048xi32, #tpu.memory_space<vmem>>, vector<16xi32>,
      %scan3A_540 = arith.constant 0 : i32
      scf.yield %scan3A_540 : i32
    }
    %scan3A_28 = arith.constant 8 : i32
    %dma_start3A_29 = arith.constant 1 : i32
    %dma_start3A_30 = arith.constant 1 : i32
    %dma_start3A_31 = arith.constant 0 : i32
    %dma_start3A_32 = tpu.memref_slice %arg13[%dma_start3A_30, %dma_start3A_31] : memref<2x2048xf32, #tpu.memory_space<vmem>> -> memref<1x2048xf32, #tpu.memory_space<vmem>>
    %dma_start3A_33 = tpu.memref_squeeze %dma_start3A_32 : memref<1x2048xf32, #tpu.memory_space<vmem>> -> memref<2048xf32, #tpu.memory_space<vmem>>
    %dma_start3A_34 = arith.constant 0 : i32
    %dma_start3A_35 = tpu.memref_slice %arg11[%dma_start3A_29, %dma_start3A_34] : memref<2x2048xi32, #tpu.memory_space<vmem>> -> memref<1x2048xi32, #tpu.memory_space<vmem>>
    %dma_start3A_36 = tpu.memref_squeeze %dma_start3A_35 : memref<1x2048xi32, #tpu.memory_space<vmem>> -> memref<2048xi32, #tpu.memory_space<vmem>>
    %dma_start3A_37 = arith.constant 0 : i32
    %dma_start3A_38 = tpu.memref_slice %arg5[%dma_start3A_37] : memref<6400000xf32, #tpu.memory_space<hbm>> -> memref<6400000xf32, #tpu.memory_space<hbm>>
    tpu.enqueue_indirect_dma source(%dma_start3A_38 : memref<6400000xf32, #tpu.memory_space<hbm>>) target(%dma_start3A_33 : memref<2048xf32, #tpu.memory_space<vmem>>) offsets(%dma_start3A_36 : memref<2048xi32, #tpu.memory_space<vmem>>) semaphore(%arg18 : memref<!tpu.dma_semaphore, #tpu.memory_space<semaphore_mem>>)
    %dma_wait3A = tpu.memref_slice %arg16[%mul3A_4] : memref<1601536xf32, #tpu.memory_space<vmem_shared>> -> memref<100096xf32, #tpu.memory_space<vmem_shared>>
    %dma_wait3A_39 = tpu.memref_slice %arg6[%mul3A_4] : memref<1601536xf32, #tpu.memory_space<hbm>> -> memref<100096xf32, #tpu.memory_space<hbm>>
    tpu.wait_dma2 semaphore(%arg21 : memref<!tpu.dma_semaphore, #tpu.memory_space<semaphore_mem>>) src(%dma_wait3A_39 : memref<100096xf32, #tpu.memory_space<hbm>>) dst(%dma_wait3A : memref<100096xf32, #tpu.memory_space<vmem_shared>>)
    %barrier3A = arith.constant 0 : index
    tpu.barrier barrier_id(%barrier3A)
    %dma_start3A_40 = arith.constant 0 : i32
    %dma_start3A_41 = arith.constant 0 : i32
    %dma_start3A_42 = arith.constant 0 : i32
    %dma_start3A_43 = tpu.memref_slice %arg14[%dma_start3A_41, %dma_start3A_42] : memref<2x2048xf32, #tpu.memory_space<vmem>> -> memref<1x2048xf32, #tpu.memory_space<vmem>>
    %dma_start3A_44 = tpu.memref_squeeze %dma_start3A_43 : memref<1x2048xf32, #tpu.memory_space<vmem>> -> memref<2048xf32, #tpu.memory_space<vmem>>
    %dma_start3A_45 = arith.constant 0 : i32
    %dma_start3A_46 = tpu.memref_slice %arg12[%dma_start3A_40, %dma_start3A_45] : memref<2x2048xi32, #tpu.memory_space<vmem>> -> memref<1x2048xi32, #tpu.memory_space<vmem>>
    %dma_start3A_47 = tpu.memref_squeeze %dma_start3A_46 : memref<1x2048xi32, #tpu.memory_space<vmem>> -> memref<2048xi32, #tpu.memory_space<vmem>>
    %dma_start3A_48 = arith.constant 0 : i32
    %dma_start3A_49 = tpu.memref_slice %arg16[%dma_start3A_48] : memref<1601536xf32, #tpu.memory_space<vmem_shared>> -> memref<1601536xf32, #tpu.memory_space<vmem_shared>>
    tpu.enqueue_indirect_dma source(%dma_start3A_49 : memref<1601536xf32, #tpu.memory_space<vmem_shared>>) target(%dma_start3A_44 : memref<2048xf32, #tpu.memory_space<vmem>>) offsets(%dma_start3A_47 : memref<2048xi32, #tpu.memory_space<vmem>>) semaphore(%arg19 : memref<!tpu.dma_semaphore, #tpu.memory_space<semaphore_mem>>)
    %dma_start3A_50 = arith.constant 1 : i32
    %dma_start3A_51 = arith.constant 1 : i32
    %dma_start3A_52 = arith.constant 0 : i32
    %dma_start3A_53 = tpu.memref_slice %arg14[%dma_start3A_51, %dma_start3A_52] : memref<2x2048xf32, #tpu.memory_space<vmem>> -> memref<1x2048xf32, #tpu.memory_space<vmem>>
    %dma_start3A_54 = tpu.memref_squeeze %dma_start3A_53 : memref<1x2048xf32, #tpu.memory_space<vmem>> -> memref<2048xf32, #tpu.memory_space<vmem>>
    %dma_start3A_55 = arith.constant 0 : i32
    %dma_start3A_56 = tpu.memref_slice %arg12[%dma_start3A_50, %dma_start3A_55] : memref<2x2048xi32, #tpu.memory_space<vmem>> -> memref<1x2048xi32, #tpu.memory_space<vmem>>
    %dma_start3A_57 = tpu.memref_squeeze %dma_start3A_56 : memref<1x2048xi32, #tpu.memory_space<vmem>> -> memref<2048xi32, #tpu.memory_space<vmem>>
    %dma_start3A_58 = arith.constant 0 : i32
    %dma_start3A_59 = tpu.memref_slice %arg16[%dma_start3A_58] : memref<1601536xf32, #tpu.memory_space<vmem_shared>> -> memref<1601536xf32, #tpu.memory_space<vmem_shared>>
    tpu.enqueue_indirect_dma source(%dma_start3A_59 : memref<1601536xf32, #tpu.memory_space<vmem_shared>>) target(%dma_start3A_54 : memref<2048xf32, #tpu.memory_space<vmem>>) offsets(%dma_start3A_57 : memref<2048xi32, #tpu.memory_space<vmem>>) semaphore(%arg20 : memref<!tpu.dma_semaphore, #tpu.memory_space<semaphore_mem>>)
    %dma_wait3A_60 = arith.constant 0 : i32
    %dma_wait3A_61 = arith.constant 0 : i32
    %dma_wait3A_62 = arith.constant 0 : i32
    %dma_wait3A_63 = tpu.memref_slice %arg13[%dma_wait3A_61, %dma_wait3A_62] : memref<2x2048xf32, #tpu.memory_space<vmem>> -> memref<1x2048xf32, #tpu.memory_space<vmem>>
    %dma_wait3A_64 = tpu.memref_squeeze %dma_wait3A_63 : memref<1x2048xf32, #tpu.memory_space<vmem>> -> memref<2048xf32, #tpu.memory_space<vmem>>
    %dma_wait3A_65 = arith.constant 0 : i32
    %dma_wait3A_66 = tpu.memref_slice %arg11[%dma_wait3A_60, %dma_wait3A_65] : memref<2x2048xi32, #tpu.memory_space<vmem>> -> memref<1x2048xi32, #tpu.memory_space<vmem>>
    %dma_wait3A_67 = tpu.memref_squeeze %dma_wait3A_66 : memref<1x2048xi32, #tpu.memory_space<vmem>> -> memref<2048xi32, #tpu.memory_space<vmem>>
    %dma_wait3A_68 = arith.constant 0 : i32
    %dma_wait3A_69 = tpu.memref_slice %arg5[%dma_wait3A_68] : memref<6400000xf32, #tpu.memory_space<hbm>> -> memref<6400000xf32, #tpu.memory_space<hbm>>
    tpu.wait_indirect_dma semaphore(%arg17 : memref<!tpu.dma_semaphore, #tpu.memory_space<semaphore_mem>>) src(%dma_wait3A_69 : memref<6400000xf32, #tpu.memory_space<hbm>>) dst(%dma_wait3A_64 : memref<2048xf32, #tpu.memory_space<vmem>>)
    %dma_wait3A_70 = arith.constant 0 : i32
    %dma_wait3A_71 = arith.constant 0 : i32
    %dma_wait3A_72 = arith.constant 0 : i32
    %dma_wait3A_73 = tpu.memref_slice %arg14[%dma_wait3A_71, %dma_wait3A_72] : memref<2x2048xf32, #tpu.memory_space<vmem>> -> memref<1x2048xf32, #tpu.memory_space<vmem>>
    %dma_wait3A_74 = tpu.memref_squeeze %dma_wait3A_73 : memref<1x2048xf32, #tpu.memory_space<vmem>> -> memref<2048xf32, #tpu.memory_space<vmem>>
    %dma_wait3A_75 = arith.constant 0 : i32
    %dma_wait3A_76 = tpu.memref_slice %arg12[%dma_wait3A_70, %dma_wait3A_75] : memref<2x2048xi32, #tpu.memory_space<vmem>> -> memref<1x2048xi32, #tpu.memory_space<vmem>>
    %dma_wait3A_77 = tpu.memref_squeeze %dma_wait3A_76 : memref<1x2048xi32, #tpu.memory_space<vmem>> -> memref<2048xi32, #tpu.memory_space<vmem>>
    %dma_wait3A_78 = arith.constant 0 : i32
    %dma_wait3A_79 = tpu.memref_slice %arg16[%dma_wait3A_78] : memref<1601536xf32, #tpu.memory_space<vmem_shared>> -> memref<1601536xf32, #tpu.memory_space<vmem_shared>>
    tpu.wait_indirect_dma semaphore(%arg19 : memref<!tpu.dma_semaphore, #tpu.memory_space<semaphore_mem>>) src(%dma_wait3A_79 : memref<1601536xf32, #tpu.memory_space<vmem_shared>>) dst(%dma_wait3A_74 : memref<2048xf32, #tpu.memory_space<vmem>>)
    %scan3A_80 = arith.constant 0 : i32
    %scan3A_81 = arith.constant 0 : i32
    %scan3A_82 = arith.constant 8 : i32
    %scan3A_83 = arith.addi %scan3A_81, %scan3A_82 : i32
    %scan3A_84 = arith.constant 1 : i32
    %scan3A_85 = scf.for %scan3A_222 = %scan3A_81 to %scan3A_83 step %scan3A_84 iter_args(%scan3A_223 = %scan3A_80) -> (i32)  : i32 {
      %mul3A_224 = arith.constant 16 : i32
      %mul3A_225 = arith.muli %scan3A_222, %mul3A_224 : i32
      %sub3A = arith.constant 0 : i32
      %sub3A_226 = arith.subi %mul3A_225, %sub3A : i32
      %broadcast_in_dim3A = arith.constant 0.000000e+00 : f32
      %broadcast_in_dim3A_227 = vector.broadcast %broadcast_in_dim3A : f32 to vector<16xf32>
      %add3A_228 = arith.constant 0 : i32
      %add3A_229 = arith.addi %add3A_228, %sub3A_226 : i32
      %get3A = arith.constant 0 : i32
      %get3A_230 = arith.index_cast %get3A : i32 to index
      %get3A_231 = arith.index_cast %add3A_229 : i32 to index
      %get3A_232 = tpu.vector_load %arg13[%get3A_230, %get3A_231] {strides = array<i32>} : memref<2x2048xf32, #tpu.memory_space<vmem>>, vector<16xf32>,
      %get3A_233 = arith.constant 0 : i32
      %get3A_234 = arith.index_cast %get3A_233 : i32 to index
      %get3A_235 = arith.index_cast %add3A_229 : i32 to index
      %get3A_236 = tpu.vector_load %arg14[%get3A_234, %get3A_235] {strides = array<i32>} : memref<2x2048xf32, #tpu.memory_space<vmem>>, vector<16xf32>,
      %mul3A_237 = arith.mulf %get3A_232, %get3A_236 : vector<16xf32>
      %add3A_238 = arith.addf %broadcast_in_dim3A_227, %mul3A_237 : vector<16xf32>
      %add3A_239 = arith.constant 128 : i32
      %add3A_240 = arith.addi %add3A_239, %sub3A_226 : i32
      %get3A_241 = arith.constant 0 : i32
      %get3A_242 = arith.index_cast %get3A_241 : i32 to index
      %get3A_243 = arith.index_cast %add3A_240 : i32 to index
      %get3A_244 = tpu.vector_load %arg13[%get3A_242, %get3A_243] {strides = array<i32>} : memref<2x2048xf32, #tpu.memory_space<vmem>>, vector<16xf32>,
      %get3A_245 = arith.constant 0 : i32
      %get3A_246 = arith.index_cast %get3A_245 : i32 to index
      %get3A_247 = arith.index_cast %add3A_240 : i32 to index
      %get3A_248 = tpu.vector_load %arg14[%get3A_246, %get3A_247] {strides = array<i32>} : memref<2x2048xf32, #tpu.memory_space<vmem>>, vector<16xf32>,
      %mul3A_249 = arith.mulf %get3A_244, %get3A_248 : vector<16xf32>
      %add3A_250 = arith.addf %add3A_238, %mul3A_249 : vector<16xf32>
      %add3A_251 = arith.constant 256 : i32
      %add3A_252 = arith.addi %add3A_251, %sub3A_226 : i32
      %get3A_253 = arith.constant 0 : i32
      %get3A_254 = arith.index_cast %get3A_253 : i32 to index
      %get3A_255 = arith.index_cast %add3A_252 : i32 to index
      %get3A_256 = tpu.vector_load %arg13[%get3A_254, %get3A_255] {strides = array<i32>} : memref<2x2048xf32, #tpu.memory_space<vmem>>, vector<16xf32>,
      %get3A_257 = arith.constant 0 : i32
      %get3A_258 = arith.index_cast %get3A_257 : i32 to index
      %get3A_259 = arith.index_cast %add3A_252 : i32 to index
      %get3A_260 = tpu.vector_load %arg14[%get3A_258, %get3A_259] {strides = array<i32>} : memref<2x2048xf32, #tpu.memory_space<vmem>>, vector<16xf32>,
      %mul3A_261 = arith.mulf %get3A_256, %get3A_260 : vector<16xf32>
      %add3A_262 = arith.addf %add3A_250, %mul3A_261 : vector<16xf32>
      %add3A_263 = arith.constant 384 : i32
      %add3A_264 = arith.addi %add3A_263, %sub3A_226 : i32
      %get3A_265 = arith.constant 0 : i32
      %get3A_266 = arith.index_cast %get3A_265 : i32 to index
      %get3A_267 = arith.index_cast %add3A_264 : i32 to index
      %get3A_268 = tpu.vector_load %arg13[%get3A_266, %get3A_267] {strides = array<i32>} : memref<2x2048xf32, #tpu.memory_space<vmem>>, vector<16xf32>,
      %get3A_269 = arith.constant 0 : i32
      %get3A_270 = arith.index_cast %get3A_269 : i32 to index
      %get3A_271 = arith.index_cast %add3A_264 : i32 to index
      %get3A_272 = tpu.vector_load %arg14[%get3A_270, %get3A_271] {strides = array<i32>} : memref<2x2048xf32, #tpu.memory_space<vmem>>, vector<16xf32>,
      %mul3A_273 = arith.mulf %get3A_268, %get3A_272 : vector<16xf32>
      %add3A_274 = arith.addf %add3A_262, %mul3A_273 : vector<16xf32>
      %add3A_275 = arith.constant 512 : i32
      %add3A_276 = arith.addi %add3A_275, %sub3A_226 : i32
      %get3A_277 = arith.constant 0 : i32
      %get3A_278 = arith.index_cast %get3A_277 : i32 to index
      %get3A_279 = arith.index_cast %add3A_276 : i32 to index
      %get3A_280 = tpu.vector_load %arg13[%get3A_278, %get3A_279] {strides = array<i32>} : memref<2x2048xf32, #tpu.memory_space<vmem>>, vector<16xf32>,
      %get3A_281 = arith.constant 0 : i32
      %get3A_282 = arith.index_cast %get3A_281 : i32 to index
      %get3A_283 = arith.index_cast %add3A_276 : i32 to index
      %get3A_284 = tpu.vector_load %arg14[%get3A_282, %get3A_283] {strides = array<i32>} : memref<2x2048xf32, #tpu.memory_space<vmem>>, vector<16xf32>,
      %mul3A_285 = arith.mulf %get3A_280, %get3A_284 : vector<16xf32>
      %add3A_286 = arith.addf %add3A_274, %mul3A_285 : vector<16xf32>
      %add3A_287 = arith.constant 640 : i32
      %add3A_288 = arith.addi %add3A_287, %sub3A_226 : i32
      %get3A_289 = arith.constant 0 : i32
      %get3A_290 = arith.index_cast %get3A_289 : i32 to index
      %get3A_291 = arith.index_cast %add3A_288 : i32 to index
      %get3A_292 = tpu.vector_load %arg13[%get3A_290, %get3A_291] {strides = array<i32>} : memref<2x2048xf32, #tpu.memory_space<vmem>>, vector<16xf32>,
      %get3A_293 = arith.constant 0 : i32
      %get3A_294 = arith.index_cast %get3A_293 : i32 to index
      %get3A_295 = arith.index_cast %add3A_288 : i32 to index
      %get3A_296 = tpu.vector_load %arg14[%get3A_294, %get3A_295] {strides = array<i32>} : memref<2x2048xf32, #tpu.memory_space<vmem>>, vector<16xf32>,
      %mul3A_297 = arith.mulf %get3A_292, %get3A_296 : vector<16xf32>
      %add3A_298 = arith.addf %add3A_286, %mul3A_297 : vector<16xf32>
      %add3A_299 = arith.constant 768 : i32
      %add3A_300 = arith.addi %add3A_299, %sub3A_226 : i32
      %get3A_301 = arith.constant 0 : i32
      %get3A_302 = arith.index_cast %get3A_301 : i32 to index
      %get3A_303 = arith.index_cast %add3A_300 : i32 to index
      %get3A_304 = tpu.vector_load %arg13[%get3A_302, %get3A_303] {strides = array<i32>} : memref<2x2048xf32, #tpu.memory_space<vmem>>, vector<16xf32>,
      %get3A_305 = arith.constant 0 : i32
      %get3A_306 = arith.index_cast %get3A_305 : i32 to index
      %get3A_307 = arith.index_cast %add3A_300 : i32 to index
      %get3A_308 = tpu.vector_load %arg14[%get3A_306, %get3A_307] {strides = array<i32>} : memref<2x2048xf32, #tpu.memory_space<vmem>>, vector<16xf32>,
      %mul3A_309 = arith.mulf %get3A_304, %get3A_308 : vector<16xf32>
      %add3A_310 = arith.addf %add3A_298, %mul3A_309 : vector<16xf32>
      %add3A_311 = arith.constant 896 : i32
      %add3A_312 = arith.addi %add3A_311, %sub3A_226 : i32
      %get3A_313 = arith.constant 0 : i32
      %get3A_314 = arith.index_cast %get3A_313 : i32 to index
      %get3A_315 = arith.index_cast %add3A_312 : i32 to index
      %get3A_316 = tpu.vector_load %arg13[%get3A_314, %get3A_315] {strides = array<i32>} : memref<2x2048xf32, #tpu.memory_space<vmem>>, vector<16xf32>,
      %get3A_317 = arith.constant 0 : i32
      %get3A_318 = arith.index_cast %get3A_317 : i32 to index
      %get3A_319 = arith.index_cast %add3A_312 : i32 to index
      %get3A_320 = tpu.vector_load %arg14[%get3A_318, %get3A_319] {strides = array<i32>} : memref<2x2048xf32, #tpu.memory_space<vmem>>, vector<16xf32>,
      %mul3A_321 = arith.mulf %get3A_316, %get3A_320 : vector<16xf32>
      %add3A_322 = arith.addf %add3A_310, %mul3A_321 : vector<16xf32>
      %add3A_323 = arith.constant 1024 : i32
      %add3A_324 = arith.addi %add3A_323, %sub3A_226 : i32
      %get3A_325 = arith.constant 0 : i32
      %get3A_326 = arith.index_cast %get3A_325 : i32 to index
      %get3A_327 = arith.index_cast %add3A_324 : i32 to index
      %get3A_328 = tpu.vector_load %arg13[%get3A_326, %get3A_327] {strides = array<i32>} : memref<2x2048xf32, #tpu.memory_space<vmem>>, vector<16xf32>,
      %get3A_329 = arith.constant 0 : i32
      %get3A_330 = arith.index_cast %get3A_329 : i32 to index
      %get3A_331 = arith.index_cast %add3A_324 : i32 to index
      %get3A_332 = tpu.vector_load %arg14[%get3A_330, %get3A_331] {strides = array<i32>} : memref<2x2048xf32, #tpu.memory_space<vmem>>, vector<16xf32>,
      %mul3A_333 = arith.mulf %get3A_328, %get3A_332 : vector<16xf32>
      %add3A_334 = arith.addf %add3A_322, %mul3A_333 : vector<16xf32>
      %add3A_335 = arith.constant 1152 : i32
      %add3A_336 = arith.addi %add3A_335, %sub3A_226 : i32
      %get3A_337 = arith.constant 0 : i32
      %get3A_338 = arith.index_cast %get3A_337 : i32 to index
      %get3A_339 = arith.index_cast %add3A_336 : i32 to index
      %get3A_340 = tpu.vector_load %arg13[%get3A_338, %get3A_339] {strides = array<i32>} : memref<2x2048xf32, #tpu.memory_space<vmem>>, vector<16xf32>,
      %get3A_341 = arith.constant 0 : i32
      %get3A_342 = arith.index_cast %get3A_341 : i32 to index
      %get3A_343 = arith.index_cast %add3A_336 : i32 to index
      %get3A_344 = tpu.vector_load %arg14[%get3A_342, %get3A_343] {strides = array<i32>} : memref<2x2048xf32, #tpu.memory_space<vmem>>, vector<16xf32>,
      %mul3A_345 = arith.mulf %get3A_340, %get3A_344 : vector<16xf32>
      %add3A_346 = arith.addf %add3A_334, %mul3A_345 : vector<16xf32>
      %add3A_347 = arith.constant 1280 : i32
      %add3A_348 = arith.addi %add3A_347, %sub3A_226 : i32
      %get3A_349 = arith.constant 0 : i32
      %get3A_350 = arith.index_cast %get3A_349 : i32 to index
      %get3A_351 = arith.index_cast %add3A_348 : i32 to index
      %get3A_352 = tpu.vector_load %arg13[%get3A_350, %get3A_351] {strides = array<i32>} : memref<2x2048xf32, #tpu.memory_space<vmem>>, vector<16xf32>,
      %get3A_353 = arith.constant 0 : i32
      %get3A_354 = arith.index_cast %get3A_353 : i32 to index
      %get3A_355 = arith.index_cast %add3A_348 : i32 to index
      %get3A_356 = tpu.vector_load %arg14[%get3A_354, %get3A_355] {strides = array<i32>} : memref<2x2048xf32, #tpu.memory_space<vmem>>, vector<16xf32>,
      %mul3A_357 = arith.mulf %get3A_352, %get3A_356 : vector<16xf32>
      %add3A_358 = arith.addf %add3A_346, %mul3A_357 : vector<16xf32>
      %add3A_359 = arith.constant 1408 : i32
      %add3A_360 = arith.addi %add3A_359, %sub3A_226 : i32
      %get3A_361 = arith.constant 0 : i32
      %get3A_362 = arith.index_cast %get3A_361 : i32 to index
      %get3A_363 = arith.index_cast %add3A_360 : i32 to index
      %get3A_364 = tpu.vector_load %arg13[%get3A_362, %get3A_363] {strides = array<i32>} : memref<2x2048xf32, #tpu.memory_space<vmem>>, vector<16xf32>,
      %get3A_365 = arith.constant 0 : i32
      %get3A_366 = arith.index_cast %get3A_365 : i32 to index
      %get3A_367 = arith.index_cast %add3A_360 : i32 to index
      %get3A_368 = tpu.vector_load %arg14[%get3A_366, %get3A_367] {strides = array<i32>} : memref<2x2048xf32, #tpu.memory_space<vmem>>, vector<16xf32>,
      %mul3A_369 = arith.mulf %get3A_364, %get3A_368 : vector<16xf32>
      %add3A_370 = arith.addf %add3A_358, %mul3A_369 : vector<16xf32>
      %add3A_371 = arith.constant 1536 : i32
      %add3A_372 = arith.addi %add3A_371, %sub3A_226 : i32
      %get3A_373 = arith.constant 0 : i32
      %get3A_374 = arith.index_cast %get3A_373 : i32 to index
      %get3A_375 = arith.index_cast %add3A_372 : i32 to index
      %get3A_376 = tpu.vector_load %arg13[%get3A_374, %get3A_375] {strides = array<i32>} : memref<2x2048xf32, #tpu.memory_space<vmem>>, vector<16xf32>,
      %get3A_377 = arith.constant 0 : i32
      %get3A_378 = arith.index_cast %get3A_377 : i32 to index
      %get3A_379 = arith.index_cast %add3A_372 : i32 to index
      %get3A_380 = tpu.vector_load %arg14[%get3A_378, %get3A_379] {strides = array<i32>} : memref<2x2048xf32, #tpu.memory_space<vmem>>, vector<16xf32>,
      %mul3A_381 = arith.mulf %get3A_376, %get3A_380 : vector<16xf32>
      %add3A_382 = arith.addf %add3A_370, %mul3A_381 : vector<16xf32>
      %add3A_383 = arith.constant 1664 : i32
      %add3A_384 = arith.addi %add3A_383, %sub3A_226 : i32
      %get3A_385 = arith.constant 0 : i32
      %get3A_386 = arith.index_cast %get3A_385 : i32 to index
      %get3A_387 = arith.index_cast %add3A_384 : i32 to index
      %get3A_388 = tpu.vector_load %arg13[%get3A_386, %get3A_387] {strides = array<i32>} : memref<2x2048xf32, #tpu.memory_space<vmem>>, vector<16xf32>,
      %get3A_389 = arith.constant 0 : i32
      %get3A_390 = arith.index_cast %get3A_389 : i32 to index
      %get3A_391 = arith.index_cast %add3A_384 : i32 to index
      %get3A_392 = tpu.vector_load %arg14[%get3A_390, %get3A_391] {strides = array<i32>} : memref<2x2048xf32, #tpu.memory_space<vmem>>, vector<16xf32>,
      %mul3A_393 = arith.mulf %get3A_388, %get3A_392 : vector<16xf32>
      %add3A_394 = arith.addf %add3A_382, %mul3A_393 : vector<16xf32>
      %add3A_395 = arith.constant 1792 : i32
      %add3A_396 = arith.addi %add3A_395, %sub3A_226 : i32
      %get3A_397 = arith.constant 0 : i32
      %get3A_398 = arith.index_cast %get3A_397 : i32 to index
      %get3A_399 = arith.index_cast %add3A_396 : i32 to index
      %get3A_400 = tpu.vector_load %arg13[%get3A_398, %get3A_399] {strides = array<i32>} : memref<2x2048xf32, #tpu.memory_space<vmem>>, vector<16xf32>,
      %get3A_401 = arith.constant 0 : i32
      %get3A_402 = arith.index_cast %get3A_401 : i32 to index
      %get3A_403 = arith.index_cast %add3A_396 : i32 to index
      %get3A_404 = tpu.vector_load %arg14[%get3A_402, %get3A_403] {strides = array<i32>} : memref<2x2048xf32, #tpu.memory_space<vmem>>, vector<16xf32>,
      %mul3A_405 = arith.mulf %get3A_400, %get3A_404 : vector<16xf32>
      %add3A_406 = arith.addf %add3A_394, %mul3A_405 : vector<16xf32>
      %add3A_407 = arith.constant 1920 : i32
      %add3A_408 = arith.addi %add3A_407, %sub3A_226 : i32
      %get3A_409 = arith.constant 0 : i32
      %get3A_410 = arith.index_cast %get3A_409 : i32 to index
      %get3A_411 = arith.index_cast %add3A_408 : i32 to index
      %get3A_412 = tpu.vector_load %arg13[%get3A_410, %get3A_411] {strides = array<i32>} : memref<2x2048xf32, #tpu.memory_space<vmem>>, vector<16xf32>,
      %get3A_413 = arith.constant 0 : i32
      %get3A_414 = arith.index_cast %get3A_413 : i32 to index
      %get3A_415 = arith.index_cast %add3A_408 : i32 to index
      %get3A_416 = tpu.vector_load %arg14[%get3A_414, %get3A_415] {strides = array<i32>} : memref<2x2048xf32, #tpu.memory_space<vmem>>, vector<16xf32>,
      %mul3A_417 = arith.mulf %get3A_412, %get3A_416 : vector<16xf32>
      %add3A_418 = arith.addf %add3A_406, %mul3A_417 : vector<16xf32>
      %swap3A = arith.index_cast %mul3A_225 : i32 to index
      %swap3A_419 = tpu.vector_load %arg15[%swap3A] {strides = array<i32>} : memref<512xf32, #tpu.memory_space<vmem>>, vector<16xf32>,
      tpu.vector_store %arg15[%swap3A], %add3A_418 {strides = array<i32>} : memref<512xf32, #tpu.memory_space<vmem>>, vector<16xf32>,
      %scan3A_420 = arith.constant 0 : i32
      scf.yield %scan3A_420 : i32
    }
    %scan3A_86 = arith.constant 8 : i32
    %scan3A_87 = arith.constant 0 : i32
    %scan3A_88 = arith.constant 16 : i32
    %scan3A_89 = arith.constant 8 : i32
    %scan3A_90 = arith.addi %scan3A_88, %scan3A_89 : i32
    %scan3A_91 = arith.constant 1 : i32
    %scan3A_92 = scf.for %scan3A_222 = %scan3A_88 to %scan3A_90 step %scan3A_91 iter_args(%scan3A_223 = %scan3A_87) -> (i32)  : i32 {
      %mul3A_224 = arith.constant 16 : i32
      %mul3A_225 = arith.muli %scan3A_222, %mul3A_224 : i32
      %sub3A = arith.constant 256 : i32
      %sub3A_226 = arith.subi %mul3A_225, %sub3A : i32
      %get3A = arith.index_cast %mul3A_225 : i32 to index
      %get3A_227 = tpu.vector_load %arg8[%get3A] {strides = array<i32>} : memref<512xi32, #tpu.memory_space<vmem>>, vector<16xi32>,
      %mul3A_228 = arith.constant 100000 : i32
      %mul3A_229 = vector.broadcast %mul3A_228 : i32 to vector<16xi32>
      %mul3A_230 = arith.muli %get3A_227, %mul3A_229 : vector<16xi32>
      %get3A_231 = arith.index_cast %mul3A_225 : i32 to index
      %get3A_232 = tpu.vector_load %arg9[%get3A_231] {strides = array<i32>} : memref<512xi32, #tpu.memory_space<vmem>>, vector<16xi32>,
      %add3A_233 = arith.addi %mul3A_230, %get3A_232 : vector<16xi32>
      %get3A_234 = arith.index_cast %mul3A_225 : i32 to index
      %get3A_235 = tpu.vector_load %arg10[%get3A_234] {strides = array<i32>} : memref<512xi32, #tpu.memory_space<vmem>>, vector<16xi32>,
      %shift_right_arithmetic3A = arith.constant 7 : i32
      %shift_right_arithmetic3A_236 = vector.broadcast %shift_right_arithmetic3A : i32 to vector<16xi32>
      %shift_right_arithmetic3A_237 = arith.shrsi %add3A_233, %shift_right_arithmetic3A_236 : vector<16xi32>
      %shift_left3A = arith.constant 10 : i32
      %shift_left3A_238 = vector.broadcast %shift_left3A : i32 to vector<16xi32>
      %shift_left3A_239 = arith.shli %shift_right_arithmetic3A_237, %shift_left3A_238 : vector<16xi32>
      %and3A = arith.constant 127 : i32
      %and3A_240 = vector.broadcast %and3A : i32 to vector<16xi32>
      %and3A_241 = arith.andi %add3A_233, %and3A_240 : vector<16xi32>
      %add3A_242 = arith.addi %shift_left3A_239, %and3A_241 : vector<16xi32>
      %shift_right_arithmetic3A_243 = arith.constant 7 : i32
      %shift_right_arithmetic3A_244 = vector.broadcast %shift_right_arithmetic3A_243 : i32 to vector<16xi32>
      %shift_right_arithmetic3A_245 = arith.shrsi %get3A_235, %shift_right_arithmetic3A_244 : vector<16xi32>
      %shift_left3A_246 = arith.constant 10 : i32
      %shift_left3A_247 = vector.broadcast %shift_left3A_246 : i32 to vector<16xi32>
      %shift_left3A_248 = arith.shli %shift_right_arithmetic3A_245, %shift_left3A_247 : vector<16xi32>
      %and3A_249 = arith.constant 127 : i32
      %and3A_250 = vector.broadcast %and3A_249 : i32 to vector<16xi32>
      %and3A_251 = arith.andi %get3A_235, %and3A_250 : vector<16xi32>
      %add3A_252 = arith.addi %shift_left3A_248, %and3A_251 : vector<16xi32>
      %add3A_253 = arith.constant 0 : i32
      %add3A_254 = vector.broadcast %add3A_253 : i32 to vector<16xi32>
      %add3A_255 = arith.addi %add3A_242, %add3A_254 : vector<16xi32>
      %add3A_256 = arith.constant 0 : i32
      %add3A_257 = arith.addi %add3A_256, %sub3A_226 : i32
      %swap3A = arith.constant 0 : i32
      %swap3A_258 = arith.index_cast %swap3A : i32 to index
      %swap3A_259 = arith.index_cast %add3A_257 : i32 to index
      %swap3A_260 = tpu.vector_load %arg11[%swap3A_258, %swap3A_259] {strides = array<i32>} : memref<2x2048xi32, #tpu.memory_space<vmem>>, vector<16xi32>,
      tpu.vector_store %arg11[%swap3A_258, %swap3A_259], %add3A_255 {strides = array<i32>} : memref<2x2048xi32, #tpu.memory_space<vmem>>, vector<16xi32>,
      %add3A_261 = arith.constant 0 : i32
      %add3A_262 = vector.broadcast %add3A_261 : i32 to vector<16xi32>
      %add3A_263 = arith.addi %add3A_252, %add3A_262 : vector<16xi32>
      %add3A_264 = arith.constant 0 : i32
      %add3A_265 = arith.addi %add3A_264, %sub3A_226 : i32
      %swap3A_266 = arith.constant 0 : i32
      %swap3A_267 = arith.index_cast %swap3A_266 : i32 to index
      %swap3A_268 = arith.index_cast %add3A_265 : i32 to index
      %swap3A_269 = tpu.vector_load %arg12[%swap3A_267, %swap3A_268] {strides = array<i32>} : memref<2x2048xi32, #tpu.memory_space<vmem>>, vector<16xi32>,
      tpu.vector_store %arg12[%swap3A_267, %swap3A_268], %add3A_263 {strides = array<i32>} : memref<2x2048xi32, #tpu.memory_space<vmem>>, vector<16xi32>,
      %add3A_270 = arith.constant 128 : i32
      %add3A_271 = vector.broadcast %add3A_270 : i32 to vector<16xi32>
      %add3A_272 = arith.addi %add3A_242, %add3A_271 : vector<16xi32>
      %add3A_273 = arith.constant 128 : i32
      %add3A_274 = arith.addi %add3A_273, %sub3A_226 : i32
      %swap3A_275 = arith.constant 0 : i32
      %swap3A_276 = arith.index_cast %swap3A_275 : i32 to index
      %swap3A_277 = arith.index_cast %add3A_274 : i32 to index
      %swap3A_278 = tpu.vector_load %arg11[%swap3A_276, %swap3A_277] {strides = array<i32>} : memref<2x2048xi32, #tpu.memory_space<vmem>>, vector<16xi32>,
      tpu.vector_store %arg11[%swap3A_276, %swap3A_277], %add3A_272 {strides = array<i32>} : memref<2x2048xi32, #tpu.memory_space<vmem>>, vector<16xi32>,
      %add3A_279 = arith.constant 128 : i32
      %add3A_280 = vector.broadcast %add3A_279 : i32 to vector<16xi32>
      %add3A_281 = arith.addi %add3A_252, %add3A_280 : vector<16xi32>
      %add3A_282 = arith.constant 128 : i32
      %add3A_283 = arith.addi %add3A_282, %sub3A_226 : i32
      %swap3A_284 = arith.constant 0 : i32
      %swap3A_285 = arith.index_cast %swap3A_284 : i32 to index
      %swap3A_286 = arith.index_cast %add3A_283 : i32 to index
      %swap3A_287 = tpu.vector_load %arg12[%swap3A_285, %swap3A_286] {strides = array<i32>} : memref<2x2048xi32, #tpu.memory_space<vmem>>, vector<16xi32>,
      tpu.vector_store %arg12[%swap3A_285, %swap3A_286], %add3A_281 {strides = array<i32>} : memref<2x2048xi32, #tpu.memory_space<vmem>>, vector<16xi32>,
      %add3A_288 = arith.constant 256 : i32
      %add3A_289 = vector.broadcast %add3A_288 : i32 to vector<16xi32>
      %add3A_290 = arith.addi %add3A_242, %add3A_289 : vector<16xi32>
      %add3A_291 = arith.constant 256 : i32
      %add3A_292 = arith.addi %add3A_291, %sub3A_226 : i32
      %swap3A_293 = arith.constant 0 : i32
      %swap3A_294 = arith.index_cast %swap3A_293 : i32 to index
      %swap3A_295 = arith.index_cast %add3A_292 : i32 to index
      %swap3A_296 = tpu.vector_load %arg11[%swap3A_294, %swap3A_295] {strides = array<i32>} : memref<2x2048xi32, #tpu.memory_space<vmem>>, vector<16xi32>,
      tpu.vector_store %arg11[%swap3A_294, %swap3A_295], %add3A_290 {strides = array<i32>} : memref<2x2048xi32, #tpu.memory_space<vmem>>, vector<16xi32>,
      %add3A_297 = arith.constant 256 : i32
      %add3A_298 = vector.broadcast %add3A_297 : i32 to vector<16xi32>
      %add3A_299 = arith.addi %add3A_252, %add3A_298 : vector<16xi32>
      %add3A_300 = arith.constant 256 : i32
      %add3A_301 = arith.addi %add3A_300, %sub3A_226 : i32
      %swap3A_302 = arith.constant 0 : i32
      %swap3A_303 = arith.index_cast %swap3A_302 : i32 to index
      %swap3A_304 = arith.index_cast %add3A_301 : i32 to index
      %swap3A_305 = tpu.vector_load %arg12[%swap3A_303, %swap3A_304] {strides = array<i32>} : memref<2x2048xi32, #tpu.memory_space<vmem>>, vector<16xi32>,
      tpu.vector_store %arg12[%swap3A_303, %swap3A_304], %add3A_299 {strides = array<i32>} : memref<2x2048xi32, #tpu.memory_space<vmem>>, vector<16xi32>,
      %add3A_306 = arith.constant 384 : i32
      %add3A_307 = vector.broadcast %add3A_306 : i32 to vector<16xi32>
      %add3A_308 = arith.addi %add3A_242, %add3A_307 : vector<16xi32>
      %add3A_309 = arith.constant 384 : i32
      %add3A_310 = arith.addi %add3A_309, %sub3A_226 : i32
      %swap3A_311 = arith.constant 0 : i32
      %swap3A_312 = arith.index_cast %swap3A_311 : i32 to index
      %swap3A_313 = arith.index_cast %add3A_310 : i32 to index
      %swap3A_314 = tpu.vector_load %arg11[%swap3A_312, %swap3A_313] {strides = array<i32>} : memref<2x2048xi32, #tpu.memory_space<vmem>>, vector<16xi32>,
      tpu.vector_store %arg11[%swap3A_312, %swap3A_313], %add3A_308 {strides = array<i32>} : memref<2x2048xi32, #tpu.memory_space<vmem>>, vector<16xi32>,
      %add3A_315 = arith.constant 384 : i32
      %add3A_316 = vector.broadcast %add3A_315 : i32 to vector<16xi32>
      %add3A_317 = arith.addi %add3A_252, %add3A_316 : vector<16xi32>
      %add3A_318 = arith.constant 384 : i32
      %add3A_319 = arith.addi %add3A_318, %sub3A_226 : i32
      %swap3A_320 = arith.constant 0 : i32
      %swap3A_321 = arith.index_cast %swap3A_320 : i32 to index
      %swap3A_322 = arith.index_cast %add3A_319 : i32 to index
      %swap3A_323 = tpu.vector_load %arg12[%swap3A_321, %swap3A_322] {strides = array<i32>} : memref<2x2048xi32, #tpu.memory_space<vmem>>, vector<16xi32>,
      tpu.vector_store %arg12[%swap3A_321, %swap3A_322], %add3A_317 {strides = array<i32>} : memref<2x2048xi32, #tpu.memory_space<vmem>>, vector<16xi32>,
      %add3A_324 = arith.constant 512 : i32
      %add3A_325 = vector.broadcast %add3A_324 : i32 to vector<16xi32>
      %add3A_326 = arith.addi %add3A_242, %add3A_325 : vector<16xi32>
      %add3A_327 = arith.constant 512 : i32
      %add3A_328 = arith.addi %add3A_327, %sub3A_226 : i32
      %swap3A_329 = arith.constant 0 : i32
      %swap3A_330 = arith.index_cast %swap3A_329 : i32 to index
      %swap3A_331 = arith.index_cast %add3A_328 : i32 to index
      %swap3A_332 = tpu.vector_load %arg11[%swap3A_330, %swap3A_331] {strides = array<i32>} : memref<2x2048xi32, #tpu.memory_space<vmem>>, vector<16xi32>,
      tpu.vector_store %arg11[%swap3A_330, %swap3A_331], %add3A_326 {strides = array<i32>} : memref<2x2048xi32, #tpu.memory_space<vmem>>, vector<16xi32>,
      %add3A_333 = arith.constant 512 : i32
      %add3A_334 = vector.broadcast %add3A_333 : i32 to vector<16xi32>
      %add3A_335 = arith.addi %add3A_252, %add3A_334 : vector<16xi32>
      %add3A_336 = arith.constant 512 : i32
      %add3A_337 = arith.addi %add3A_336, %sub3A_226 : i32
      %swap3A_338 = arith.constant 0 : i32
      %swap3A_339 = arith.index_cast %swap3A_338 : i32 to index
      %swap3A_340 = arith.index_cast %add3A_337 : i32 to index
      %swap3A_341 = tpu.vector_load %arg12[%swap3A_339, %swap3A_340] {strides = array<i32>} : memref<2x2048xi32, #tpu.memory_space<vmem>>, vector<16xi32>,
      tpu.vector_store %arg12[%swap3A_339, %swap3A_340], %add3A_335 {strides = array<i32>} : memref<2x2048xi32, #tpu.memory_space<vmem>>, vector<16xi32>,
      %add3A_342 = arith.constant 640 : i32
      %add3A_343 = vector.broadcast %add3A_342 : i32 to vector<16xi32>
      %add3A_344 = arith.addi %add3A_242, %add3A_343 : vector<16xi32>
      %add3A_345 = arith.constant 640 : i32
      %add3A_346 = arith.addi %add3A_345, %sub3A_226 : i32
      %swap3A_347 = arith.constant 0 : i32
      %swap3A_348 = arith.index_cast %swap3A_347 : i32 to index
      %swap3A_349 = arith.index_cast %add3A_346 : i32 to index
      %swap3A_350 = tpu.vector_load %arg11[%swap3A_348, %swap3A_349] {strides = array<i32>} : memref<2x2048xi32, #tpu.memory_space<vmem>>, vector<16xi32>,
      tpu.vector_store %arg11[%swap3A_348, %swap3A_349], %add3A_344 {strides = array<i32>} : memref<2x2048xi32, #tpu.memory_space<vmem>>, vector<16xi32>,
      %add3A_351 = arith.constant 640 : i32
      %add3A_352 = vector.broadcast %add3A_351 : i32 to vector<16xi32>
      %add3A_353 = arith.addi %add3A_252, %add3A_352 : vector<16xi32>
      %add3A_354 = arith.constant 640 : i32
      %add3A_355 = arith.addi %add3A_354, %sub3A_226 : i32
      %swap3A_356 = arith.constant 0 : i32
      %swap3A_357 = arith.index_cast %swap3A_356 : i32 to index
      %swap3A_358 = arith.index_cast %add3A_355 : i32 to index
      %swap3A_359 = tpu.vector_load %arg12[%swap3A_357, %swap3A_358] {strides = array<i32>} : memref<2x2048xi32, #tpu.memory_space<vmem>>, vector<16xi32>,
      tpu.vector_store %arg12[%swap3A_357, %swap3A_358], %add3A_353 {strides = array<i32>} : memref<2x2048xi32, #tpu.memory_space<vmem>>, vector<16xi32>,
      %add3A_360 = arith.constant 768 : i32
      %add3A_361 = vector.broadcast %add3A_360 : i32 to vector<16xi32>
      %add3A_362 = arith.addi %add3A_242, %add3A_361 : vector<16xi32>
      %add3A_363 = arith.constant 768 : i32
      %add3A_364 = arith.addi %add3A_363, %sub3A_226 : i32
      %swap3A_365 = arith.constant 0 : i32
      %swap3A_366 = arith.index_cast %swap3A_365 : i32 to index
      %swap3A_367 = arith.index_cast %add3A_364 : i32 to index
      %swap3A_368 = tpu.vector_load %arg11[%swap3A_366, %swap3A_367] {strides = array<i32>} : memref<2x2048xi32, #tpu.memory_space<vmem>>, vector<16xi32>,
      tpu.vector_store %arg11[%swap3A_366, %swap3A_367], %add3A_362 {strides = array<i32>} : memref<2x2048xi32, #tpu.memory_space<vmem>>, vector<16xi32>,
      %add3A_369 = arith.constant 768 : i32
      %add3A_370 = vector.broadcast %add3A_369 : i32 to vector<16xi32>
      %add3A_371 = arith.addi %add3A_252, %add3A_370 : vector<16xi32>
      %add3A_372 = arith.constant 768 : i32
      %add3A_373 = arith.addi %add3A_372, %sub3A_226 : i32
      %swap3A_374 = arith.constant 0 : i32
      %swap3A_375 = arith.index_cast %swap3A_374 : i32 to index
      %swap3A_376 = arith.index_cast %add3A_373 : i32 to index
      %swap3A_377 = tpu.vector_load %arg12[%swap3A_375, %swap3A_376] {strides = array<i32>} : memref<2x2048xi32, #tpu.memory_space<vmem>>, vector<16xi32>,
      tpu.vector_store %arg12[%swap3A_375, %swap3A_376], %add3A_371 {strides = array<i32>} : memref<2x2048xi32, #tpu.memory_space<vmem>>, vector<16xi32>,
      %add3A_378 = arith.constant 896 : i32
      %add3A_379 = vector.broadcast %add3A_378 : i32 to vector<16xi32>
      %add3A_380 = arith.addi %add3A_242, %add3A_379 : vector<16xi32>
      %add3A_381 = arith.constant 896 : i32
      %add3A_382 = arith.addi %add3A_381, %sub3A_226 : i32
      %swap3A_383 = arith.constant 0 : i32
      %swap3A_384 = arith.index_cast %swap3A_383 : i32 to index
      %swap3A_385 = arith.index_cast %add3A_382 : i32 to index
      %swap3A_386 = tpu.vector_load %arg11[%swap3A_384, %swap3A_385] {strides = array<i32>} : memref<2x2048xi32, #tpu.memory_space<vmem>>, vector<16xi32>,
      tpu.vector_store %arg11[%swap3A_384, %swap3A_385], %add3A_380 {strides = array<i32>} : memref<2x2048xi32, #tpu.memory_space<vmem>>, vector<16xi32>,
      %add3A_387 = arith.constant 896 : i32
      %add3A_388 = vector.broadcast %add3A_387 : i32 to vector<16xi32>
      %add3A_389 = arith.addi %add3A_252, %add3A_388 : vector<16xi32>
      %add3A_390 = arith.constant 896 : i32
      %add3A_391 = arith.addi %add3A_390, %sub3A_226 : i32
      %swap3A_392 = arith.constant 0 : i32
      %swap3A_393 = arith.index_cast %swap3A_392 : i32 to index
      %swap3A_394 = arith.index_cast %add3A_391 : i32 to index
      %swap3A_395 = tpu.vector_load %arg12[%swap3A_393, %swap3A_394] {strides = array<i32>} : memref<2x2048xi32, #tpu.memory_space<vmem>>, vector<16xi32>,
      tpu.vector_store %arg12[%swap3A_393, %swap3A_394], %add3A_389 {strides = array<i32>} : memref<2x2048xi32, #tpu.memory_space<vmem>>, vector<16xi32>,
      %add3A_396 = arith.constant 3200000 : i32
      %add3A_397 = vector.broadcast %add3A_396 : i32 to vector<16xi32>
      %add3A_398 = arith.addi %add3A_242, %add3A_397 : vector<16xi32>
      %add3A_399 = arith.constant 1024 : i32
      %add3A_400 = arith.addi %add3A_399, %sub3A_226 : i32
      %swap3A_401 = arith.constant 0 : i32
      %swap3A_402 = arith.index_cast %swap3A_401 : i32 to index
      %swap3A_403 = arith.index_cast %add3A_400 : i32 to index
      %swap3A_404 = tpu.vector_load %arg11[%swap3A_402, %swap3A_403] {strides = array<i32>} : memref<2x2048xi32, #tpu.memory_space<vmem>>, vector<16xi32>,
      tpu.vector_store %arg11[%swap3A_402, %swap3A_403], %add3A_398 {strides = array<i32>} : memref<2x2048xi32, #tpu.memory_space<vmem>>, vector<16xi32>,
      %add3A_405 = arith.constant 800768 : i32
      %add3A_406 = vector.broadcast %add3A_405 : i32 to vector<16xi32>
      %add3A_407 = arith.addi %add3A_252, %add3A_406 : vector<16xi32>
      %add3A_408 = arith.constant 1024 : i32
      %add3A_409 = arith.addi %add3A_408, %sub3A_226 : i32
      %swap3A_410 = arith.constant 0 : i32
      %swap3A_411 = arith.index_cast %swap3A_410 : i32 to index
      %swap3A_412 = arith.index_cast %add3A_409 : i32 to index
      %swap3A_413 = tpu.vector_load %arg12[%swap3A_411, %swap3A_412] {strides = array<i32>} : memref<2x2048xi32, #tpu.memory_space<vmem>>, vector<16xi32>,
      tpu.vector_store %arg12[%swap3A_411, %swap3A_412], %add3A_407 {strides = array<i32>} : memref<2x2048xi32, #tpu.memory_space<vmem>>, vector<16xi32>,
      %add3A_414 = arith.constant 3200128 : i32
      %add3A_415 = vector.broadcast %add3A_414 : i32 to vector<16xi32>
      %add3A_416 = arith.addi %add3A_242, %add3A_415 : vector<16xi32>
      %add3A_417 = arith.constant 1152 : i32
      %add3A_418 = arith.addi %add3A_417, %sub3A_226 : i32
      %swap3A_419 = arith.constant 0 : i32
      %swap3A_420 = arith.index_cast %swap3A_419 : i32 to index
      %swap3A_421 = arith.index_cast %add3A_418 : i32 to index
      %swap3A_422 = tpu.vector_load %arg11[%swap3A_420, %swap3A_421] {strides = array<i32>} : memref<2x2048xi32, #tpu.memory_space<vmem>>, vector<16xi32>,
      tpu.vector_store %arg11[%swap3A_420, %swap3A_421], %add3A_416 {strides = array<i32>} : memref<2x2048xi32, #tpu.memory_space<vmem>>, vector<16xi32>,
      %add3A_423 = arith.constant 800896 : i32
      %add3A_424 = vector.broadcast %add3A_423 : i32 to vector<16xi32>
      %add3A_425 = arith.addi %add3A_252, %add3A_424 : vector<16xi32>
      %add3A_426 = arith.constant 1152 : i32
      %add3A_427 = arith.addi %add3A_426, %sub3A_226 : i32
      %swap3A_428 = arith.constant 0 : i32
      %swap3A_429 = arith.index_cast %swap3A_428 : i32 to index
      %swap3A_430 = arith.index_cast %add3A_427 : i32 to index
      %swap3A_431 = tpu.vector_load %arg12[%swap3A_429, %swap3A_430] {strides = array<i32>} : memref<2x2048xi32, #tpu.memory_space<vmem>>, vector<16xi32>,
      tpu.vector_store %arg12[%swap3A_429, %swap3A_430], %add3A_425 {strides = array<i32>} : memref<2x2048xi32, #tpu.memory_space<vmem>>, vector<16xi32>,
      %add3A_432 = arith.constant 3200256 : i32
      %add3A_433 = vector.broadcast %add3A_432 : i32 to vector<16xi32>
      %add3A_434 = arith.addi %add3A_242, %add3A_433 : vector<16xi32>
      %add3A_435 = arith.constant 1280 : i32
      %add3A_436 = arith.addi %add3A_435, %sub3A_226 : i32
      %swap3A_437 = arith.constant 0 : i32
      %swap3A_438 = arith.index_cast %swap3A_437 : i32 to index
      %swap3A_439 = arith.index_cast %add3A_436 : i32 to index
      %swap3A_440 = tpu.vector_load %arg11[%swap3A_438, %swap3A_439] {strides = array<i32>} : memref<2x2048xi32, #tpu.memory_space<vmem>>, vector<16xi32>,
      tpu.vector_store %arg11[%swap3A_438, %swap3A_439], %add3A_434 {strides = array<i32>} : memref<2x2048xi32, #tpu.memory_space<vmem>>, vector<16xi32>,
      %add3A_441 = arith.constant 801024 : i32
      %add3A_442 = vector.broadcast %add3A_441 : i32 to vector<16xi32>
      %add3A_443 = arith.addi %add3A_252, %add3A_442 : vector<16xi32>
      %add3A_444 = arith.constant 1280 : i32
      %add3A_445 = arith.addi %add3A_444, %sub3A_226 : i32
      %swap3A_446 = arith.constant 0 : i32
      %swap3A_447 = arith.index_cast %swap3A_446 : i32 to index
      %swap3A_448 = arith.index_cast %add3A_445 : i32 to index
      %swap3A_449 = tpu.vector_load %arg12[%swap3A_447, %swap3A_448] {strides = array<i32>} : memref<2x2048xi32, #tpu.memory_space<vmem>>, vector<16xi32>,
      tpu.vector_store %arg12[%swap3A_447, %swap3A_448], %add3A_443 {strides = array<i32>} : memref<2x2048xi32, #tpu.memory_space<vmem>>, vector<16xi32>,
      %add3A_450 = arith.constant 3200384 : i32
      %add3A_451 = vector.broadcast %add3A_450 : i32 to vector<16xi32>
      %add3A_452 = arith.addi %add3A_242, %add3A_451 : vector<16xi32>
      %add3A_453 = arith.constant 1408 : i32
      %add3A_454 = arith.addi %add3A_453, %sub3A_226 : i32
      %swap3A_455 = arith.constant 0 : i32
      %swap3A_456 = arith.index_cast %swap3A_455 : i32 to index
      %swap3A_457 = arith.index_cast %add3A_454 : i32 to index
      %swap3A_458 = tpu.vector_load %arg11[%swap3A_456, %swap3A_457] {strides = array<i32>} : memref<2x2048xi32, #tpu.memory_space<vmem>>, vector<16xi32>,
      tpu.vector_store %arg11[%swap3A_456, %swap3A_457], %add3A_452 {strides = array<i32>} : memref<2x2048xi32, #tpu.memory_space<vmem>>, vector<16xi32>,
      %add3A_459 = arith.constant 801152 : i32
      %add3A_460 = vector.broadcast %add3A_459 : i32 to vector<16xi32>
      %add3A_461 = arith.addi %add3A_252, %add3A_460 : vector<16xi32>
      %add3A_462 = arith.constant 1408 : i32
      %add3A_463 = arith.addi %add3A_462, %sub3A_226 : i32
      %swap3A_464 = arith.constant 0 : i32
      %swap3A_465 = arith.index_cast %swap3A_464 : i32 to index
      %swap3A_466 = arith.index_cast %add3A_463 : i32 to index
      %swap3A_467 = tpu.vector_load %arg12[%swap3A_465, %swap3A_466] {strides = array<i32>} : memref<2x2048xi32, #tpu.memory_space<vmem>>, vector<16xi32>,
      tpu.vector_store %arg12[%swap3A_465, %swap3A_466], %add3A_461 {strides = array<i32>} : memref<2x2048xi32, #tpu.memory_space<vmem>>, vector<16xi32>,
      %add3A_468 = arith.constant 3200512 : i32
      %add3A_469 = vector.broadcast %add3A_468 : i32 to vector<16xi32>
      %add3A_470 = arith.addi %add3A_242, %add3A_469 : vector<16xi32>
      %add3A_471 = arith.constant 1536 : i32
      %add3A_472 = arith.addi %add3A_471, %sub3A_226 : i32
      %swap3A_473 = arith.constant 0 : i32
      %swap3A_474 = arith.index_cast %swap3A_473 : i32 to index
      %swap3A_475 = arith.index_cast %add3A_472 : i32 to index
      %swap3A_476 = tpu.vector_load %arg11[%swap3A_474, %swap3A_475] {strides = array<i32>} : memref<2x2048xi32, #tpu.memory_space<vmem>>, vector<16xi32>,
      tpu.vector_store %arg11[%swap3A_474, %swap3A_475], %add3A_470 {strides = array<i32>} : memref<2x2048xi32, #tpu.memory_space<vmem>>, vector<16xi32>,
      %add3A_477 = arith.constant 801280 : i32
      %add3A_478 = vector.broadcast %add3A_477 : i32 to vector<16xi32>
      %add3A_479 = arith.addi %add3A_252, %add3A_478 : vector<16xi32>
      %add3A_480 = arith.constant 1536 : i32
      %add3A_481 = arith.addi %add3A_480, %sub3A_226 : i32
      %swap3A_482 = arith.constant 0 : i32
      %swap3A_483 = arith.index_cast %swap3A_482 : i32 to index
      %swap3A_484 = arith.index_cast %add3A_481 : i32 to index
      %swap3A_485 = tpu.vector_load %arg12[%swap3A_483, %swap3A_484] {strides = array<i32>} : memref<2x2048xi32, #tpu.memory_space<vmem>>, vector<16xi32>,
      tpu.vector_store %arg12[%swap3A_483, %swap3A_484], %add3A_479 {strides = array<i32>} : memref<2x2048xi32, #tpu.memory_space<vmem>>, vector<16xi32>,
      %add3A_486 = arith.constant 3200640 : i32
      %add3A_487 = vector.broadcast %add3A_486 : i32 to vector<16xi32>
      %add3A_488 = arith.addi %add3A_242, %add3A_487 : vector<16xi32>
      %add3A_489 = arith.constant 1664 : i32
      %add3A_490 = arith.addi %add3A_489, %sub3A_226 : i32
      %swap3A_491 = arith.constant 0 : i32
      %swap3A_492 = arith.index_cast %swap3A_491 : i32 to index
      %swap3A_493 = arith.index_cast %add3A_490 : i32 to index
      %swap3A_494 = tpu.vector_load %arg11[%swap3A_492, %swap3A_493] {strides = array<i32>} : memref<2x2048xi32, #tpu.memory_space<vmem>>, vector<16xi32>,
      tpu.vector_store %arg11[%swap3A_492, %swap3A_493], %add3A_488 {strides = array<i32>} : memref<2x2048xi32, #tpu.memory_space<vmem>>, vector<16xi32>,
      %add3A_495 = arith.constant 801408 : i32
      %add3A_496 = vector.broadcast %add3A_495 : i32 to vector<16xi32>
      %add3A_497 = arith.addi %add3A_252, %add3A_496 : vector<16xi32>
      %add3A_498 = arith.constant 1664 : i32
      %add3A_499 = arith.addi %add3A_498, %sub3A_226 : i32
      %swap3A_500 = arith.constant 0 : i32
      %swap3A_501 = arith.index_cast %swap3A_500 : i32 to index
      %swap3A_502 = arith.index_cast %add3A_499 : i32 to index
      %swap3A_503 = tpu.vector_load %arg12[%swap3A_501, %swap3A_502] {strides = array<i32>} : memref<2x2048xi32, #tpu.memory_space<vmem>>, vector<16xi32>,
      tpu.vector_store %arg12[%swap3A_501, %swap3A_502], %add3A_497 {strides = array<i32>} : memref<2x2048xi32, #tpu.memory_space<vmem>>, vector<16xi32>,
      %add3A_504 = arith.constant 3200768 : i32
      %add3A_505 = vector.broadcast %add3A_504 : i32 to vector<16xi32>
      %add3A_506 = arith.addi %add3A_242, %add3A_505 : vector<16xi32>
      %add3A_507 = arith.constant 1792 : i32
      %add3A_508 = arith.addi %add3A_507, %sub3A_226 : i32
      %swap3A_509 = arith.constant 0 : i32
      %swap3A_510 = arith.index_cast %swap3A_509 : i32 to index
      %swap3A_511 = arith.index_cast %add3A_508 : i32 to index
      %swap3A_512 = tpu.vector_load %arg11[%swap3A_510, %swap3A_511] {strides = array<i32>} : memref<2x2048xi32, #tpu.memory_space<vmem>>, vector<16xi32>,
      tpu.vector_store %arg11[%swap3A_510, %swap3A_511], %add3A_506 {strides = array<i32>} : memref<2x2048xi32, #tpu.memory_space<vmem>>, vector<16xi32>,
      %add3A_513 = arith.constant 801536 : i32
      %add3A_514 = vector.broadcast %add3A_513 : i32 to vector<16xi32>
      %add3A_515 = arith.addi %add3A_252, %add3A_514 : vector<16xi32>
      %add3A_516 = arith.constant 1792 : i32
      %add3A_517 = arith.addi %add3A_516, %sub3A_226 : i32
      %swap3A_518 = arith.constant 0 : i32
      %swap3A_519 = arith.index_cast %swap3A_518 : i32 to index
      %swap3A_520 = arith.index_cast %add3A_517 : i32 to index
      %swap3A_521 = tpu.vector_load %arg12[%swap3A_519, %swap3A_520] {strides = array<i32>} : memref<2x2048xi32, #tpu.memory_space<vmem>>, vector<16xi32>,
      tpu.vector_store %arg12[%swap3A_519, %swap3A_520], %add3A_515 {strides = array<i32>} : memref<2x2048xi32, #tpu.memory_space<vmem>>, vector<16xi32>,
      %add3A_522 = arith.constant 3200896 : i32
      %add3A_523 = vector.broadcast %add3A_522 : i32 to vector<16xi32>
      %add3A_524 = arith.addi %add3A_242, %add3A_523 : vector<16xi32>
      %add3A_525 = arith.constant 1920 : i32
      %add3A_526 = arith.addi %add3A_525, %sub3A_226 : i32
      %swap3A_527 = arith.constant 0 : i32
      %swap3A_528 = arith.index_cast %swap3A_527 : i32 to index
      %swap3A_529 = arith.index_cast %add3A_526 : i32 to index
      %swap3A_530 = tpu.vector_load %arg11[%swap3A_528, %swap3A_529] {strides = array<i32>} : memref<2x2048xi32, #tpu.memory_space<vmem>>, vector<16xi32>,
      tpu.vector_store %arg11[%swap3A_528, %swap3A_529], %add3A_524 {strides = array<i32>} : memref<2x2048xi32, #tpu.memory_space<vmem>>, vector<16xi32>,
      %add3A_531 = arith.constant 801664 : i32
      %add3A_532 = vector.broadcast %add3A_531 : i32 to vector<16xi32>
      %add3A_533 = arith.addi %add3A_252, %add3A_532 : vector<16xi32>
      %add3A_534 = arith.constant 1920 : i32
      %add3A_535 = arith.addi %add3A_534, %sub3A_226 : i32
      %swap3A_536 = arith.constant 0 : i32
      %swap3A_537 = arith.index_cast %swap3A_536 : i32 to index
      %swap3A_538 = arith.index_cast %add3A_535 : i32 to index
      %swap3A_539 = tpu.vector_load %arg12[%swap3A_537, %swap3A_538] {strides = array<i32>} : memref<2x2048xi32, #tpu.memory_space<vmem>>, vector<16xi32>,
      tpu.vector_store %arg12[%swap3A_537, %swap3A_538], %add3A_533 {strides = array<i32>} : memref<2x2048xi32, #tpu.memory_space<vmem>>, vector<16xi32>,
      %scan3A_540 = arith.constant 0 : i32
      scf.yield %scan3A_540 : i32
    }
    %scan3A_93 = arith.constant 8 : i32
    %dma_start3A_94 = arith.constant 0 : i32
    %dma_start3A_95 = arith.constant 0 : i32
    %dma_start3A_96 = arith.constant 0 : i32
    %dma_start3A_97 = tpu.memref_slice %arg13[%dma_start3A_95, %dma_start3A_96] : memref<2x2048xf32, #tpu.memory_space<vmem>> -> memref<1x2048xf32, #tpu.memory_space<vmem>>
    %dma_start3A_98 = tpu.memref_squeeze %dma_start3A_97 : memref<1x2048xf32, #tpu.memory_space<vmem>> -> memref<2048xf32, #tpu.memory_space<vmem>>
    %dma_start3A_99 = arith.constant 0 : i32
    %dma_start3A_100 = tpu.memref_slice %arg11[%dma_start3A_94, %dma_start3A_99] : memref<2x2048xi32, #tpu.memory_space<vmem>> -> memref<1x2048xi32, #tpu.memory_space<vmem>>
    %dma_start3A_101 = tpu.memref_squeeze %dma_start3A_100 : memref<1x2048xi32, #tpu.memory_space<vmem>> -> memref<2048xi32, #tpu.memory_space<vmem>>
    %dma_start3A_102 = arith.constant 0 : i32
    %dma_start3A_103 = tpu.memref_slice %arg5[%dma_start3A_102] : memref<6400000xf32, #tpu.memory_space<hbm>> -> memref<6400000xf32, #tpu.memory_space<hbm>>
    tpu.enqueue_indirect_dma source(%dma_start3A_103 : memref<6400000xf32, #tpu.memory_space<hbm>>) target(%dma_start3A_98 : memref<2048xf32, #tpu.memory_space<vmem>>) offsets(%dma_start3A_101 : memref<2048xi32, #tpu.memory_space<vmem>>) semaphore(%arg17 : memref<!tpu.dma_semaphore, #tpu.memory_space<semaphore_mem>>)
    %dma_start3A_104 = arith.constant 0 : i32
    %dma_start3A_105 = arith.constant 0 : i32
    %dma_start3A_106 = arith.constant 0 : i32
    %dma_start3A_107 = tpu.memref_slice %arg14[%dma_start3A_105, %dma_start3A_106] : memref<2x2048xf32, #tpu.memory_space<vmem>> -> memref<1x2048xf32, #tpu.memory_space<vmem>>
    %dma_start3A_108 = tpu.memref_squeeze %dma_start3A_107 : memref<1x2048xf32, #tpu.memory_space<vmem>> -> memref<2048xf32, #tpu.memory_space<vmem>>
    %dma_start3A_109 = arith.constant 0 : i32
    %dma_start3A_110 = tpu.memref_slice %arg12[%dma_start3A_104, %dma_start3A_109] : memref<2x2048xi32, #tpu.memory_space<vmem>> -> memref<1x2048xi32, #tpu.memory_space<vmem>>
    %dma_start3A_111 = tpu.memref_squeeze %dma_start3A_110 : memref<1x2048xi32, #tpu.memory_space<vmem>> -> memref<2048xi32, #tpu.memory_space<vmem>>
    %dma_start3A_112 = arith.constant 0 : i32
    %dma_start3A_113 = tpu.memref_slice %arg16[%dma_start3A_112] : memref<1601536xf32, #tpu.memory_space<vmem_shared>> -> memref<1601536xf32, #tpu.memory_space<vmem_shared>>
    tpu.enqueue_indirect_dma source(%dma_start3A_113 : memref<1601536xf32, #tpu.memory_space<vmem_shared>>) target(%dma_start3A_108 : memref<2048xf32, #tpu.memory_space<vmem>>) offsets(%dma_start3A_111 : memref<2048xi32, #tpu.memory_space<vmem>>) semaphore(%arg19 : memref<!tpu.dma_semaphore, #tpu.memory_space<semaphore_mem>>)
    %dma_wait3A_114 = arith.constant 1 : i32
    %dma_wait3A_115 = arith.constant 1 : i32
    %dma_wait3A_116 = arith.constant 0 : i32
    %dma_wait3A_117 = tpu.memref_slice %arg13[%dma_wait3A_115, %dma_wait3A_116] : memref<2x2048xf32, #tpu.memory_space<vmem>> -> memref<1x2048xf32, #tpu.memory_space<vmem>>
    %dma_wait3A_118 = tpu.memref_squeeze %dma_wait3A_117 : memref<1x2048xf32, #tpu.memory_space<vmem>> -> memref<2048xf32, #tpu.memory_space<vmem>>
    %dma_wait3A_119 = arith.constant 0 : i32
    %dma_wait3A_120 = tpu.memref_slice %arg11[%dma_wait3A_114, %dma_wait3A_119] : memref<2x2048xi32, #tpu.memory_space<vmem>> -> memref<1x2048xi32, #tpu.memory_space<vmem>>
    %dma_wait3A_121 = tpu.memref_squeeze %dma_wait3A_120 : memref<1x2048xi32, #tpu.memory_space<vmem>> -> memref<2048xi32, #tpu.memory_space<vmem>>
    %dma_wait3A_122 = arith.constant 0 : i32
    %dma_wait3A_123 = tpu.memref_slice %arg5[%dma_wait3A_122] : memref<6400000xf32, #tpu.memory_space<hbm>> -> memref<6400000xf32, #tpu.memory_space<hbm>>
    tpu.wait_indirect_dma semaphore(%arg18 : memref<!tpu.dma_semaphore, #tpu.memory_space<semaphore_mem>>) src(%dma_wait3A_123 : memref<6400000xf32, #tpu.memory_space<hbm>>) dst(%dma_wait3A_118 : memref<2048xf32, #tpu.memory_space<vmem>>)
    %dma_wait3A_124 = arith.constant 1 : i32
    %dma_wait3A_125 = arith.constant 1 : i32
    %dma_wait3A_126 = arith.constant 0 : i32
    %dma_wait3A_127 = tpu.memref_slice %arg14[%dma_wait3A_125, %dma_wait3A_126] : memref<2x2048xf32, #tpu.memory_space<vmem>> -> memref<1x2048xf32, #tpu.memory_space<vmem>>
    %dma_wait3A_128 = tpu.memref_squeeze %dma_wait3A_127 : memref<1x2048xf32, #tpu.memory_space<vmem>> -> memref<2048xf32, #tpu.memory_space<vmem>>
    %dma_wait3A_129 = arith.constant 0 : i32
    %dma_wait3A_130 = tpu.memref_slice %arg12[%dma_wait3A_124, %dma_wait3A_129] : memref<2x2048xi32, #tpu.memory_space<vmem>> -> memref<1x2048xi32, #tpu.memory_space<vmem>>
    %dma_wait3A_131 = tpu.memref_squeeze %dma_wait3A_130 : memref<1x2048xi32, #tpu.memory_space<vmem>> -> memref<2048xi32, #tpu.memory_space<vmem>>
    %dma_wait3A_132 = arith.constant 0 : i32
    %dma_wait3A_133 = tpu.memref_slice %arg16[%dma_wait3A_132] : memref<1601536xf32, #tpu.memory_space<vmem_shared>> -> memref<1601536xf32, #tpu.memory_space<vmem_shared>>
    tpu.wait_indirect_dma semaphore(%arg20 : memref<!tpu.dma_semaphore, #tpu.memory_space<semaphore_mem>>) src(%dma_wait3A_133 : memref<1601536xf32, #tpu.memory_space<vmem_shared>>) dst(%dma_wait3A_128 : memref<2048xf32, #tpu.memory_space<vmem>>)
    %scan3A_134 = arith.constant 0 : i32
    %scan3A_135 = arith.constant 8 : i32
    %scan3A_136 = arith.constant 8 : i32
    %scan3A_137 = arith.addi %scan3A_135, %scan3A_136 : i32
    %scan3A_138 = arith.constant 1 : i32
    %scan3A_139 = scf.for %scan3A_222 = %scan3A_135 to %scan3A_137 step %scan3A_138 iter_args(%scan3A_223 = %scan3A_134) -> (i32)  : i32 {
      %mul3A_224 = arith.constant 16 : i32
      %mul3A_225 = arith.muli %scan3A_222, %mul3A_224 : i32
      %sub3A = arith.constant 128 : i32
      %sub3A_226 = arith.subi %mul3A_225, %sub3A : i32
      %broadcast_in_dim3A = arith.constant 0.000000e+00 : f32
      %broadcast_in_dim3A_227 = vector.broadcast %broadcast_in_dim3A : f32 to vector<16xf32>
      %add3A_228 = arith.constant 0 : i32
      %add3A_229 = arith.addi %add3A_228, %sub3A_226 : i32
      %get3A = arith.constant 1 : i32
      %get3A_230 = arith.index_cast %get3A : i32 to index
      %get3A_231 = arith.index_cast %add3A_229 : i32 to index
      %get3A_232 = tpu.vector_load %arg13[%get3A_230, %get3A_231] {strides = array<i32>} : memref<2x2048xf32, #tpu.memory_space<vmem>>, vector<16xf32>,
      %get3A_233 = arith.constant 1 : i32
      %get3A_234 = arith.index_cast %get3A_233 : i32 to index
      %get3A_235 = arith.index_cast %add3A_229 : i32 to index
      %get3A_236 = tpu.vector_load %arg14[%get3A_234, %get3A_235] {strides = array<i32>} : memref<2x2048xf32, #tpu.memory_space<vmem>>, vector<16xf32>,
      %mul3A_237 = arith.mulf %get3A_232, %get3A_236 : vector<16xf32>
      %add3A_238 = arith.addf %broadcast_in_dim3A_227, %mul3A_237 : vector<16xf32>
      %add3A_239 = arith.constant 128 : i32
      %add3A_240 = arith.addi %add3A_239, %sub3A_226 : i32
      %get3A_241 = arith.constant 1 : i32
      %get3A_242 = arith.index_cast %get3A_241 : i32 to index
      %get3A_243 = arith.index_cast %add3A_240 : i32 to index
      %get3A_244 = tpu.vector_load %arg13[%get3A_242, %get3A_243] {strides = array<i32>} : memref<2x2048xf32, #tpu.memory_space<vmem>>, vector<16xf32>,
      %get3A_245 = arith.constant 1 : i32
      %get3A_246 = arith.index_cast %get3A_245 : i32 to index
      %get3A_247 = arith.index_cast %add3A_240 : i32 to index
      %get3A_248 = tpu.vector_load %arg14[%get3A_246, %get3A_247] {strides = array<i32>} : memref<2x2048xf32, #tpu.memory_space<vmem>>, vector<16xf32>,
      %mul3A_249 = arith.mulf %get3A_244, %get3A_248 : vector<16xf32>
      %add3A_250 = arith.addf %add3A_238, %mul3A_249 : vector<16xf32>
      %add3A_251 = arith.constant 256 : i32
      %add3A_252 = arith.addi %add3A_251, %sub3A_226 : i32
      %get3A_253 = arith.constant 1 : i32
      %get3A_254 = arith.index_cast %get3A_253 : i32 to index
      %get3A_255 = arith.index_cast %add3A_252 : i32 to index
      %get3A_256 = tpu.vector_load %arg13[%get3A_254, %get3A_255] {strides = array<i32>} : memref<2x2048xf32, #tpu.memory_space<vmem>>, vector<16xf32>,
      %get3A_257 = arith.constant 1 : i32
      %get3A_258 = arith.index_cast %get3A_257 : i32 to index
      %get3A_259 = arith.index_cast %add3A_252 : i32 to index
      %get3A_260 = tpu.vector_load %arg14[%get3A_258, %get3A_259] {strides = array<i32>} : memref<2x2048xf32, #tpu.memory_space<vmem>>, vector<16xf32>,
      %mul3A_261 = arith.mulf %get3A_256, %get3A_260 : vector<16xf32>
      %add3A_262 = arith.addf %add3A_250, %mul3A_261 : vector<16xf32>
      %add3A_263 = arith.constant 384 : i32
      %add3A_264 = arith.addi %add3A_263, %sub3A_226 : i32
      %get3A_265 = arith.constant 1 : i32
      %get3A_266 = arith.index_cast %get3A_265 : i32 to index
      %get3A_267 = arith.index_cast %add3A_264 : i32 to index
      %get3A_268 = tpu.vector_load %arg13[%get3A_266, %get3A_267] {strides = array<i32>} : memref<2x2048xf32, #tpu.memory_space<vmem>>, vector<16xf32>,
      %get3A_269 = arith.constant 1 : i32
      %get3A_270 = arith.index_cast %get3A_269 : i32 to index
      %get3A_271 = arith.index_cast %add3A_264 : i32 to index
      %get3A_272 = tpu.vector_load %arg14[%get3A_270, %get3A_271] {strides = array<i32>} : memref<2x2048xf32, #tpu.memory_space<vmem>>, vector<16xf32>,
      %mul3A_273 = arith.mulf %get3A_268, %get3A_272 : vector<16xf32>
      %add3A_274 = arith.addf %add3A_262, %mul3A_273 : vector<16xf32>
      %add3A_275 = arith.constant 512 : i32
      %add3A_276 = arith.addi %add3A_275, %sub3A_226 : i32
      %get3A_277 = arith.constant 1 : i32
      %get3A_278 = arith.index_cast %get3A_277 : i32 to index
      %get3A_279 = arith.index_cast %add3A_276 : i32 to index
      %get3A_280 = tpu.vector_load %arg13[%get3A_278, %get3A_279] {strides = array<i32>} : memref<2x2048xf32, #tpu.memory_space<vmem>>, vector<16xf32>,
      %get3A_281 = arith.constant 1 : i32
      %get3A_282 = arith.index_cast %get3A_281 : i32 to index
      %get3A_283 = arith.index_cast %add3A_276 : i32 to index
      %get3A_284 = tpu.vector_load %arg14[%get3A_282, %get3A_283] {strides = array<i32>} : memref<2x2048xf32, #tpu.memory_space<vmem>>, vector<16xf32>,
      %mul3A_285 = arith.mulf %get3A_280, %get3A_284 : vector<16xf32>
      %add3A_286 = arith.addf %add3A_274, %mul3A_285 : vector<16xf32>
      %add3A_287 = arith.constant 640 : i32
      %add3A_288 = arith.addi %add3A_287, %sub3A_226 : i32
      %get3A_289 = arith.constant 1 : i32
      %get3A_290 = arith.index_cast %get3A_289 : i32 to index
      %get3A_291 = arith.index_cast %add3A_288 : i32 to index
      %get3A_292 = tpu.vector_load %arg13[%get3A_290, %get3A_291] {strides = array<i32>} : memref<2x2048xf32, #tpu.memory_space<vmem>>, vector<16xf32>,
      %get3A_293 = arith.constant 1 : i32
      %get3A_294 = arith.index_cast %get3A_293 : i32 to index
      %get3A_295 = arith.index_cast %add3A_288 : i32 to index
      %get3A_296 = tpu.vector_load %arg14[%get3A_294, %get3A_295] {strides = array<i32>} : memref<2x2048xf32, #tpu.memory_space<vmem>>, vector<16xf32>,
      %mul3A_297 = arith.mulf %get3A_292, %get3A_296 : vector<16xf32>
      %add3A_298 = arith.addf %add3A_286, %mul3A_297 : vector<16xf32>
      %add3A_299 = arith.constant 768 : i32
      %add3A_300 = arith.addi %add3A_299, %sub3A_226 : i32
      %get3A_301 = arith.constant 1 : i32
      %get3A_302 = arith.index_cast %get3A_301 : i32 to index
      %get3A_303 = arith.index_cast %add3A_300 : i32 to index
      %get3A_304 = tpu.vector_load %arg13[%get3A_302, %get3A_303] {strides = array<i32>} : memref<2x2048xf32, #tpu.memory_space<vmem>>, vector<16xf32>,
      %get3A_305 = arith.constant 1 : i32
      %get3A_306 = arith.index_cast %get3A_305 : i32 to index
      %get3A_307 = arith.index_cast %add3A_300 : i32 to index
      %get3A_308 = tpu.vector_load %arg14[%get3A_306, %get3A_307] {strides = array<i32>} : memref<2x2048xf32, #tpu.memory_space<vmem>>, vector<16xf32>,
      %mul3A_309 = arith.mulf %get3A_304, %get3A_308 : vector<16xf32>
      %add3A_310 = arith.addf %add3A_298, %mul3A_309 : vector<16xf32>
      %add3A_311 = arith.constant 896 : i32
      %add3A_312 = arith.addi %add3A_311, %sub3A_226 : i32
      %get3A_313 = arith.constant 1 : i32
      %get3A_314 = arith.index_cast %get3A_313 : i32 to index
      %get3A_315 = arith.index_cast %add3A_312 : i32 to index
      %get3A_316 = tpu.vector_load %arg13[%get3A_314, %get3A_315] {strides = array<i32>} : memref<2x2048xf32, #tpu.memory_space<vmem>>, vector<16xf32>,
      %get3A_317 = arith.constant 1 : i32
      %get3A_318 = arith.index_cast %get3A_317 : i32 to index
      %get3A_319 = arith.index_cast %add3A_312 : i32 to index
      %get3A_320 = tpu.vector_load %arg14[%get3A_318, %get3A_319] {strides = array<i32>} : memref<2x2048xf32, #tpu.memory_space<vmem>>, vector<16xf32>,
      %mul3A_321 = arith.mulf %get3A_316, %get3A_320 : vector<16xf32>
      %add3A_322 = arith.addf %add3A_310, %mul3A_321 : vector<16xf32>
      %add3A_323 = arith.constant 1024 : i32
      %add3A_324 = arith.addi %add3A_323, %sub3A_226 : i32
      %get3A_325 = arith.constant 1 : i32
      %get3A_326 = arith.index_cast %get3A_325 : i32 to index
      %get3A_327 = arith.index_cast %add3A_324 : i32 to index
      %get3A_328 = tpu.vector_load %arg13[%get3A_326, %get3A_327] {strides = array<i32>} : memref<2x2048xf32, #tpu.memory_space<vmem>>, vector<16xf32>,
      %get3A_329 = arith.constant 1 : i32
      %get3A_330 = arith.index_cast %get3A_329 : i32 to index
      %get3A_331 = arith.index_cast %add3A_324 : i32 to index
      %get3A_332 = tpu.vector_load %arg14[%get3A_330, %get3A_331] {strides = array<i32>} : memref<2x2048xf32, #tpu.memory_space<vmem>>, vector<16xf32>,
      %mul3A_333 = arith.mulf %get3A_328, %get3A_332 : vector<16xf32>
      %add3A_334 = arith.addf %add3A_322, %mul3A_333 : vector<16xf32>
      %add3A_335 = arith.constant 1152 : i32
      %add3A_336 = arith.addi %add3A_335, %sub3A_226 : i32
      %get3A_337 = arith.constant 1 : i32
      %get3A_338 = arith.index_cast %get3A_337 : i32 to index
      %get3A_339 = arith.index_cast %add3A_336 : i32 to index
      %get3A_340 = tpu.vector_load %arg13[%get3A_338, %get3A_339] {strides = array<i32>} : memref<2x2048xf32, #tpu.memory_space<vmem>>, vector<16xf32>,
      %get3A_341 = arith.constant 1 : i32
      %get3A_342 = arith.index_cast %get3A_341 : i32 to index
      %get3A_343 = arith.index_cast %add3A_336 : i32 to index
      %get3A_344 = tpu.vector_load %arg14[%get3A_342, %get3A_343] {strides = array<i32>} : memref<2x2048xf32, #tpu.memory_space<vmem>>, vector<16xf32>,
      %mul3A_345 = arith.mulf %get3A_340, %get3A_344 : vector<16xf32>
      %add3A_346 = arith.addf %add3A_334, %mul3A_345 : vector<16xf32>
      %add3A_347 = arith.constant 1280 : i32
      %add3A_348 = arith.addi %add3A_347, %sub3A_226 : i32
      %get3A_349 = arith.constant 1 : i32
      %get3A_350 = arith.index_cast %get3A_349 : i32 to index
      %get3A_351 = arith.index_cast %add3A_348 : i32 to index
      %get3A_352 = tpu.vector_load %arg13[%get3A_350, %get3A_351] {strides = array<i32>} : memref<2x2048xf32, #tpu.memory_space<vmem>>, vector<16xf32>,
      %get3A_353 = arith.constant 1 : i32
      %get3A_354 = arith.index_cast %get3A_353 : i32 to index
      %get3A_355 = arith.index_cast %add3A_348 : i32 to index
      %get3A_356 = tpu.vector_load %arg14[%get3A_354, %get3A_355] {strides = array<i32>} : memref<2x2048xf32, #tpu.memory_space<vmem>>, vector<16xf32>,
      %mul3A_357 = arith.mulf %get3A_352, %get3A_356 : vector<16xf32>
      %add3A_358 = arith.addf %add3A_346, %mul3A_357 : vector<16xf32>
      %add3A_359 = arith.constant 1408 : i32
      %add3A_360 = arith.addi %add3A_359, %sub3A_226 : i32
      %get3A_361 = arith.constant 1 : i32
      %get3A_362 = arith.index_cast %get3A_361 : i32 to index
      %get3A_363 = arith.index_cast %add3A_360 : i32 to index
      %get3A_364 = tpu.vector_load %arg13[%get3A_362, %get3A_363] {strides = array<i32>} : memref<2x2048xf32, #tpu.memory_space<vmem>>, vector<16xf32>,
      %get3A_365 = arith.constant 1 : i32
      %get3A_366 = arith.index_cast %get3A_365 : i32 to index
      %get3A_367 = arith.index_cast %add3A_360 : i32 to index
      %get3A_368 = tpu.vector_load %arg14[%get3A_366, %get3A_367] {strides = array<i32>} : memref<2x2048xf32, #tpu.memory_space<vmem>>, vector<16xf32>,
      %mul3A_369 = arith.mulf %get3A_364, %get3A_368 : vector<16xf32>
      %add3A_370 = arith.addf %add3A_358, %mul3A_369 : vector<16xf32>
      %add3A_371 = arith.constant 1536 : i32
      %add3A_372 = arith.addi %add3A_371, %sub3A_226 : i32
      %get3A_373 = arith.constant 1 : i32
      %get3A_374 = arith.index_cast %get3A_373 : i32 to index
      %get3A_375 = arith.index_cast %add3A_372 : i32 to index
      %get3A_376 = tpu.vector_load %arg13[%get3A_374, %get3A_375] {strides = array<i32>} : memref<2x2048xf32, #tpu.memory_space<vmem>>, vector<16xf32>,
      %get3A_377 = arith.constant 1 : i32
      %get3A_378 = arith.index_cast %get3A_377 : i32 to index
      %get3A_379 = arith.index_cast %add3A_372 : i32 to index
      %get3A_380 = tpu.vector_load %arg14[%get3A_378, %get3A_379] {strides = array<i32>} : memref<2x2048xf32, #tpu.memory_space<vmem>>, vector<16xf32>,
      %mul3A_381 = arith.mulf %get3A_376, %get3A_380 : vector<16xf32>
      %add3A_382 = arith.addf %add3A_370, %mul3A_381 : vector<16xf32>
      %add3A_383 = arith.constant 1664 : i32
      %add3A_384 = arith.addi %add3A_383, %sub3A_226 : i32
      %get3A_385 = arith.constant 1 : i32
      %get3A_386 = arith.index_cast %get3A_385 : i32 to index
      %get3A_387 = arith.index_cast %add3A_384 : i32 to index
      %get3A_388 = tpu.vector_load %arg13[%get3A_386, %get3A_387] {strides = array<i32>} : memref<2x2048xf32, #tpu.memory_space<vmem>>, vector<16xf32>,
      %get3A_389 = arith.constant 1 : i32
      %get3A_390 = arith.index_cast %get3A_389 : i32 to index
      %get3A_391 = arith.index_cast %add3A_384 : i32 to index
      %get3A_392 = tpu.vector_load %arg14[%get3A_390, %get3A_391] {strides = array<i32>} : memref<2x2048xf32, #tpu.memory_space<vmem>>, vector<16xf32>,
      %mul3A_393 = arith.mulf %get3A_388, %get3A_392 : vector<16xf32>
      %add3A_394 = arith.addf %add3A_382, %mul3A_393 : vector<16xf32>
      %add3A_395 = arith.constant 1792 : i32
      %add3A_396 = arith.addi %add3A_395, %sub3A_226 : i32
      %get3A_397 = arith.constant 1 : i32
      %get3A_398 = arith.index_cast %get3A_397 : i32 to index
      %get3A_399 = arith.index_cast %add3A_396 : i32 to index
      %get3A_400 = tpu.vector_load %arg13[%get3A_398, %get3A_399] {strides = array<i32>} : memref<2x2048xf32, #tpu.memory_space<vmem>>, vector<16xf32>,
      %get3A_401 = arith.constant 1 : i32
      %get3A_402 = arith.index_cast %get3A_401 : i32 to index
      %get3A_403 = arith.index_cast %add3A_396 : i32 to index
      %get3A_404 = tpu.vector_load %arg14[%get3A_402, %get3A_403] {strides = array<i32>} : memref<2x2048xf32, #tpu.memory_space<vmem>>, vector<16xf32>,
      %mul3A_405 = arith.mulf %get3A_400, %get3A_404 : vector<16xf32>
      %add3A_406 = arith.addf %add3A_394, %mul3A_405 : vector<16xf32>
      %add3A_407 = arith.constant 1920 : i32
      %add3A_408 = arith.addi %add3A_407, %sub3A_226 : i32
      %get3A_409 = arith.constant 1 : i32
      %get3A_410 = arith.index_cast %get3A_409 : i32 to index
      %get3A_411 = arith.index_cast %add3A_408 : i32 to index
      %get3A_412 = tpu.vector_load %arg13[%get3A_410, %get3A_411] {strides = array<i32>} : memref<2x2048xf32, #tpu.memory_space<vmem>>, vector<16xf32>,
      %get3A_413 = arith.constant 1 : i32
      %get3A_414 = arith.index_cast %get3A_413 : i32 to index
      %get3A_415 = arith.index_cast %add3A_408 : i32 to index
      %get3A_416 = tpu.vector_load %arg14[%get3A_414, %get3A_415] {strides = array<i32>} : memref<2x2048xf32, #tpu.memory_space<vmem>>, vector<16xf32>,
      %mul3A_417 = arith.mulf %get3A_412, %get3A_416 : vector<16xf32>
      %add3A_418 = arith.addf %add3A_406, %mul3A_417 : vector<16xf32>
      %swap3A = arith.index_cast %mul3A_225 : i32 to index
      %swap3A_419 = tpu.vector_load %arg15[%swap3A] {strides = array<i32>} : memref<512xf32, #tpu.memory_space<vmem>>, vector<16xf32>,
      tpu.vector_store %arg15[%swap3A], %add3A_418 {strides = array<i32>} : memref<512xf32, #tpu.memory_space<vmem>>, vector<16xf32>,
      %scan3A_420 = arith.constant 0 : i32
      scf.yield %scan3A_420 : i32
    }
    %scan3A_140 = arith.constant 8 : i32
    %scan3A_141 = arith.constant 0 : i32
    %scan3A_142 = arith.constant 24 : i32
    %scan3A_143 = arith.constant 8 : i32
    %scan3A_144 = arith.addi %scan3A_142, %scan3A_143 : i32
    %scan3A_145 = arith.constant 1 : i32
    %scan3A_146 = scf.for %scan3A_222 = %scan3A_142 to %scan3A_144 step %scan3A_145 iter_args(%scan3A_223 = %scan3A_141) -> (i32)  : i32 {
      %mul3A_224 = arith.constant 16 : i32
      %mul3A_225 = arith.muli %scan3A_222, %mul3A_224 : i32
      %sub3A = arith.constant 384 : i32
      %sub3A_226 = arith.subi %mul3A_225, %sub3A : i32
      %get3A = arith.index_cast %mul3A_225 : i32 to index
      %get3A_227 = tpu.vector_load %arg8[%get3A] {strides = array<i32>} : memref<512xi32, #tpu.memory_space<vmem>>, vector<16xi32>,
      %mul3A_228 = arith.constant 100000 : i32
      %mul3A_229 = vector.broadcast %mul3A_228 : i32 to vector<16xi32>
      %mul3A_230 = arith.muli %get3A_227, %mul3A_229 : vector<16xi32>
      %get3A_231 = arith.index_cast %mul3A_225 : i32 to index
      %get3A_232 = tpu.vector_load %arg9[%get3A_231] {strides = array<i32>} : memref<512xi32, #tpu.memory_space<vmem>>, vector<16xi32>,
      %add3A_233 = arith.addi %mul3A_230, %get3A_232 : vector<16xi32>
      %get3A_234 = arith.index_cast %mul3A_225 : i32 to index
      %get3A_235 = tpu.vector_load %arg10[%get3A_234] {strides = array<i32>} : memref<512xi32, #tpu.memory_space<vmem>>, vector<16xi32>,
      %shift_right_arithmetic3A = arith.constant 7 : i32
      %shift_right_arithmetic3A_236 = vector.broadcast %shift_right_arithmetic3A : i32 to vector<16xi32>
      %shift_right_arithmetic3A_237 = arith.shrsi %add3A_233, %shift_right_arithmetic3A_236 : vector<16xi32>
      %shift_left3A = arith.constant 10 : i32
      %shift_left3A_238 = vector.broadcast %shift_left3A : i32 to vector<16xi32>
      %shift_left3A_239 = arith.shli %shift_right_arithmetic3A_237, %shift_left3A_238 : vector<16xi32>
      %and3A = arith.constant 127 : i32
      %and3A_240 = vector.broadcast %and3A : i32 to vector<16xi32>
      %and3A_241 = arith.andi %add3A_233, %and3A_240 : vector<16xi32>
      %add3A_242 = arith.addi %shift_left3A_239, %and3A_241 : vector<16xi32>
      %shift_right_arithmetic3A_243 = arith.constant 7 : i32
      %shift_right_arithmetic3A_244 = vector.broadcast %shift_right_arithmetic3A_243 : i32 to vector<16xi32>
      %shift_right_arithmetic3A_245 = arith.shrsi %get3A_235, %shift_right_arithmetic3A_244 : vector<16xi32>
      %shift_left3A_246 = arith.constant 10 : i32
      %shift_left3A_247 = vector.broadcast %shift_left3A_246 : i32 to vector<16xi32>
      %shift_left3A_248 = arith.shli %shift_right_arithmetic3A_245, %shift_left3A_247 : vector<16xi32>
      %and3A_249 = arith.constant 127 : i32
      %and3A_250 = vector.broadcast %and3A_249 : i32 to vector<16xi32>
      %and3A_251 = arith.andi %get3A_235, %and3A_250 : vector<16xi32>
      %add3A_252 = arith.addi %shift_left3A_248, %and3A_251 : vector<16xi32>
      %add3A_253 = arith.constant 0 : i32
      %add3A_254 = vector.broadcast %add3A_253 : i32 to vector<16xi32>
      %add3A_255 = arith.addi %add3A_242, %add3A_254 : vector<16xi32>
      %add3A_256 = arith.constant 0 : i32
      %add3A_257 = arith.addi %add3A_256, %sub3A_226 : i32
      %swap3A = arith.constant 1 : i32
      %swap3A_258 = arith.index_cast %swap3A : i32 to index
      %swap3A_259 = arith.index_cast %add3A_257 : i32 to index
      %swap3A_260 = tpu.vector_load %arg11[%swap3A_258, %swap3A_259] {strides = array<i32>} : memref<2x2048xi32, #tpu.memory_space<vmem>>, vector<16xi32>,
      tpu.vector_store %arg11[%swap3A_258, %swap3A_259], %add3A_255 {strides = array<i32>} : memref<2x2048xi32, #tpu.memory_space<vmem>>, vector<16xi32>,
      %add3A_261 = arith.constant 0 : i32
      %add3A_262 = vector.broadcast %add3A_261 : i32 to vector<16xi32>
      %add3A_263 = arith.addi %add3A_252, %add3A_262 : vector<16xi32>
      %add3A_264 = arith.constant 0 : i32
      %add3A_265 = arith.addi %add3A_264, %sub3A_226 : i32
      %swap3A_266 = arith.constant 1 : i32
      %swap3A_267 = arith.index_cast %swap3A_266 : i32 to index
      %swap3A_268 = arith.index_cast %add3A_265 : i32 to index
      %swap3A_269 = tpu.vector_load %arg12[%swap3A_267, %swap3A_268] {strides = array<i32>} : memref<2x2048xi32, #tpu.memory_space<vmem>>, vector<16xi32>,
      tpu.vector_store %arg12[%swap3A_267, %swap3A_268], %add3A_263 {strides = array<i32>} : memref<2x2048xi32, #tpu.memory_space<vmem>>, vector<16xi32>,
      %add3A_270 = arith.constant 128 : i32
      %add3A_271 = vector.broadcast %add3A_270 : i32 to vector<16xi32>
      %add3A_272 = arith.addi %add3A_242, %add3A_271 : vector<16xi32>
      %add3A_273 = arith.constant 128 : i32
      %add3A_274 = arith.addi %add3A_273, %sub3A_226 : i32
      %swap3A_275 = arith.constant 1 : i32
      %swap3A_276 = arith.index_cast %swap3A_275 : i32 to index
      %swap3A_277 = arith.index_cast %add3A_274 : i32 to index
      %swap3A_278 = tpu.vector_load %arg11[%swap3A_276, %swap3A_277] {strides = array<i32>} : memref<2x2048xi32, #tpu.memory_space<vmem>>, vector<16xi32>,
      tpu.vector_store %arg11[%swap3A_276, %swap3A_277], %add3A_272 {strides = array<i32>} : memref<2x2048xi32, #tpu.memory_space<vmem>>, vector<16xi32>,
      %add3A_279 = arith.constant 128 : i32
      %add3A_280 = vector.broadcast %add3A_279 : i32 to vector<16xi32>
      %add3A_281 = arith.addi %add3A_252, %add3A_280 : vector<16xi32>
      %add3A_282 = arith.constant 128 : i32
      %add3A_283 = arith.addi %add3A_282, %sub3A_226 : i32
      %swap3A_284 = arith.constant 1 : i32
      %swap3A_285 = arith.index_cast %swap3A_284 : i32 to index
      %swap3A_286 = arith.index_cast %add3A_283 : i32 to index
      %swap3A_287 = tpu.vector_load %arg12[%swap3A_285, %swap3A_286] {strides = array<i32>} : memref<2x2048xi32, #tpu.memory_space<vmem>>, vector<16xi32>,
      tpu.vector_store %arg12[%swap3A_285, %swap3A_286], %add3A_281 {strides = array<i32>} : memref<2x2048xi32, #tpu.memory_space<vmem>>, vector<16xi32>,
      %add3A_288 = arith.constant 256 : i32
      %add3A_289 = vector.broadcast %add3A_288 : i32 to vector<16xi32>
      %add3A_290 = arith.addi %add3A_242, %add3A_289 : vector<16xi32>
      %add3A_291 = arith.constant 256 : i32
      %add3A_292 = arith.addi %add3A_291, %sub3A_226 : i32
      %swap3A_293 = arith.constant 1 : i32
      %swap3A_294 = arith.index_cast %swap3A_293 : i32 to index
      %swap3A_295 = arith.index_cast %add3A_292 : i32 to index
      %swap3A_296 = tpu.vector_load %arg11[%swap3A_294, %swap3A_295] {strides = array<i32>} : memref<2x2048xi32, #tpu.memory_space<vmem>>, vector<16xi32>,
      tpu.vector_store %arg11[%swap3A_294, %swap3A_295], %add3A_290 {strides = array<i32>} : memref<2x2048xi32, #tpu.memory_space<vmem>>, vector<16xi32>,
      %add3A_297 = arith.constant 256 : i32
      %add3A_298 = vector.broadcast %add3A_297 : i32 to vector<16xi32>
      %add3A_299 = arith.addi %add3A_252, %add3A_298 : vector<16xi32>
      %add3A_300 = arith.constant 256 : i32
      %add3A_301 = arith.addi %add3A_300, %sub3A_226 : i32
      %swap3A_302 = arith.constant 1 : i32
      %swap3A_303 = arith.index_cast %swap3A_302 : i32 to index
      %swap3A_304 = arith.index_cast %add3A_301 : i32 to index
      %swap3A_305 = tpu.vector_load %arg12[%swap3A_303, %swap3A_304] {strides = array<i32>} : memref<2x2048xi32, #tpu.memory_space<vmem>>, vector<16xi32>,
      tpu.vector_store %arg12[%swap3A_303, %swap3A_304], %add3A_299 {strides = array<i32>} : memref<2x2048xi32, #tpu.memory_space<vmem>>, vector<16xi32>,
      %add3A_306 = arith.constant 384 : i32
      %add3A_307 = vector.broadcast %add3A_306 : i32 to vector<16xi32>
      %add3A_308 = arith.addi %add3A_242, %add3A_307 : vector<16xi32>
      %add3A_309 = arith.constant 384 : i32
      %add3A_310 = arith.addi %add3A_309, %sub3A_226 : i32
      %swap3A_311 = arith.constant 1 : i32
      %swap3A_312 = arith.index_cast %swap3A_311 : i32 to index
      %swap3A_313 = arith.index_cast %add3A_310 : i32 to index
      %swap3A_314 = tpu.vector_load %arg11[%swap3A_312, %swap3A_313] {strides = array<i32>} : memref<2x2048xi32, #tpu.memory_space<vmem>>, vector<16xi32>,
      tpu.vector_store %arg11[%swap3A_312, %swap3A_313], %add3A_308 {strides = array<i32>} : memref<2x2048xi32, #tpu.memory_space<vmem>>, vector<16xi32>,
      %add3A_315 = arith.constant 384 : i32
      %add3A_316 = vector.broadcast %add3A_315 : i32 to vector<16xi32>
      %add3A_317 = arith.addi %add3A_252, %add3A_316 : vector<16xi32>
      %add3A_318 = arith.constant 384 : i32
      %add3A_319 = arith.addi %add3A_318, %sub3A_226 : i32
      %swap3A_320 = arith.constant 1 : i32
      %swap3A_321 = arith.index_cast %swap3A_320 : i32 to index
      %swap3A_322 = arith.index_cast %add3A_319 : i32 to index
      %swap3A_323 = tpu.vector_load %arg12[%swap3A_321, %swap3A_322] {strides = array<i32>} : memref<2x2048xi32, #tpu.memory_space<vmem>>, vector<16xi32>,
      tpu.vector_store %arg12[%swap3A_321, %swap3A_322], %add3A_317 {strides = array<i32>} : memref<2x2048xi32, #tpu.memory_space<vmem>>, vector<16xi32>,
      %add3A_324 = arith.constant 512 : i32
      %add3A_325 = vector.broadcast %add3A_324 : i32 to vector<16xi32>
      %add3A_326 = arith.addi %add3A_242, %add3A_325 : vector<16xi32>
      %add3A_327 = arith.constant 512 : i32
      %add3A_328 = arith.addi %add3A_327, %sub3A_226 : i32
      %swap3A_329 = arith.constant 1 : i32
      %swap3A_330 = arith.index_cast %swap3A_329 : i32 to index
      %swap3A_331 = arith.index_cast %add3A_328 : i32 to index
      %swap3A_332 = tpu.vector_load %arg11[%swap3A_330, %swap3A_331] {strides = array<i32>} : memref<2x2048xi32, #tpu.memory_space<vmem>>, vector<16xi32>,
      tpu.vector_store %arg11[%swap3A_330, %swap3A_331], %add3A_326 {strides = array<i32>} : memref<2x2048xi32, #tpu.memory_space<vmem>>, vector<16xi32>,
      %add3A_333 = arith.constant 512 : i32
      %add3A_334 = vector.broadcast %add3A_333 : i32 to vector<16xi32>
      %add3A_335 = arith.addi %add3A_252, %add3A_334 : vector<16xi32>
      %add3A_336 = arith.constant 512 : i32
      %add3A_337 = arith.addi %add3A_336, %sub3A_226 : i32
      %swap3A_338 = arith.constant 1 : i32
      %swap3A_339 = arith.index_cast %swap3A_338 : i32 to index
      %swap3A_340 = arith.index_cast %add3A_337 : i32 to index
      %swap3A_341 = tpu.vector_load %arg12[%swap3A_339, %swap3A_340] {strides = array<i32>} : memref<2x2048xi32, #tpu.memory_space<vmem>>, vector<16xi32>,
      tpu.vector_store %arg12[%swap3A_339, %swap3A_340], %add3A_335 {strides = array<i32>} : memref<2x2048xi32, #tpu.memory_space<vmem>>, vector<16xi32>,
      %add3A_342 = arith.constant 640 : i32
      %add3A_343 = vector.broadcast %add3A_342 : i32 to vector<16xi32>
      %add3A_344 = arith.addi %add3A_242, %add3A_343 : vector<16xi32>
      %add3A_345 = arith.constant 640 : i32
      %add3A_346 = arith.addi %add3A_345, %sub3A_226 : i32
      %swap3A_347 = arith.constant 1 : i32
      %swap3A_348 = arith.index_cast %swap3A_347 : i32 to index
      %swap3A_349 = arith.index_cast %add3A_346 : i32 to index
      %swap3A_350 = tpu.vector_load %arg11[%swap3A_348, %swap3A_349] {strides = array<i32>} : memref<2x2048xi32, #tpu.memory_space<vmem>>, vector<16xi32>,
      tpu.vector_store %arg11[%swap3A_348, %swap3A_349], %add3A_344 {strides = array<i32>} : memref<2x2048xi32, #tpu.memory_space<vmem>>, vector<16xi32>,
      %add3A_351 = arith.constant 640 : i32
      %add3A_352 = vector.broadcast %add3A_351 : i32 to vector<16xi32>
      %add3A_353 = arith.addi %add3A_252, %add3A_352 : vector<16xi32>
      %add3A_354 = arith.constant 640 : i32
      %add3A_355 = arith.addi %add3A_354, %sub3A_226 : i32
      %swap3A_356 = arith.constant 1 : i32
      %swap3A_357 = arith.index_cast %swap3A_356 : i32 to index
      %swap3A_358 = arith.index_cast %add3A_355 : i32 to index
      %swap3A_359 = tpu.vector_load %arg12[%swap3A_357, %swap3A_358] {strides = array<i32>} : memref<2x2048xi32, #tpu.memory_space<vmem>>, vector<16xi32>,
      tpu.vector_store %arg12[%swap3A_357, %swap3A_358], %add3A_353 {strides = array<i32>} : memref<2x2048xi32, #tpu.memory_space<vmem>>, vector<16xi32>,
      %add3A_360 = arith.constant 768 : i32
      %add3A_361 = vector.broadcast %add3A_360 : i32 to vector<16xi32>
      %add3A_362 = arith.addi %add3A_242, %add3A_361 : vector<16xi32>
      %add3A_363 = arith.constant 768 : i32
      %add3A_364 = arith.addi %add3A_363, %sub3A_226 : i32
      %swap3A_365 = arith.constant 1 : i32
      %swap3A_366 = arith.index_cast %swap3A_365 : i32 to index
      %swap3A_367 = arith.index_cast %add3A_364 : i32 to index
      %swap3A_368 = tpu.vector_load %arg11[%swap3A_366, %swap3A_367] {strides = array<i32>} : memref<2x2048xi32, #tpu.memory_space<vmem>>, vector<16xi32>,
      tpu.vector_store %arg11[%swap3A_366, %swap3A_367], %add3A_362 {strides = array<i32>} : memref<2x2048xi32, #tpu.memory_space<vmem>>, vector<16xi32>,
      %add3A_369 = arith.constant 768 : i32
      %add3A_370 = vector.broadcast %add3A_369 : i32 to vector<16xi32>
      %add3A_371 = arith.addi %add3A_252, %add3A_370 : vector<16xi32>
      %add3A_372 = arith.constant 768 : i32
      %add3A_373 = arith.addi %add3A_372, %sub3A_226 : i32
      %swap3A_374 = arith.constant 1 : i32
      %swap3A_375 = arith.index_cast %swap3A_374 : i32 to index
      %swap3A_376 = arith.index_cast %add3A_373 : i32 to index
      %swap3A_377 = tpu.vector_load %arg12[%swap3A_375, %swap3A_376] {strides = array<i32>} : memref<2x2048xi32, #tpu.memory_space<vmem>>, vector<16xi32>,
      tpu.vector_store %arg12[%swap3A_375, %swap3A_376], %add3A_371 {strides = array<i32>} : memref<2x2048xi32, #tpu.memory_space<vmem>>, vector<16xi32>,
      %add3A_378 = arith.constant 896 : i32
      %add3A_379 = vector.broadcast %add3A_378 : i32 to vector<16xi32>
      %add3A_380 = arith.addi %add3A_242, %add3A_379 : vector<16xi32>
      %add3A_381 = arith.constant 896 : i32
      %add3A_382 = arith.addi %add3A_381, %sub3A_226 : i32
      %swap3A_383 = arith.constant 1 : i32
      %swap3A_384 = arith.index_cast %swap3A_383 : i32 to index
      %swap3A_385 = arith.index_cast %add3A_382 : i32 to index
      %swap3A_386 = tpu.vector_load %arg11[%swap3A_384, %swap3A_385] {strides = array<i32>} : memref<2x2048xi32, #tpu.memory_space<vmem>>, vector<16xi32>,
      tpu.vector_store %arg11[%swap3A_384, %swap3A_385], %add3A_380 {strides = array<i32>} : memref<2x2048xi32, #tpu.memory_space<vmem>>, vector<16xi32>,
      %add3A_387 = arith.constant 896 : i32
      %add3A_388 = vector.broadcast %add3A_387 : i32 to vector<16xi32>
      %add3A_389 = arith.addi %add3A_252, %add3A_388 : vector<16xi32>
      %add3A_390 = arith.constant 896 : i32
      %add3A_391 = arith.addi %add3A_390, %sub3A_226 : i32
      %swap3A_392 = arith.constant 1 : i32
      %swap3A_393 = arith.index_cast %swap3A_392 : i32 to index
      %swap3A_394 = arith.index_cast %add3A_391 : i32 to index
      %swap3A_395 = tpu.vector_load %arg12[%swap3A_393, %swap3A_394] {strides = array<i32>} : memref<2x2048xi32, #tpu.memory_space<vmem>>, vector<16xi32>,
      tpu.vector_store %arg12[%swap3A_393, %swap3A_394], %add3A_389 {strides = array<i32>} : memref<2x2048xi32, #tpu.memory_space<vmem>>, vector<16xi32>,
      %add3A_396 = arith.constant 3200000 : i32
      %add3A_397 = vector.broadcast %add3A_396 : i32 to vector<16xi32>
      %add3A_398 = arith.addi %add3A_242, %add3A_397 : vector<16xi32>
      %add3A_399 = arith.constant 1024 : i32
      %add3A_400 = arith.addi %add3A_399, %sub3A_226 : i32
      %swap3A_401 = arith.constant 1 : i32
      %swap3A_402 = arith.index_cast %swap3A_401 : i32 to index
      %swap3A_403 = arith.index_cast %add3A_400 : i32 to index
      %swap3A_404 = tpu.vector_load %arg11[%swap3A_402, %swap3A_403] {strides = array<i32>} : memref<2x2048xi32, #tpu.memory_space<vmem>>, vector<16xi32>,
      tpu.vector_store %arg11[%swap3A_402, %swap3A_403], %add3A_398 {strides = array<i32>} : memref<2x2048xi32, #tpu.memory_space<vmem>>, vector<16xi32>,
      %add3A_405 = arith.constant 800768 : i32
      %add3A_406 = vector.broadcast %add3A_405 : i32 to vector<16xi32>
      %add3A_407 = arith.addi %add3A_252, %add3A_406 : vector<16xi32>
      %add3A_408 = arith.constant 1024 : i32
      %add3A_409 = arith.addi %add3A_408, %sub3A_226 : i32
      %swap3A_410 = arith.constant 1 : i32
      %swap3A_411 = arith.index_cast %swap3A_410 : i32 to index
      %swap3A_412 = arith.index_cast %add3A_409 : i32 to index
      %swap3A_413 = tpu.vector_load %arg12[%swap3A_411, %swap3A_412] {strides = array<i32>} : memref<2x2048xi32, #tpu.memory_space<vmem>>, vector<16xi32>,
      tpu.vector_store %arg12[%swap3A_411, %swap3A_412], %add3A_407 {strides = array<i32>} : memref<2x2048xi32, #tpu.memory_space<vmem>>, vector<16xi32>,
      %add3A_414 = arith.constant 3200128 : i32
      %add3A_415 = vector.broadcast %add3A_414 : i32 to vector<16xi32>
      %add3A_416 = arith.addi %add3A_242, %add3A_415 : vector<16xi32>
      %add3A_417 = arith.constant 1152 : i32
      %add3A_418 = arith.addi %add3A_417, %sub3A_226 : i32
      %swap3A_419 = arith.constant 1 : i32
      %swap3A_420 = arith.index_cast %swap3A_419 : i32 to index
      %swap3A_421 = arith.index_cast %add3A_418 : i32 to index
      %swap3A_422 = tpu.vector_load %arg11[%swap3A_420, %swap3A_421] {strides = array<i32>} : memref<2x2048xi32, #tpu.memory_space<vmem>>, vector<16xi32>,
      tpu.vector_store %arg11[%swap3A_420, %swap3A_421], %add3A_416 {strides = array<i32>} : memref<2x2048xi32, #tpu.memory_space<vmem>>, vector<16xi32>,
      %add3A_423 = arith.constant 800896 : i32
      %add3A_424 = vector.broadcast %add3A_423 : i32 to vector<16xi32>
      %add3A_425 = arith.addi %add3A_252, %add3A_424 : vector<16xi32>
      %add3A_426 = arith.constant 1152 : i32
      %add3A_427 = arith.addi %add3A_426, %sub3A_226 : i32
      %swap3A_428 = arith.constant 1 : i32
      %swap3A_429 = arith.index_cast %swap3A_428 : i32 to index
      %swap3A_430 = arith.index_cast %add3A_427 : i32 to index
      %swap3A_431 = tpu.vector_load %arg12[%swap3A_429, %swap3A_430] {strides = array<i32>} : memref<2x2048xi32, #tpu.memory_space<vmem>>, vector<16xi32>,
      tpu.vector_store %arg12[%swap3A_429, %swap3A_430], %add3A_425 {strides = array<i32>} : memref<2x2048xi32, #tpu.memory_space<vmem>>, vector<16xi32>,
      %add3A_432 = arith.constant 3200256 : i32
      %add3A_433 = vector.broadcast %add3A_432 : i32 to vector<16xi32>
      %add3A_434 = arith.addi %add3A_242, %add3A_433 : vector<16xi32>
      %add3A_435 = arith.constant 1280 : i32
      %add3A_436 = arith.addi %add3A_435, %sub3A_226 : i32
      %swap3A_437 = arith.constant 1 : i32
      %swap3A_438 = arith.index_cast %swap3A_437 : i32 to index
      %swap3A_439 = arith.index_cast %add3A_436 : i32 to index
      %swap3A_440 = tpu.vector_load %arg11[%swap3A_438, %swap3A_439] {strides = array<i32>} : memref<2x2048xi32, #tpu.memory_space<vmem>>, vector<16xi32>,
      tpu.vector_store %arg11[%swap3A_438, %swap3A_439], %add3A_434 {strides = array<i32>} : memref<2x2048xi32, #tpu.memory_space<vmem>>, vector<16xi32>,
      %add3A_441 = arith.constant 801024 : i32
      %add3A_442 = vector.broadcast %add3A_441 : i32 to vector<16xi32>
      %add3A_443 = arith.addi %add3A_252, %add3A_442 : vector<16xi32>
      %add3A_444 = arith.constant 1280 : i32
      %add3A_445 = arith.addi %add3A_444, %sub3A_226 : i32
      %swap3A_446 = arith.constant 1 : i32
      %swap3A_447 = arith.index_cast %swap3A_446 : i32 to index
      %swap3A_448 = arith.index_cast %add3A_445 : i32 to index
      %swap3A_449 = tpu.vector_load %arg12[%swap3A_447, %swap3A_448] {strides = array<i32>} : memref<2x2048xi32, #tpu.memory_space<vmem>>, vector<16xi32>,
      tpu.vector_store %arg12[%swap3A_447, %swap3A_448], %add3A_443 {strides = array<i32>} : memref<2x2048xi32, #tpu.memory_space<vmem>>, vector<16xi32>,
      %add3A_450 = arith.constant 3200384 : i32
      %add3A_451 = vector.broadcast %add3A_450 : i32 to vector<16xi32>
      %add3A_452 = arith.addi %add3A_242, %add3A_451 : vector<16xi32>
      %add3A_453 = arith.constant 1408 : i32
      %add3A_454 = arith.addi %add3A_453, %sub3A_226 : i32
      %swap3A_455 = arith.constant 1 : i32
      %swap3A_456 = arith.index_cast %swap3A_455 : i32 to index
      %swap3A_457 = arith.index_cast %add3A_454 : i32 to index
      %swap3A_458 = tpu.vector_load %arg11[%swap3A_456, %swap3A_457] {strides = array<i32>} : memref<2x2048xi32, #tpu.memory_space<vmem>>, vector<16xi32>,
      tpu.vector_store %arg11[%swap3A_456, %swap3A_457], %add3A_452 {strides = array<i32>} : memref<2x2048xi32, #tpu.memory_space<vmem>>, vector<16xi32>,
      %add3A_459 = arith.constant 801152 : i32
      %add3A_460 = vector.broadcast %add3A_459 : i32 to vector<16xi32>
      %add3A_461 = arith.addi %add3A_252, %add3A_460 : vector<16xi32>
      %add3A_462 = arith.constant 1408 : i32
      %add3A_463 = arith.addi %add3A_462, %sub3A_226 : i32
      %swap3A_464 = arith.constant 1 : i32
      %swap3A_465 = arith.index_cast %swap3A_464 : i32 to index
      %swap3A_466 = arith.index_cast %add3A_463 : i32 to index
      %swap3A_467 = tpu.vector_load %arg12[%swap3A_465, %swap3A_466] {strides = array<i32>} : memref<2x2048xi32, #tpu.memory_space<vmem>>, vector<16xi32>,
      tpu.vector_store %arg12[%swap3A_465, %swap3A_466], %add3A_461 {strides = array<i32>} : memref<2x2048xi32, #tpu.memory_space<vmem>>, vector<16xi32>,
      %add3A_468 = arith.constant 3200512 : i32
      %add3A_469 = vector.broadcast %add3A_468 : i32 to vector<16xi32>
      %add3A_470 = arith.addi %add3A_242, %add3A_469 : vector<16xi32>
      %add3A_471 = arith.constant 1536 : i32
      %add3A_472 = arith.addi %add3A_471, %sub3A_226 : i32
      %swap3A_473 = arith.constant 1 : i32
      %swap3A_474 = arith.index_cast %swap3A_473 : i32 to index
      %swap3A_475 = arith.index_cast %add3A_472 : i32 to index
      %swap3A_476 = tpu.vector_load %arg11[%swap3A_474, %swap3A_475] {strides = array<i32>} : memref<2x2048xi32, #tpu.memory_space<vmem>>, vector<16xi32>,
      tpu.vector_store %arg11[%swap3A_474, %swap3A_475], %add3A_470 {strides = array<i32>} : memref<2x2048xi32, #tpu.memory_space<vmem>>, vector<16xi32>,
      %add3A_477 = arith.constant 801280 : i32
      %add3A_478 = vector.broadcast %add3A_477 : i32 to vector<16xi32>
      %add3A_479 = arith.addi %add3A_252, %add3A_478 : vector<16xi32>
      %add3A_480 = arith.constant 1536 : i32
      %add3A_481 = arith.addi %add3A_480, %sub3A_226 : i32
      %swap3A_482 = arith.constant 1 : i32
      %swap3A_483 = arith.index_cast %swap3A_482 : i32 to index
      %swap3A_484 = arith.index_cast %add3A_481 : i32 to index
      %swap3A_485 = tpu.vector_load %arg12[%swap3A_483, %swap3A_484] {strides = array<i32>} : memref<2x2048xi32, #tpu.memory_space<vmem>>, vector<16xi32>,
      tpu.vector_store %arg12[%swap3A_483, %swap3A_484], %add3A_479 {strides = array<i32>} : memref<2x2048xi32, #tpu.memory_space<vmem>>, vector<16xi32>,
      %add3A_486 = arith.constant 3200640 : i32
      %add3A_487 = vector.broadcast %add3A_486 : i32 to vector<16xi32>
      %add3A_488 = arith.addi %add3A_242, %add3A_487 : vector<16xi32>
      %add3A_489 = arith.constant 1664 : i32
      %add3A_490 = arith.addi %add3A_489, %sub3A_226 : i32
      %swap3A_491 = arith.constant 1 : i32
      %swap3A_492 = arith.index_cast %swap3A_491 : i32 to index
      %swap3A_493 = arith.index_cast %add3A_490 : i32 to index
      %swap3A_494 = tpu.vector_load %arg11[%swap3A_492, %swap3A_493] {strides = array<i32>} : memref<2x2048xi32, #tpu.memory_space<vmem>>, vector<16xi32>,
      tpu.vector_store %arg11[%swap3A_492, %swap3A_493], %add3A_488 {strides = array<i32>} : memref<2x2048xi32, #tpu.memory_space<vmem>>, vector<16xi32>,
      %add3A_495 = arith.constant 801408 : i32
      %add3A_496 = vector.broadcast %add3A_495 : i32 to vector<16xi32>
      %add3A_497 = arith.addi %add3A_252, %add3A_496 : vector<16xi32>
      %add3A_498 = arith.constant 1664 : i32
      %add3A_499 = arith.addi %add3A_498, %sub3A_226 : i32
      %swap3A_500 = arith.constant 1 : i32
      %swap3A_501 = arith.index_cast %swap3A_500 : i32 to index
      %swap3A_502 = arith.index_cast %add3A_499 : i32 to index
      %swap3A_503 = tpu.vector_load %arg12[%swap3A_501, %swap3A_502] {strides = array<i32>} : memref<2x2048xi32, #tpu.memory_space<vmem>>, vector<16xi32>,
      tpu.vector_store %arg12[%swap3A_501, %swap3A_502], %add3A_497 {strides = array<i32>} : memref<2x2048xi32, #tpu.memory_space<vmem>>, vector<16xi32>,
      %add3A_504 = arith.constant 3200768 : i32
      %add3A_505 = vector.broadcast %add3A_504 : i32 to vector<16xi32>
      %add3A_506 = arith.addi %add3A_242, %add3A_505 : vector<16xi32>
      %add3A_507 = arith.constant 1792 : i32
      %add3A_508 = arith.addi %add3A_507, %sub3A_226 : i32
      %swap3A_509 = arith.constant 1 : i32
      %swap3A_510 = arith.index_cast %swap3A_509 : i32 to index
      %swap3A_511 = arith.index_cast %add3A_508 : i32 to index
      %swap3A_512 = tpu.vector_load %arg11[%swap3A_510, %swap3A_511] {strides = array<i32>} : memref<2x2048xi32, #tpu.memory_space<vmem>>, vector<16xi32>,
      tpu.vector_store %arg11[%swap3A_510, %swap3A_511], %add3A_506 {strides = array<i32>} : memref<2x2048xi32, #tpu.memory_space<vmem>>, vector<16xi32>,
      %add3A_513 = arith.constant 801536 : i32
      %add3A_514 = vector.broadcast %add3A_513 : i32 to vector<16xi32>
      %add3A_515 = arith.addi %add3A_252, %add3A_514 : vector<16xi32>
      %add3A_516 = arith.constant 1792 : i32
      %add3A_517 = arith.addi %add3A_516, %sub3A_226 : i32
      %swap3A_518 = arith.constant 1 : i32
      %swap3A_519 = arith.index_cast %swap3A_518 : i32 to index
      %swap3A_520 = arith.index_cast %add3A_517 : i32 to index
      %swap3A_521 = tpu.vector_load %arg12[%swap3A_519, %swap3A_520] {strides = array<i32>} : memref<2x2048xi32, #tpu.memory_space<vmem>>, vector<16xi32>,
      tpu.vector_store %arg12[%swap3A_519, %swap3A_520], %add3A_515 {strides = array<i32>} : memref<2x2048xi32, #tpu.memory_space<vmem>>, vector<16xi32>,
      %add3A_522 = arith.constant 3200896 : i32
      %add3A_523 = vector.broadcast %add3A_522 : i32 to vector<16xi32>
      %add3A_524 = arith.addi %add3A_242, %add3A_523 : vector<16xi32>
      %add3A_525 = arith.constant 1920 : i32
      %add3A_526 = arith.addi %add3A_525, %sub3A_226 : i32
      %swap3A_527 = arith.constant 1 : i32
      %swap3A_528 = arith.index_cast %swap3A_527 : i32 to index
      %swap3A_529 = arith.index_cast %add3A_526 : i32 to index
      %swap3A_530 = tpu.vector_load %arg11[%swap3A_528, %swap3A_529] {strides = array<i32>} : memref<2x2048xi32, #tpu.memory_space<vmem>>, vector<16xi32>,
      tpu.vector_store %arg11[%swap3A_528, %swap3A_529], %add3A_524 {strides = array<i32>} : memref<2x2048xi32, #tpu.memory_space<vmem>>, vector<16xi32>,
      %add3A_531 = arith.constant 801664 : i32
      %add3A_532 = vector.broadcast %add3A_531 : i32 to vector<16xi32>
      %add3A_533 = arith.addi %add3A_252, %add3A_532 : vector<16xi32>
      %add3A_534 = arith.constant 1920 : i32
      %add3A_535 = arith.addi %add3A_534, %sub3A_226 : i32
      %swap3A_536 = arith.constant 1 : i32
      %swap3A_537 = arith.index_cast %swap3A_536 : i32 to index
      %swap3A_538 = arith.index_cast %add3A_535 : i32 to index
      %swap3A_539 = tpu.vector_load %arg12[%swap3A_537, %swap3A_538] {strides = array<i32>} : memref<2x2048xi32, #tpu.memory_space<vmem>>, vector<16xi32>,
      tpu.vector_store %arg12[%swap3A_537, %swap3A_538], %add3A_533 {strides = array<i32>} : memref<2x2048xi32, #tpu.memory_space<vmem>>, vector<16xi32>,
      %scan3A_540 = arith.constant 0 : i32
      scf.yield %scan3A_540 : i32
    }
    %scan3A_147 = arith.constant 8 : i32
    %dma_start3A_148 = arith.constant 1 : i32
    %dma_start3A_149 = arith.constant 1 : i32
    %dma_start3A_150 = arith.constant 0 : i32
    %dma_start3A_151 = tpu.memref_slice %arg13[%dma_start3A_149, %dma_start3A_150] : memref<2x2048xf32, #tpu.memory_space<vmem>> -> memref<1x2048xf32, #tpu.memory_space<vmem>>
    %dma_start3A_152 = tpu.memref_squeeze %dma_start3A_151 : memref<1x2048xf32, #tpu.memory_space<vmem>> -> memref<2048xf32, #tpu.memory_space<vmem>>
    %dma_start3A_153 = arith.constant 0 : i32
    %dma_start3A_154 = tpu.memref_slice %arg11[%dma_start3A_148, %dma_start3A_153] : memref<2x2048xi32, #tpu.memory_space<vmem>> -> memref<1x2048xi32, #tpu.memory_space<vmem>>
    %dma_start3A_155 = tpu.memref_squeeze %dma_start3A_154 : memref<1x2048xi32, #tpu.memory_space<vmem>> -> memref<2048xi32, #tpu.memory_space<vmem>>
    %dma_start3A_156 = arith.constant 0 : i32
    %dma_start3A_157 = tpu.memref_slice %arg5[%dma_start3A_156] : memref<6400000xf32, #tpu.memory_space<hbm>> -> memref<6400000xf32, #tpu.memory_space<hbm>>
    tpu.enqueue_indirect_dma source(%dma_start3A_157 : memref<6400000xf32, #tpu.memory_space<hbm>>) target(%dma_start3A_152 : memref<2048xf32, #tpu.memory_space<vmem>>) offsets(%dma_start3A_155 : memref<2048xi32, #tpu.memory_space<vmem>>) semaphore(%arg18 : memref<!tpu.dma_semaphore, #tpu.memory_space<semaphore_mem>>)
    %dma_start3A_158 = arith.constant 1 : i32
    %dma_start3A_159 = arith.constant 1 : i32
    %dma_start3A_160 = arith.constant 0 : i32
    %dma_start3A_161 = tpu.memref_slice %arg14[%dma_start3A_159, %dma_start3A_160] : memref<2x2048xf32, #tpu.memory_space<vmem>> -> memref<1x2048xf32, #tpu.memory_space<vmem>>
    %dma_start3A_162 = tpu.memref_squeeze %dma_start3A_161 : memref<1x2048xf32, #tpu.memory_space<vmem>> -> memref<2048xf32, #tpu.memory_space<vmem>>
    %dma_start3A_163 = arith.constant 0 : i32
    %dma_start3A_164 = tpu.memref_slice %arg12[%dma_start3A_158, %dma_start3A_163] : memref<2x2048xi32, #tpu.memory_space<vmem>> -> memref<1x2048xi32, #tpu.memory_space<vmem>>
    %dma_start3A_165 = tpu.memref_squeeze %dma_start3A_164 : memref<1x2048xi32, #tpu.memory_space<vmem>> -> memref<2048xi32, #tpu.memory_space<vmem>>
    %dma_start3A_166 = arith.constant 0 : i32
    %dma_start3A_167 = tpu.memref_slice %arg16[%dma_start3A_166] : memref<1601536xf32, #tpu.memory_space<vmem_shared>> -> memref<1601536xf32, #tpu.memory_space<vmem_shared>>
    tpu.enqueue_indirect_dma source(%dma_start3A_167 : memref<1601536xf32, #tpu.memory_space<vmem_shared>>) target(%dma_start3A_162 : memref<2048xf32, #tpu.memory_space<vmem>>) offsets(%dma_start3A_165 : memref<2048xi32, #tpu.memory_space<vmem>>) semaphore(%arg20 : memref<!tpu.dma_semaphore, #tpu.memory_space<semaphore_mem>>)
    %dma_wait3A_168 = arith.constant 0 : i32
    %dma_wait3A_169 = arith.constant 0 : i32
    %dma_wait3A_170 = arith.constant 0 : i32
    %dma_wait3A_171 = tpu.memref_slice %arg13[%dma_wait3A_169, %dma_wait3A_170] : memref<2x2048xf32, #tpu.memory_space<vmem>> -> memref<1x2048xf32, #tpu.memory_space<vmem>>
    %dma_wait3A_172 = tpu.memref_squeeze %dma_wait3A_171 : memref<1x2048xf32, #tpu.memory_space<vmem>> -> memref<2048xf32, #tpu.memory_space<vmem>>
    %dma_wait3A_173 = arith.constant 0 : i32
    %dma_wait3A_174 = tpu.memref_slice %arg11[%dma_wait3A_168, %dma_wait3A_173] : memref<2x2048xi32, #tpu.memory_space<vmem>> -> memref<1x2048xi32, #tpu.memory_space<vmem>>
    %dma_wait3A_175 = tpu.memref_squeeze %dma_wait3A_174 : memref<1x2048xi32, #tpu.memory_space<vmem>> -> memref<2048xi32, #tpu.memory_space<vmem>>
    %dma_wait3A_176 = arith.constant 0 : i32
    %dma_wait3A_177 = tpu.memref_slice %arg5[%dma_wait3A_176] : memref<6400000xf32, #tpu.memory_space<hbm>> -> memref<6400000xf32, #tpu.memory_space<hbm>>
    tpu.wait_indirect_dma semaphore(%arg17 : memref<!tpu.dma_semaphore, #tpu.memory_space<semaphore_mem>>) src(%dma_wait3A_177 : memref<6400000xf32, #tpu.memory_space<hbm>>) dst(%dma_wait3A_172 : memref<2048xf32, #tpu.memory_space<vmem>>)
    %dma_wait3A_178 = arith.constant 0 : i32
    %dma_wait3A_179 = arith.constant 0 : i32
    %dma_wait3A_180 = arith.constant 0 : i32
    %dma_wait3A_181 = tpu.memref_slice %arg14[%dma_wait3A_179, %dma_wait3A_180] : memref<2x2048xf32, #tpu.memory_space<vmem>> -> memref<1x2048xf32, #tpu.memory_space<vmem>>
    %dma_wait3A_182 = tpu.memref_squeeze %dma_wait3A_181 : memref<1x2048xf32, #tpu.memory_space<vmem>> -> memref<2048xf32, #tpu.memory_space<vmem>>
    %dma_wait3A_183 = arith.constant 0 : i32
    %dma_wait3A_184 = tpu.memref_slice %arg12[%dma_wait3A_178, %dma_wait3A_183] : memref<2x2048xi32, #tpu.memory_space<vmem>> -> memref<1x2048xi32, #tpu.memory_space<vmem>>
    %dma_wait3A_185 = tpu.memref_squeeze %dma_wait3A_184 : memref<1x2048xi32, #tpu.memory_space<vmem>> -> memref<2048xi32, #tpu.memory_space<vmem>>
    %dma_wait3A_186 = arith.constant 0 : i32
    %dma_wait3A_187 = tpu.memref_slice %arg16[%dma_wait3A_186] : memref<1601536xf32, #tpu.memory_space<vmem_shared>> -> memref<1601536xf32, #tpu.memory_space<vmem_shared>>
    tpu.wait_indirect_dma semaphore(%arg19 : memref<!tpu.dma_semaphore, #tpu.memory_space<semaphore_mem>>) src(%dma_wait3A_187 : memref<1601536xf32, #tpu.memory_space<vmem_shared>>) dst(%dma_wait3A_182 : memref<2048xf32, #tpu.memory_space<vmem>>)
    %scan3A_188 = arith.constant 0 : i32
    %scan3A_189 = arith.constant 16 : i32
    %scan3A_190 = arith.constant 8 : i32
    %scan3A_191 = arith.addi %scan3A_189, %scan3A_190 : i32
    %scan3A_192 = arith.constant 1 : i32
    %scan3A_193 = scf.for %scan3A_222 = %scan3A_189 to %scan3A_191 step %scan3A_192 iter_args(%scan3A_223 = %scan3A_188) -> (i32)  : i32 {
      %mul3A_224 = arith.constant 16 : i32
      %mul3A_225 = arith.muli %scan3A_222, %mul3A_224 : i32
      %sub3A = arith.constant 256 : i32
      %sub3A_226 = arith.subi %mul3A_225, %sub3A : i32
      %broadcast_in_dim3A = arith.constant 0.000000e+00 : f32
      %broadcast_in_dim3A_227 = vector.broadcast %broadcast_in_dim3A : f32 to vector<16xf32>
      %add3A_228 = arith.constant 0 : i32
      %add3A_229 = arith.addi %add3A_228, %sub3A_226 : i32
      %get3A = arith.constant 0 : i32
      %get3A_230 = arith.index_cast %get3A : i32 to index
      %get3A_231 = arith.index_cast %add3A_229 : i32 to index
      %get3A_232 = tpu.vector_load %arg13[%get3A_230, %get3A_231] {strides = array<i32>} : memref<2x2048xf32, #tpu.memory_space<vmem>>, vector<16xf32>,
      %get3A_233 = arith.constant 0 : i32
      %get3A_234 = arith.index_cast %get3A_233 : i32 to index
      %get3A_235 = arith.index_cast %add3A_229 : i32 to index
      %get3A_236 = tpu.vector_load %arg14[%get3A_234, %get3A_235] {strides = array<i32>} : memref<2x2048xf32, #tpu.memory_space<vmem>>, vector<16xf32>,
      %mul3A_237 = arith.mulf %get3A_232, %get3A_236 : vector<16xf32>
      %add3A_238 = arith.addf %broadcast_in_dim3A_227, %mul3A_237 : vector<16xf32>
      %add3A_239 = arith.constant 128 : i32
      %add3A_240 = arith.addi %add3A_239, %sub3A_226 : i32
      %get3A_241 = arith.constant 0 : i32
      %get3A_242 = arith.index_cast %get3A_241 : i32 to index
      %get3A_243 = arith.index_cast %add3A_240 : i32 to index
      %get3A_244 = tpu.vector_load %arg13[%get3A_242, %get3A_243] {strides = array<i32>} : memref<2x2048xf32, #tpu.memory_space<vmem>>, vector<16xf32>,
      %get3A_245 = arith.constant 0 : i32
      %get3A_246 = arith.index_cast %get3A_245 : i32 to index
      %get3A_247 = arith.index_cast %add3A_240 : i32 to index
      %get3A_248 = tpu.vector_load %arg14[%get3A_246, %get3A_247] {strides = array<i32>} : memref<2x2048xf32, #tpu.memory_space<vmem>>, vector<16xf32>,
      %mul3A_249 = arith.mulf %get3A_244, %get3A_248 : vector<16xf32>
      %add3A_250 = arith.addf %add3A_238, %mul3A_249 : vector<16xf32>
      %add3A_251 = arith.constant 256 : i32
      %add3A_252 = arith.addi %add3A_251, %sub3A_226 : i32
      %get3A_253 = arith.constant 0 : i32
      %get3A_254 = arith.index_cast %get3A_253 : i32 to index
      %get3A_255 = arith.index_cast %add3A_252 : i32 to index
      %get3A_256 = tpu.vector_load %arg13[%get3A_254, %get3A_255] {strides = array<i32>} : memref<2x2048xf32, #tpu.memory_space<vmem>>, vector<16xf32>,
      %get3A_257 = arith.constant 0 : i32
      %get3A_258 = arith.index_cast %get3A_257 : i32 to index
      %get3A_259 = arith.index_cast %add3A_252 : i32 to index
      %get3A_260 = tpu.vector_load %arg14[%get3A_258, %get3A_259] {strides = array<i32>} : memref<2x2048xf32, #tpu.memory_space<vmem>>, vector<16xf32>,
      %mul3A_261 = arith.mulf %get3A_256, %get3A_260 : vector<16xf32>
      %add3A_262 = arith.addf %add3A_250, %mul3A_261 : vector<16xf32>
      %add3A_263 = arith.constant 384 : i32
      %add3A_264 = arith.addi %add3A_263, %sub3A_226 : i32
      %get3A_265 = arith.constant 0 : i32
      %get3A_266 = arith.index_cast %get3A_265 : i32 to index
      %get3A_267 = arith.index_cast %add3A_264 : i32 to index
      %get3A_268 = tpu.vector_load %arg13[%get3A_266, %get3A_267] {strides = array<i32>} : memref<2x2048xf32, #tpu.memory_space<vmem>>, vector<16xf32>,
      %get3A_269 = arith.constant 0 : i32
      %get3A_270 = arith.index_cast %get3A_269 : i32 to index
      %get3A_271 = arith.index_cast %add3A_264 : i32 to index
      %get3A_272 = tpu.vector_load %arg14[%get3A_270, %get3A_271] {strides = array<i32>} : memref<2x2048xf32, #tpu.memory_space<vmem>>, vector<16xf32>,
      %mul3A_273 = arith.mulf %get3A_268, %get3A_272 : vector<16xf32>
      %add3A_274 = arith.addf %add3A_262, %mul3A_273 : vector<16xf32>
      %add3A_275 = arith.constant 512 : i32
      %add3A_276 = arith.addi %add3A_275, %sub3A_226 : i32
      %get3A_277 = arith.constant 0 : i32
      %get3A_278 = arith.index_cast %get3A_277 : i32 to index
      %get3A_279 = arith.index_cast %add3A_276 : i32 to index
      %get3A_280 = tpu.vector_load %arg13[%get3A_278, %get3A_279] {strides = array<i32>} : memref<2x2048xf32, #tpu.memory_space<vmem>>, vector<16xf32>,
      %get3A_281 = arith.constant 0 : i32
      %get3A_282 = arith.index_cast %get3A_281 : i32 to index
      %get3A_283 = arith.index_cast %add3A_276 : i32 to index
      %get3A_284 = tpu.vector_load %arg14[%get3A_282, %get3A_283] {strides = array<i32>} : memref<2x2048xf32, #tpu.memory_space<vmem>>, vector<16xf32>,
      %mul3A_285 = arith.mulf %get3A_280, %get3A_284 : vector<16xf32>
      %add3A_286 = arith.addf %add3A_274, %mul3A_285 : vector<16xf32>
      %add3A_287 = arith.constant 640 : i32
      %add3A_288 = arith.addi %add3A_287, %sub3A_226 : i32
      %get3A_289 = arith.constant 0 : i32
      %get3A_290 = arith.index_cast %get3A_289 : i32 to index
      %get3A_291 = arith.index_cast %add3A_288 : i32 to index
      %get3A_292 = tpu.vector_load %arg13[%get3A_290, %get3A_291] {strides = array<i32>} : memref<2x2048xf32, #tpu.memory_space<vmem>>, vector<16xf32>,
      %get3A_293 = arith.constant 0 : i32
      %get3A_294 = arith.index_cast %get3A_293 : i32 to index
      %get3A_295 = arith.index_cast %add3A_288 : i32 to index
      %get3A_296 = tpu.vector_load %arg14[%get3A_294, %get3A_295] {strides = array<i32>} : memref<2x2048xf32, #tpu.memory_space<vmem>>, vector<16xf32>,
      %mul3A_297 = arith.mulf %get3A_292, %get3A_296 : vector<16xf32>
      %add3A_298 = arith.addf %add3A_286, %mul3A_297 : vector<16xf32>
      %add3A_299 = arith.constant 768 : i32
      %add3A_300 = arith.addi %add3A_299, %sub3A_226 : i32
      %get3A_301 = arith.constant 0 : i32
      %get3A_302 = arith.index_cast %get3A_301 : i32 to index
      %get3A_303 = arith.index_cast %add3A_300 : i32 to index
      %get3A_304 = tpu.vector_load %arg13[%get3A_302, %get3A_303] {strides = array<i32>} : memref<2x2048xf32, #tpu.memory_space<vmem>>, vector<16xf32>,
      %get3A_305 = arith.constant 0 : i32
      %get3A_306 = arith.index_cast %get3A_305 : i32 to index
      %get3A_307 = arith.index_cast %add3A_300 : i32 to index
      %get3A_308 = tpu.vector_load %arg14[%get3A_306, %get3A_307] {strides = array<i32>} : memref<2x2048xf32, #tpu.memory_space<vmem>>, vector<16xf32>,
      %mul3A_309 = arith.mulf %get3A_304, %get3A_308 : vector<16xf32>
      %add3A_310 = arith.addf %add3A_298, %mul3A_309 : vector<16xf32>
      %add3A_311 = arith.constant 896 : i32
      %add3A_312 = arith.addi %add3A_311, %sub3A_226 : i32
      %get3A_313 = arith.constant 0 : i32
      %get3A_314 = arith.index_cast %get3A_313 : i32 to index
      %get3A_315 = arith.index_cast %add3A_312 : i32 to index
      %get3A_316 = tpu.vector_load %arg13[%get3A_314, %get3A_315] {strides = array<i32>} : memref<2x2048xf32, #tpu.memory_space<vmem>>, vector<16xf32>,
      %get3A_317 = arith.constant 0 : i32
      %get3A_318 = arith.index_cast %get3A_317 : i32 to index
      %get3A_319 = arith.index_cast %add3A_312 : i32 to index
      %get3A_320 = tpu.vector_load %arg14[%get3A_318, %get3A_319] {strides = array<i32>} : memref<2x2048xf32, #tpu.memory_space<vmem>>, vector<16xf32>,
      %mul3A_321 = arith.mulf %get3A_316, %get3A_320 : vector<16xf32>
      %add3A_322 = arith.addf %add3A_310, %mul3A_321 : vector<16xf32>
      %add3A_323 = arith.constant 1024 : i32
      %add3A_324 = arith.addi %add3A_323, %sub3A_226 : i32
      %get3A_325 = arith.constant 0 : i32
      %get3A_326 = arith.index_cast %get3A_325 : i32 to index
      %get3A_327 = arith.index_cast %add3A_324 : i32 to index
      %get3A_328 = tpu.vector_load %arg13[%get3A_326, %get3A_327] {strides = array<i32>} : memref<2x2048xf32, #tpu.memory_space<vmem>>, vector<16xf32>,
      %get3A_329 = arith.constant 0 : i32
      %get3A_330 = arith.index_cast %get3A_329 : i32 to index
      %get3A_331 = arith.index_cast %add3A_324 : i32 to index
      %get3A_332 = tpu.vector_load %arg14[%get3A_330, %get3A_331] {strides = array<i32>} : memref<2x2048xf32, #tpu.memory_space<vmem>>, vector<16xf32>,
      %mul3A_333 = arith.mulf %get3A_328, %get3A_332 : vector<16xf32>
      %add3A_334 = arith.addf %add3A_322, %mul3A_333 : vector<16xf32>
      %add3A_335 = arith.constant 1152 : i32
      %add3A_336 = arith.addi %add3A_335, %sub3A_226 : i32
      %get3A_337 = arith.constant 0 : i32
      %get3A_338 = arith.index_cast %get3A_337 : i32 to index
      %get3A_339 = arith.index_cast %add3A_336 : i32 to index
      %get3A_340 = tpu.vector_load %arg13[%get3A_338, %get3A_339] {strides = array<i32>} : memref<2x2048xf32, #tpu.memory_space<vmem>>, vector<16xf32>,
      %get3A_341 = arith.constant 0 : i32
      %get3A_342 = arith.index_cast %get3A_341 : i32 to index
      %get3A_343 = arith.index_cast %add3A_336 : i32 to index
      %get3A_344 = tpu.vector_load %arg14[%get3A_342, %get3A_343] {strides = array<i32>} : memref<2x2048xf32, #tpu.memory_space<vmem>>, vector<16xf32>,
      %mul3A_345 = arith.mulf %get3A_340, %get3A_344 : vector<16xf32>
      %add3A_346 = arith.addf %add3A_334, %mul3A_345 : vector<16xf32>
      %add3A_347 = arith.constant 1280 : i32
      %add3A_348 = arith.addi %add3A_347, %sub3A_226 : i32
      %get3A_349 = arith.constant 0 : i32
      %get3A_350 = arith.index_cast %get3A_349 : i32 to index
      %get3A_351 = arith.index_cast %add3A_348 : i32 to index
      %get3A_352 = tpu.vector_load %arg13[%get3A_350, %get3A_351] {strides = array<i32>} : memref<2x2048xf32, #tpu.memory_space<vmem>>, vector<16xf32>,
      %get3A_353 = arith.constant 0 : i32
      %get3A_354 = arith.index_cast %get3A_353 : i32 to index
      %get3A_355 = arith.index_cast %add3A_348 : i32 to index
      %get3A_356 = tpu.vector_load %arg14[%get3A_354, %get3A_355] {strides = array<i32>} : memref<2x2048xf32, #tpu.memory_space<vmem>>, vector<16xf32>,
      %mul3A_357 = arith.mulf %get3A_352, %get3A_356 : vector<16xf32>
      %add3A_358 = arith.addf %add3A_346, %mul3A_357 : vector<16xf32>
      %add3A_359 = arith.constant 1408 : i32
      %add3A_360 = arith.addi %add3A_359, %sub3A_226 : i32
      %get3A_361 = arith.constant 0 : i32
      %get3A_362 = arith.index_cast %get3A_361 : i32 to index
      %get3A_363 = arith.index_cast %add3A_360 : i32 to index
      %get3A_364 = tpu.vector_load %arg13[%get3A_362, %get3A_363] {strides = array<i32>} : memref<2x2048xf32, #tpu.memory_space<vmem>>, vector<16xf32>,
      %get3A_365 = arith.constant 0 : i32
      %get3A_366 = arith.index_cast %get3A_365 : i32 to index
      %get3A_367 = arith.index_cast %add3A_360 : i32 to index
      %get3A_368 = tpu.vector_load %arg14[%get3A_366, %get3A_367] {strides = array<i32>} : memref<2x2048xf32, #tpu.memory_space<vmem>>, vector<16xf32>,
      %mul3A_369 = arith.mulf %get3A_364, %get3A_368 : vector<16xf32>
      %add3A_370 = arith.addf %add3A_358, %mul3A_369 : vector<16xf32>
      %add3A_371 = arith.constant 1536 : i32
      %add3A_372 = arith.addi %add3A_371, %sub3A_226 : i32
      %get3A_373 = arith.constant 0 : i32
      %get3A_374 = arith.index_cast %get3A_373 : i32 to index
      %get3A_375 = arith.index_cast %add3A_372 : i32 to index
      %get3A_376 = tpu.vector_load %arg13[%get3A_374, %get3A_375] {strides = array<i32>} : memref<2x2048xf32, #tpu.memory_space<vmem>>, vector<16xf32>,
      %get3A_377 = arith.constant 0 : i32
      %get3A_378 = arith.index_cast %get3A_377 : i32 to index
      %get3A_379 = arith.index_cast %add3A_372 : i32 to index
      %get3A_380 = tpu.vector_load %arg14[%get3A_378, %get3A_379] {strides = array<i32>} : memref<2x2048xf32, #tpu.memory_space<vmem>>, vector<16xf32>,
      %mul3A_381 = arith.mulf %get3A_376, %get3A_380 : vector<16xf32>
      %add3A_382 = arith.addf %add3A_370, %mul3A_381 : vector<16xf32>
      %add3A_383 = arith.constant 1664 : i32
      %add3A_384 = arith.addi %add3A_383, %sub3A_226 : i32
      %get3A_385 = arith.constant 0 : i32
      %get3A_386 = arith.index_cast %get3A_385 : i32 to index
      %get3A_387 = arith.index_cast %add3A_384 : i32 to index
      %get3A_388 = tpu.vector_load %arg13[%get3A_386, %get3A_387] {strides = array<i32>} : memref<2x2048xf32, #tpu.memory_space<vmem>>, vector<16xf32>,
      %get3A_389 = arith.constant 0 : i32
      %get3A_390 = arith.index_cast %get3A_389 : i32 to index
      %get3A_391 = arith.index_cast %add3A_384 : i32 to index
      %get3A_392 = tpu.vector_load %arg14[%get3A_390, %get3A_391] {strides = array<i32>} : memref<2x2048xf32, #tpu.memory_space<vmem>>, vector<16xf32>,
      %mul3A_393 = arith.mulf %get3A_388, %get3A_392 : vector<16xf32>
      %add3A_394 = arith.addf %add3A_382, %mul3A_393 : vector<16xf32>
      %add3A_395 = arith.constant 1792 : i32
      %add3A_396 = arith.addi %add3A_395, %sub3A_226 : i32
      %get3A_397 = arith.constant 0 : i32
      %get3A_398 = arith.index_cast %get3A_397 : i32 to index
      %get3A_399 = arith.index_cast %add3A_396 : i32 to index
      %get3A_400 = tpu.vector_load %arg13[%get3A_398, %get3A_399] {strides = array<i32>} : memref<2x2048xf32, #tpu.memory_space<vmem>>, vector<16xf32>,
      %get3A_401 = arith.constant 0 : i32
      %get3A_402 = arith.index_cast %get3A_401 : i32 to index
      %get3A_403 = arith.index_cast %add3A_396 : i32 to index
      %get3A_404 = tpu.vector_load %arg14[%get3A_402, %get3A_403] {strides = array<i32>} : memref<2x2048xf32, #tpu.memory_space<vmem>>, vector<16xf32>,
      %mul3A_405 = arith.mulf %get3A_400, %get3A_404 : vector<16xf32>
      %add3A_406 = arith.addf %add3A_394, %mul3A_405 : vector<16xf32>
      %add3A_407 = arith.constant 1920 : i32
      %add3A_408 = arith.addi %add3A_407, %sub3A_226 : i32
      %get3A_409 = arith.constant 0 : i32
      %get3A_410 = arith.index_cast %get3A_409 : i32 to index
      %get3A_411 = arith.index_cast %add3A_408 : i32 to index
      %get3A_412 = tpu.vector_load %arg13[%get3A_410, %get3A_411] {strides = array<i32>} : memref<2x2048xf32, #tpu.memory_space<vmem>>, vector<16xf32>,
      %get3A_413 = arith.constant 0 : i32
      %get3A_414 = arith.index_cast %get3A_413 : i32 to index
      %get3A_415 = arith.index_cast %add3A_408 : i32 to index
      %get3A_416 = tpu.vector_load %arg14[%get3A_414, %get3A_415] {strides = array<i32>} : memref<2x2048xf32, #tpu.memory_space<vmem>>, vector<16xf32>,
      %mul3A_417 = arith.mulf %get3A_412, %get3A_416 : vector<16xf32>
      %add3A_418 = arith.addf %add3A_406, %mul3A_417 : vector<16xf32>
      %swap3A = arith.index_cast %mul3A_225 : i32 to index
      %swap3A_419 = tpu.vector_load %arg15[%swap3A] {strides = array<i32>} : memref<512xf32, #tpu.memory_space<vmem>>, vector<16xf32>,
      tpu.vector_store %arg15[%swap3A], %add3A_418 {strides = array<i32>} : memref<512xf32, #tpu.memory_space<vmem>>, vector<16xf32>,
      %scan3A_420 = arith.constant 0 : i32
      scf.yield %scan3A_420 : i32
    }
    %scan3A_194 = arith.constant 8 : i32
    %dma_wait3A_195 = arith.constant 1 : i32
    %dma_wait3A_196 = arith.constant 1 : i32
    %dma_wait3A_197 = arith.constant 0 : i32
    %dma_wait3A_198 = tpu.memref_slice %arg13[%dma_wait3A_196, %dma_wait3A_197] : memref<2x2048xf32, #tpu.memory_space<vmem>> -> memref<1x2048xf32, #tpu.memory_space<vmem>>
    %dma_wait3A_199 = tpu.memref_squeeze %dma_wait3A_198 : memref<1x2048xf32, #tpu.memory_space<vmem>> -> memref<2048xf32, #tpu.memory_space<vmem>>
    %dma_wait3A_200 = arith.constant 0 : i32
    %dma_wait3A_201 = tpu.memref_slice %arg11[%dma_wait3A_195, %dma_wait3A_200] : memref<2x2048xi32, #tpu.memory_space<vmem>> -> memref<1x2048xi32, #tpu.memory_space<vmem>>
    %dma_wait3A_202 = tpu.memref_squeeze %dma_wait3A_201 : memref<1x2048xi32, #tpu.memory_space<vmem>> -> memref<2048xi32, #tpu.memory_space<vmem>>
    %dma_wait3A_203 = arith.constant 0 : i32
    %dma_wait3A_204 = tpu.memref_slice %arg5[%dma_wait3A_203] : memref<6400000xf32, #tpu.memory_space<hbm>> -> memref<6400000xf32, #tpu.memory_space<hbm>>
    tpu.wait_indirect_dma semaphore(%arg18 : memref<!tpu.dma_semaphore, #tpu.memory_space<semaphore_mem>>) src(%dma_wait3A_204 : memref<6400000xf32, #tpu.memory_space<hbm>>) dst(%dma_wait3A_199 : memref<2048xf32, #tpu.memory_space<vmem>>)
    %dma_wait3A_205 = arith.constant 1 : i32
    %dma_wait3A_206 = arith.constant 1 : i32
    %dma_wait3A_207 = arith.constant 0 : i32
    %dma_wait3A_208 = tpu.memref_slice %arg14[%dma_wait3A_206, %dma_wait3A_207] : memref<2x2048xf32, #tpu.memory_space<vmem>> -> memref<1x2048xf32, #tpu.memory_space<vmem>>
    %dma_wait3A_209 = tpu.memref_squeeze %dma_wait3A_208 : memref<1x2048xf32, #tpu.memory_space<vmem>> -> memref<2048xf32, #tpu.memory_space<vmem>>
    %dma_wait3A_210 = arith.constant 0 : i32
    %dma_wait3A_211 = tpu.memref_slice %arg12[%dma_wait3A_205, %dma_wait3A_210] : memref<2x2048xi32, #tpu.memory_space<vmem>> -> memref<1x2048xi32, #tpu.memory_space<vmem>>
    %dma_wait3A_212 = tpu.memref_squeeze %dma_wait3A_211 : memref<1x2048xi32, #tpu.memory_space<vmem>> -> memref<2048xi32, #tpu.memory_space<vmem>>
    %dma_wait3A_213 = arith.constant 0 : i32
    %dma_wait3A_214 = tpu.memref_slice %arg16[%dma_wait3A_213] : memref<1601536xf32, #tpu.memory_space<vmem_shared>> -> memref<1601536xf32, #tpu.memory_space<vmem_shared>>
    tpu.wait_indirect_dma semaphore(%arg20 : memref<!tpu.dma_semaphore, #tpu.memory_space<semaphore_mem>>) src(%dma_wait3A_214 : memref<1601536xf32, #tpu.memory_space<vmem_shared>>) dst(%dma_wait3A_209 : memref<2048xf32, #tpu.memory_space<vmem>>)
    %scan3A_215 = arith.constant 0 : i32
    %scan3A_216 = arith.constant 24 : i32
    %scan3A_217 = arith.constant 8 : i32
    %scan3A_218 = arith.addi %scan3A_216, %scan3A_217 : i32
    %scan3A_219 = arith.constant 1 : i32
    %scan3A_220 = scf.for %scan3A_222 = %scan3A_216 to %scan3A_218 step %scan3A_219 iter_args(%scan3A_223 = %scan3A_215) -> (i32)  : i32 {
      %mul3A_224 = arith.constant 16 : i32
      %mul3A_225 = arith.muli %scan3A_222, %mul3A_224 : i32
      %sub3A = arith.constant 384 : i32
      %sub3A_226 = arith.subi %mul3A_225, %sub3A : i32
      %broadcast_in_dim3A = arith.constant 0.000000e+00 : f32
      %broadcast_in_dim3A_227 = vector.broadcast %broadcast_in_dim3A : f32 to vector<16xf32>
      %add3A_228 = arith.constant 0 : i32
      %add3A_229 = arith.addi %add3A_228, %sub3A_226 : i32
      %get3A = arith.constant 1 : i32
      %get3A_230 = arith.index_cast %get3A : i32 to index
      %get3A_231 = arith.index_cast %add3A_229 : i32 to index
      %get3A_232 = tpu.vector_load %arg13[%get3A_230, %get3A_231] {strides = array<i32>} : memref<2x2048xf32, #tpu.memory_space<vmem>>, vector<16xf32>,
      %get3A_233 = arith.constant 1 : i32
      %get3A_234 = arith.index_cast %get3A_233 : i32 to index
      %get3A_235 = arith.index_cast %add3A_229 : i32 to index
      %get3A_236 = tpu.vector_load %arg14[%get3A_234, %get3A_235] {strides = array<i32>} : memref<2x2048xf32, #tpu.memory_space<vmem>>, vector<16xf32>,
      %mul3A_237 = arith.mulf %get3A_232, %get3A_236 : vector<16xf32>
      %add3A_238 = arith.addf %broadcast_in_dim3A_227, %mul3A_237 : vector<16xf32>
      %add3A_239 = arith.constant 128 : i32
      %add3A_240 = arith.addi %add3A_239, %sub3A_226 : i32
      %get3A_241 = arith.constant 1 : i32
      %get3A_242 = arith.index_cast %get3A_241 : i32 to index
      %get3A_243 = arith.index_cast %add3A_240 : i32 to index
      %get3A_244 = tpu.vector_load %arg13[%get3A_242, %get3A_243] {strides = array<i32>} : memref<2x2048xf32, #tpu.memory_space<vmem>>, vector<16xf32>,
      %get3A_245 = arith.constant 1 : i32
      %get3A_246 = arith.index_cast %get3A_245 : i32 to index
      %get3A_247 = arith.index_cast %add3A_240 : i32 to index
      %get3A_248 = tpu.vector_load %arg14[%get3A_246, %get3A_247] {strides = array<i32>} : memref<2x2048xf32, #tpu.memory_space<vmem>>, vector<16xf32>,
      %mul3A_249 = arith.mulf %get3A_244, %get3A_248 : vector<16xf32>
      %add3A_250 = arith.addf %add3A_238, %mul3A_249 : vector<16xf32>
      %add3A_251 = arith.constant 256 : i32
      %add3A_252 = arith.addi %add3A_251, %sub3A_226 : i32
      %get3A_253 = arith.constant 1 : i32
      %get3A_254 = arith.index_cast %get3A_253 : i32 to index
      %get3A_255 = arith.index_cast %add3A_252 : i32 to index
      %get3A_256 = tpu.vector_load %arg13[%get3A_254, %get3A_255] {strides = array<i32>} : memref<2x2048xf32, #tpu.memory_space<vmem>>, vector<16xf32>,
      %get3A_257 = arith.constant 1 : i32
      %get3A_258 = arith.index_cast %get3A_257 : i32 to index
      %get3A_259 = arith.index_cast %add3A_252 : i32 to index
      %get3A_260 = tpu.vector_load %arg14[%get3A_258, %get3A_259] {strides = array<i32>} : memref<2x2048xf32, #tpu.memory_space<vmem>>, vector<16xf32>,
      %mul3A_261 = arith.mulf %get3A_256, %get3A_260 : vector<16xf32>
      %add3A_262 = arith.addf %add3A_250, %mul3A_261 : vector<16xf32>
      %add3A_263 = arith.constant 384 : i32
      %add3A_264 = arith.addi %add3A_263, %sub3A_226 : i32
      %get3A_265 = arith.constant 1 : i32
      %get3A_266 = arith.index_cast %get3A_265 : i32 to index
      %get3A_267 = arith.index_cast %add3A_264 : i32 to index
      %get3A_268 = tpu.vector_load %arg13[%get3A_266, %get3A_267] {strides = array<i32>} : memref<2x2048xf32, #tpu.memory_space<vmem>>, vector<16xf32>,
      %get3A_269 = arith.constant 1 : i32
      %get3A_270 = arith.index_cast %get3A_269 : i32 to index
      %get3A_271 = arith.index_cast %add3A_264 : i32 to index
      %get3A_272 = tpu.vector_load %arg14[%get3A_270, %get3A_271] {strides = array<i32>} : memref<2x2048xf32, #tpu.memory_space<vmem>>, vector<16xf32>,
      %mul3A_273 = arith.mulf %get3A_268, %get3A_272 : vector<16xf32>
      %add3A_274 = arith.addf %add3A_262, %mul3A_273 : vector<16xf32>
      %add3A_275 = arith.constant 512 : i32
      %add3A_276 = arith.addi %add3A_275, %sub3A_226 : i32
      %get3A_277 = arith.constant 1 : i32
      %get3A_278 = arith.index_cast %get3A_277 : i32 to index
      %get3A_279 = arith.index_cast %add3A_276 : i32 to index
      %get3A_280 = tpu.vector_load %arg13[%get3A_278, %get3A_279] {strides = array<i32>} : memref<2x2048xf32, #tpu.memory_space<vmem>>, vector<16xf32>,
      %get3A_281 = arith.constant 1 : i32
      %get3A_282 = arith.index_cast %get3A_281 : i32 to index
      %get3A_283 = arith.index_cast %add3A_276 : i32 to index
      %get3A_284 = tpu.vector_load %arg14[%get3A_282, %get3A_283] {strides = array<i32>} : memref<2x2048xf32, #tpu.memory_space<vmem>>, vector<16xf32>,
      %mul3A_285 = arith.mulf %get3A_280, %get3A_284 : vector<16xf32>
      %add3A_286 = arith.addf %add3A_274, %mul3A_285 : vector<16xf32>
      %add3A_287 = arith.constant 640 : i32
      %add3A_288 = arith.addi %add3A_287, %sub3A_226 : i32
      %get3A_289 = arith.constant 1 : i32
      %get3A_290 = arith.index_cast %get3A_289 : i32 to index
      %get3A_291 = arith.index_cast %add3A_288 : i32 to index
      %get3A_292 = tpu.vector_load %arg13[%get3A_290, %get3A_291] {strides = array<i32>} : memref<2x2048xf32, #tpu.memory_space<vmem>>, vector<16xf32>,
      %get3A_293 = arith.constant 1 : i32
      %get3A_294 = arith.index_cast %get3A_293 : i32 to index
      %get3A_295 = arith.index_cast %add3A_288 : i32 to index
      %get3A_296 = tpu.vector_load %arg14[%get3A_294, %get3A_295] {strides = array<i32>} : memref<2x2048xf32, #tpu.memory_space<vmem>>, vector<16xf32>,
      %mul3A_297 = arith.mulf %get3A_292, %get3A_296 : vector<16xf32>
      %add3A_298 = arith.addf %add3A_286, %mul3A_297 : vector<16xf32>
      %add3A_299 = arith.constant 768 : i32
      %add3A_300 = arith.addi %add3A_299, %sub3A_226 : i32
      %get3A_301 = arith.constant 1 : i32
      %get3A_302 = arith.index_cast %get3A_301 : i32 to index
      %get3A_303 = arith.index_cast %add3A_300 : i32 to index
      %get3A_304 = tpu.vector_load %arg13[%get3A_302, %get3A_303] {strides = array<i32>} : memref<2x2048xf32, #tpu.memory_space<vmem>>, vector<16xf32>,
      %get3A_305 = arith.constant 1 : i32
      %get3A_306 = arith.index_cast %get3A_305 : i32 to index
      %get3A_307 = arith.index_cast %add3A_300 : i32 to index
      %get3A_308 = tpu.vector_load %arg14[%get3A_306, %get3A_307] {strides = array<i32>} : memref<2x2048xf32, #tpu.memory_space<vmem>>, vector<16xf32>,
      %mul3A_309 = arith.mulf %get3A_304, %get3A_308 : vector<16xf32>
      %add3A_310 = arith.addf %add3A_298, %mul3A_309 : vector<16xf32>
      %add3A_311 = arith.constant 896 : i32
      %add3A_312 = arith.addi %add3A_311, %sub3A_226 : i32
      %get3A_313 = arith.constant 1 : i32
      %get3A_314 = arith.index_cast %get3A_313 : i32 to index
      %get3A_315 = arith.index_cast %add3A_312 : i32 to index
      %get3A_316 = tpu.vector_load %arg13[%get3A_314, %get3A_315] {strides = array<i32>} : memref<2x2048xf32, #tpu.memory_space<vmem>>, vector<16xf32>,
      %get3A_317 = arith.constant 1 : i32
      %get3A_318 = arith.index_cast %get3A_317 : i32 to index
      %get3A_319 = arith.index_cast %add3A_312 : i32 to index
      %get3A_320 = tpu.vector_load %arg14[%get3A_318, %get3A_319] {strides = array<i32>} : memref<2x2048xf32, #tpu.memory_space<vmem>>, vector<16xf32>,
      %mul3A_321 = arith.mulf %get3A_316, %get3A_320 : vector<16xf32>
      %add3A_322 = arith.addf %add3A_310, %mul3A_321 : vector<16xf32>
      %add3A_323 = arith.constant 1024 : i32
      %add3A_324 = arith.addi %add3A_323, %sub3A_226 : i32
      %get3A_325 = arith.constant 1 : i32
      %get3A_326 = arith.index_cast %get3A_325 : i32 to index
      %get3A_327 = arith.index_cast %add3A_324 : i32 to index
      %get3A_328 = tpu.vector_load %arg13[%get3A_326, %get3A_327] {strides = array<i32>} : memref<2x2048xf32, #tpu.memory_space<vmem>>, vector<16xf32>,
      %get3A_329 = arith.constant 1 : i32
      %get3A_330 = arith.index_cast %get3A_329 : i32 to index
      %get3A_331 = arith.index_cast %add3A_324 : i32 to index
      %get3A_332 = tpu.vector_load %arg14[%get3A_330, %get3A_331] {strides = array<i32>} : memref<2x2048xf32, #tpu.memory_space<vmem>>, vector<16xf32>,
      %mul3A_333 = arith.mulf %get3A_328, %get3A_332 : vector<16xf32>
      %add3A_334 = arith.addf %add3A_322, %mul3A_333 : vector<16xf32>
      %add3A_335 = arith.constant 1152 : i32
      %add3A_336 = arith.addi %add3A_335, %sub3A_226 : i32
      %get3A_337 = arith.constant 1 : i32
      %get3A_338 = arith.index_cast %get3A_337 : i32 to index
      %get3A_339 = arith.index_cast %add3A_336 : i32 to index
      %get3A_340 = tpu.vector_load %arg13[%get3A_338, %get3A_339] {strides = array<i32>} : memref<2x2048xf32, #tpu.memory_space<vmem>>, vector<16xf32>,
      %get3A_341 = arith.constant 1 : i32
      %get3A_342 = arith.index_cast %get3A_341 : i32 to index
      %get3A_343 = arith.index_cast %add3A_336 : i32 to index
      %get3A_344 = tpu.vector_load %arg14[%get3A_342, %get3A_343] {strides = array<i32>} : memref<2x2048xf32, #tpu.memory_space<vmem>>, vector<16xf32>,
      %mul3A_345 = arith.mulf %get3A_340, %get3A_344 : vector<16xf32>
      %add3A_346 = arith.addf %add3A_334, %mul3A_345 : vector<16xf32>
      %add3A_347 = arith.constant 1280 : i32
      %add3A_348 = arith.addi %add3A_347, %sub3A_226 : i32
      %get3A_349 = arith.constant 1 : i32
      %get3A_350 = arith.index_cast %get3A_349 : i32 to index
      %get3A_351 = arith.index_cast %add3A_348 : i32 to index
      %get3A_352 = tpu.vector_load %arg13[%get3A_350, %get3A_351] {strides = array<i32>} : memref<2x2048xf32, #tpu.memory_space<vmem>>, vector<16xf32>,
      %get3A_353 = arith.constant 1 : i32
      %get3A_354 = arith.index_cast %get3A_353 : i32 to index
      %get3A_355 = arith.index_cast %add3A_348 : i32 to index
      %get3A_356 = tpu.vector_load %arg14[%get3A_354, %get3A_355] {strides = array<i32>} : memref<2x2048xf32, #tpu.memory_space<vmem>>, vector<16xf32>,
      %mul3A_357 = arith.mulf %get3A_352, %get3A_356 : vector<16xf32>
      %add3A_358 = arith.addf %add3A_346, %mul3A_357 : vector<16xf32>
      %add3A_359 = arith.constant 1408 : i32
      %add3A_360 = arith.addi %add3A_359, %sub3A_226 : i32
      %get3A_361 = arith.constant 1 : i32
      %get3A_362 = arith.index_cast %get3A_361 : i32 to index
      %get3A_363 = arith.index_cast %add3A_360 : i32 to index
      %get3A_364 = tpu.vector_load %arg13[%get3A_362, %get3A_363] {strides = array<i32>} : memref<2x2048xf32, #tpu.memory_space<vmem>>, vector<16xf32>,
      %get3A_365 = arith.constant 1 : i32
      %get3A_366 = arith.index_cast %get3A_365 : i32 to index
      %get3A_367 = arith.index_cast %add3A_360 : i32 to index
      %get3A_368 = tpu.vector_load %arg14[%get3A_366, %get3A_367] {strides = array<i32>} : memref<2x2048xf32, #tpu.memory_space<vmem>>, vector<16xf32>,
      %mul3A_369 = arith.mulf %get3A_364, %get3A_368 : vector<16xf32>
      %add3A_370 = arith.addf %add3A_358, %mul3A_369 : vector<16xf32>
      %add3A_371 = arith.constant 1536 : i32
      %add3A_372 = arith.addi %add3A_371, %sub3A_226 : i32
      %get3A_373 = arith.constant 1 : i32
      %get3A_374 = arith.index_cast %get3A_373 : i32 to index
      %get3A_375 = arith.index_cast %add3A_372 : i32 to index
      %get3A_376 = tpu.vector_load %arg13[%get3A_374, %get3A_375] {strides = array<i32>} : memref<2x2048xf32, #tpu.memory_space<vmem>>, vector<16xf32>,
      %get3A_377 = arith.constant 1 : i32
      %get3A_378 = arith.index_cast %get3A_377 : i32 to index
      %get3A_379 = arith.index_cast %add3A_372 : i32 to index
      %get3A_380 = tpu.vector_load %arg14[%get3A_378, %get3A_379] {strides = array<i32>} : memref<2x2048xf32, #tpu.memory_space<vmem>>, vector<16xf32>,
      %mul3A_381 = arith.mulf %get3A_376, %get3A_380 : vector<16xf32>
      %add3A_382 = arith.addf %add3A_370, %mul3A_381 : vector<16xf32>
      %add3A_383 = arith.constant 1664 : i32
      %add3A_384 = arith.addi %add3A_383, %sub3A_226 : i32
      %get3A_385 = arith.constant 1 : i32
      %get3A_386 = arith.index_cast %get3A_385 : i32 to index
      %get3A_387 = arith.index_cast %add3A_384 : i32 to index
      %get3A_388 = tpu.vector_load %arg13[%get3A_386, %get3A_387] {strides = array<i32>} : memref<2x2048xf32, #tpu.memory_space<vmem>>, vector<16xf32>,
      %get3A_389 = arith.constant 1 : i32
      %get3A_390 = arith.index_cast %get3A_389 : i32 to index
      %get3A_391 = arith.index_cast %add3A_384 : i32 to index
      %get3A_392 = tpu.vector_load %arg14[%get3A_390, %get3A_391] {strides = array<i32>} : memref<2x2048xf32, #tpu.memory_space<vmem>>, vector<16xf32>,
      %mul3A_393 = arith.mulf %get3A_388, %get3A_392 : vector<16xf32>
      %add3A_394 = arith.addf %add3A_382, %mul3A_393 : vector<16xf32>
      %add3A_395 = arith.constant 1792 : i32
      %add3A_396 = arith.addi %add3A_395, %sub3A_226 : i32
      %get3A_397 = arith.constant 1 : i32
      %get3A_398 = arith.index_cast %get3A_397 : i32 to index
      %get3A_399 = arith.index_cast %add3A_396 : i32 to index
      %get3A_400 = tpu.vector_load %arg13[%get3A_398, %get3A_399] {strides = array<i32>} : memref<2x2048xf32, #tpu.memory_space<vmem>>, vector<16xf32>,
      %get3A_401 = arith.constant 1 : i32
      %get3A_402 = arith.index_cast %get3A_401 : i32 to index
      %get3A_403 = arith.index_cast %add3A_396 : i32 to index
      %get3A_404 = tpu.vector_load %arg14[%get3A_402, %get3A_403] {strides = array<i32>} : memref<2x2048xf32, #tpu.memory_space<vmem>>, vector<16xf32>,
      %mul3A_405 = arith.mulf %get3A_400, %get3A_404 : vector<16xf32>
      %add3A_406 = arith.addf %add3A_394, %mul3A_405 : vector<16xf32>
      %add3A_407 = arith.constant 1920 : i32
      %add3A_408 = arith.addi %add3A_407, %sub3A_226 : i32
      %get3A_409 = arith.constant 1 : i32
      %get3A_410 = arith.index_cast %get3A_409 : i32 to index
      %get3A_411 = arith.index_cast %add3A_408 : i32 to index
      %get3A_412 = tpu.vector_load %arg13[%get3A_410, %get3A_411] {strides = array<i32>} : memref<2x2048xf32, #tpu.memory_space<vmem>>, vector<16xf32>,
      %get3A_413 = arith.constant 1 : i32
      %get3A_414 = arith.index_cast %get3A_413 : i32 to index
      %get3A_415 = arith.index_cast %add3A_408 : i32 to index
      %get3A_416 = tpu.vector_load %arg14[%get3A_414, %get3A_415] {strides = array<i32>} : memref<2x2048xf32, #tpu.memory_space<vmem>>, vector<16xf32>,
      %mul3A_417 = arith.mulf %get3A_412, %get3A_416 : vector<16xf32>
      %add3A_418 = arith.addf %add3A_406, %mul3A_417 : vector<16xf32>
      %swap3A = arith.index_cast %mul3A_225 : i32 to index
      %swap3A_419 = tpu.vector_load %arg15[%swap3A] {strides = array<i32>} : memref<512xf32, #tpu.memory_space<vmem>>, vector<16xf32>,
      tpu.vector_store %arg15[%swap3A], %add3A_418 {strides = array<i32>} : memref<512xf32, #tpu.memory_space<vmem>>, vector<16xf32>,
      %scan3A_420 = arith.constant 0 : i32
      scf.yield %scan3A_420 : i32
    }
    %scan3A_221 = arith.constant 8 : i32
    "tpu.region"() ({
      %run_scoped3A = tpu.sem_alloc : memref<!tpu.dma_semaphore, #tpu.memory_space<semaphore_mem>>
      %dma_start3A_222 = tpu.memref_slice %arg7[%mul3A_2] : memref<16384xf32, #tpu.memory_space<hbm>> -> memref<512xf32, #tpu.memory_space<hbm>>
      %dma_start3A_223 = tpu.memref_slice %arg7[%mul3A_2] : memref<16384xf32, #tpu.memory_space<hbm>> -> memref<512xf32, #tpu.memory_space<hbm>>
      tpu.enqueue_dma source(%arg15 : memref<512xf32, #tpu.memory_space<vmem>>) target(%dma_start3A_223 : memref<512xf32, #tpu.memory_space<hbm>>) target_semaphore(%run_scoped3A : memref<!tpu.dma_semaphore, #tpu.memory_space<semaphore_mem>>)
      %dma_wait3A_224 = tpu.memref_slice %arg7[%mul3A_2] : memref<16384xf32, #tpu.memory_space<hbm>> -> memref<512xf32, #tpu.memory_space<hbm>>
      %dma_wait3A_225 = tpu.memref_slice %arg7[%mul3A_2] : memref<16384xf32, #tpu.memory_space<hbm>> -> memref<512xf32, #tpu.memory_space<hbm>>
      tpu.wait_dma2 semaphore(%run_scoped3A : memref<!tpu.dma_semaphore, #tpu.memory_space<semaphore_mem>>) src(%arg15 : memref<512xf32, #tpu.memory_space<vmem>>) dst(%dma_wait3A_225 : memref<512xf32, #tpu.memory_space<hbm>>)
      tpu.yield
    }) : () -> ()
    return
  }
}

</mosaic_0001>

<sc_bundles>
// kernel: kernel.3.cloned.1.call-start
scs
__scs_entry_jumppad:
0x0: {  	(pc) =	sbr.rel $0x88, $3  }
0x1: {  	(tag) =	ssettag $0x0;
	lr =	simm.s32 $0x1  }
0x2: {  	[smem:$0x3F9C] =	sst lr;
	_ =	strace $0xD0000000  }
0x3: {  	_ = 	snop  }
0x4: {  	_ = 	snop  }
0x5: {  	_ = 	snop  }
0x6: {  	_ = 	snop  }
0x7: {  	_ = 	snop  }
__scs_overlays_trampoline_lowered:
0x8: {  	[smem:$0x3FAB] =	sst s0  }
0x9: {  	[smem:$0x3FAC] =	sst s1  }
0xa: {  	[smem:$0x3FAD] =	sst s2  }
0xb: {  	[smem:$0x3FAE] =	sst s3  }
0xc: {  	[smem:$0x3FAF] =	sst s4  }
0xd: {  	[smem:$0x3FB0] =	sst s5  }
0xe: {  	[smem:$0x3FB1] =	sst s6  }
0xf: {  	[smem:$0x3FB2] =	sst s7  }
0x10: {  	[smem:$0x3FB3] =	sst s8  }
0x11: {  	[smem:$0x3FB4] =	sst s9;
	s0 =	simm.s32 @!p0 $0x0  }
0x12: {  	s1 =	sld [smem:$0x3F9A];
	s0 =	simm.s32 @p0 $0x1  }
0x13: {  	[smem:$0x3FB5] =	sst s0;
	s0 =	simm.s32 @!p1 $0x0  }
0x14: {  	s2 =	sld [smem:$0x3F99];
	s0 =	simm.s32 @p1 $0x1  }
0x15: {  	[smem:$0x3FB6] =	sst s0;
	s0 =	simm.s32 @!p2 $0x0  }
0x16: {  	s3 =	sld [smem:$0x3FDB];
	s0 =	simm.s32 @p2 $0x1  }
0x17: {  	s4 =	simm.s32 $0x1BF5;
	[smem:$0x3FB8] =	sst s0  }
0x18: {  	s0 =	sld [smem:$0x3F9B];
	_ =	swait.ge [sflag:s4], $0x0  }
0x19: {  	s7 =	sld [smem:$0x3F9C]  }
0x1a: {  	s8 =	sadd.s32 $0xFFFFE003, lr  }
0x1b: {  	s9 =	sadd.s32 $0xFFFFFEF7, lr;
	s5 =	simm.s32 $0xFFFFFFFF;
	p2 =	slt.u32 s8, $0xFFFFF086  }
0x1c: {  	p1 =	slt.u32 s9, $0xF7A;
	s5 =	simm.s32 @!p2 $0x0  }
0x1d: {  	s5 =	simm.s32 @p1 $0x1;
	p0 =	seq.s32 s7, s2  }
0x1e: {  	s7 =	smul.u32 @!p0 $0xF7A, s2;
	p2 =	seq.s32 @!p0 s5, $0x0  }
0x1f: {  	s9 =	smul.u32 $0xF7A, s1;
	s8 =	simm.s32 @!p0 $0x1BF5;
	p2 =	por !p2, p0  }
0x20: {  	[sflag:s8] =	ssyncset.s32 @!p0 $0xFFFFF086;
	s6 =	sadd.s32 @!p0 s3, s7;
	s7 =	simm.s32 @!p0 $0x108  }
0x21: {  	s3 =	sadd.s32 s3, s9;
	s6 =	sadd.s32 @!p0 $0x88, s6;
	s7 =	simm.s32 @p2 $0x1082  }
0x22: {  	[simem:s7], [sflag:s8] =	dma.local @!p0 [hbm:s6], $0xF7A  }
0x23: {  	s9 =	sor.u32 $0xD0000000, s2;
	s6 =	simm.s32 $0x108;
	_ =	swait.ge @!p0 [sflag:s8], $0x0  }
0x24: {  	s3 =	sadd.s32 $0x88, s3;
	s6 =	simm.s32 @!p1 $0x1082;
	[sflag:s4] =	ssyncset.s32 $0xFFFFF086  }
0x25: {  	[simem:s6], [sflag:s4] =	dma.local [hbm:s3], $0xF7A  }
0x26: {  	[smem:$0x3F9C] =	sst s1;
	(tag) =	ssettag s2;
	_ =	strace s9  }
0x27: {  	s1 =	sld [smem:$0x3FAC]  }
0x28: {  	s2 =	sld [smem:$0x3FAD]  }
0x29: {  	s4 =	sld [smem:$0x3FAF]  }
0x2a: {  	p0 =	seq.s32 s5, $0x0;
	s5 =	sld [smem:$0x3FB0]  }
0x2b: {  	s6 =	sld [smem:$0x3FB1]  }
0x2c: {  	s7 =	sld [smem:$0x3FB2]  }
0x2d: {  	s3 =	simm.s32 $0x108;
	s8 =	sld [smem:$0x3FB3]  }
0x2e: {  	s3 =	simm.s32 @!p0 $0x1082;
	s9 =	sld [smem:$0x3FB4]  }
0x2f: {  	lr =	sadd.s32 s0, s3;
	s0 =	sld [smem:$0x3FAB]  }
0x30: {  	s3 =	sld [smem:$0x3FAE]  }
0x31: {  	[smem:$0x3FB7] =	sst s10  }
0x32: {  	s10 =	sld [smem:$0x3FB5];
	_ =	sdelay $0x3  }
0x33: {  	p0 =	seq.s32 s10, $0x1;
	s10 =	sld [smem:$0x3FB7];
	_ =	sdelay $0x3  }
0x34: {  	[smem:$0x3FB7] =	sst s10  }
0x35: {  	s10 =	sld [smem:$0x3FB6];
	_ =	sdelay $0x3  }
0x36: {  	p1 =	seq.s32 s10, $0x1;
	s10 =	sld [smem:$0x3FB7];
	_ =	sdelay $0x3  }
0x37: {  	[smem:$0x3FB7] =	sst s10  }
0x38: {  	s10 =	sld [smem:$0x3FB8]  }
0x39: {  	_ = 	snop;
	(pc) =	sbr.ind lr, $3  }
0x3a: {  	_ = 	snop  }
0x3b: {  	_ = 	snop  }
0x3c: {  	p2 =	seq.s32 s10, $0x1;
	s10 =	sld [smem:$0x3FB7]  }
0x3d: {  	_ =	shalt  }
0x3e: {  	_ =	shalt  }
0x3f: {  	_ =	shalt  }
0x40: {  	_ =	shalt  }
0x41: {  	_ =	shalt  }
0x42: {  	_ =	shalt  }
0x43: {  	_ =	shalt  }
0x44: {  	_ =	shalt  }
0x45: {  	_ =	shalt  }
0x46: {  	_ =	shalt  }
0x47: {  	_ =	shalt  }
0x48: {  	_ =	shalt  }
0x49: {  	_ =	shalt  }
0x4a: {  	_ =	shalt  }
0x4b: {  	_ =	shalt  }
0x4c: {  	_ =	shalt  }
0x4d: {  	_ =	shalt  }
0x4e: {  	_ =	shalt  }
0x4f: {  	_ =	shalt  }
0x50: {  	_ =	shalt  }
0x51: {  	_ =	shalt  }
0x52: {  	_ =	shalt  }
0x53: {  	_ =	shalt  }
0x54: {  	_ =	shalt  }
0x55: {  	_ =	shalt  }
0x56: {  	_ =	shalt  }
0x57: {  	_ =	shalt  }
0x58: {  	_ =	shalt  }
0x59: {  	_ =	shalt  }
0x5a: {  	_ =	shalt  }
0x5b: {  	_ =	shalt  }
0x5c: {  	_ =	shalt  }
0x5d: {  	_ =	shalt  }
0x5e: {  	_ =	shalt  }
0x5f: {  	_ =	shalt  }
0x60: {  	_ =	shalt  }
0x61: {  	_ =	shalt  }
0x62: {  	_ =	shalt  }
0x63: {  	_ =	shalt  }
0x64: {  	_ =	shalt  }
0x65: {  	_ =	shalt  }
0x66: {  	_ =	shalt  }
0x67: {  	_ =	shalt  }
0x68: {  	_ =	shalt  }
0x69: {  	_ =	shalt  }
0x6a: {  	_ =	shalt  }
0x6b: {  	_ =	shalt  }
0x6c: {  	_ =	shalt  }
0x6d: {  	_ =	shalt  }
0x6e: {  	_ =	shalt  }
0x6f: {  	_ =	shalt  }
0x70: {  	_ =	shalt  }
0x71: {  	_ =	shalt  }
0x72: {  	_ =	shalt  }
0x73: {  	_ =	shalt  }
0x74: {  	_ =	shalt  }
0x75: {  	_ =	shalt  }
0x76: {  	_ =	shalt  }
0x77: {  	_ =	shalt  }
0x78: {  	_ =	shalt  }
0x79: {  	_ =	shalt  }
0x7a: {  	_ =	shalt  }
0x7b: {  	_ =	shalt  }
0x7c: {  	_ =	shalt  }
0x7d: {  	_ =	shalt  }
0x7e: {  	_ =	shalt  }
0x7f: {  	_ =	shalt  }
0x80: {  	_ =	shalt  }
0x81: {  	_ =	shalt  }
0x82: {  	_ =	shalt  }
0x83: {  	_ =	shalt  }
0x84: {  	_ =	shalt  }
0x85: {  	_ =	shalt  }
0x86: {  	_ =	shalt  }
0x87: {  	_ =	shalt  }
.Lfunc_end0:
.L_simem_size_0:
called_computation_lowered:
.L_overlay_start_0:
0x88: {  	s2 =	sld [smem:$0x3FD9]  }
0x89: {  	s3 =	sld [smem:$0x3FFE];
	_ =	sdelay $0x1  }
0x8a: {  	s1 =	srdreg.scid  }
0x8b: {  	s0 =	sand.u32 $0x1, s1  }
0x8c: {  	s17 =	sshll.u32 s0, $0xA;
	s2 =	sadd.s32 s3, s2  }
0x8d: {  	s2 =	sadd.s32 s2, s17  }
0x8e: {  	[smem:$0x3FC3] =	sst s2  }
0x8f: {  	_ = 	snop  }
0x90: {  	s2 =	sld [smem:$0x3FC9]  }
0x91: {  	s18 =	sld [smem:$0x3FC8]  }
0x92: {  	s4 =	sld [smem:$0x3FC7]  }
0x93: {  	s5 =	sld [smem:$0x3FC6]  }
0x94: {  	s6 =	sld [smem:$0x3FD0];
	(tm) =	ssettm $0x1  }
0x95: {  	s7 =	sld [smem:$0x3FFB];
	_ =	sdelay $0x3  }
0x96: {  	_ =	strace s7  }
0x97: {  	s7 =	sld [smem:$0x3FFC];
	_ =	sdelay $0x3  }
0x98: {  	_ =	strace s7  }
0x99: {  	s7 =	sld [smem:$0x3FFD];
	_ =	sdelay $0x3  }
0x9a: {  	_ =	strace s7  }
0x9b: {  	_ =	strace $0x8FFFFFFF  }
0x9c: {  	s19 =	sld [smem:$0x3FDB];
	_ =	sdelay $0x1  }
0x9d: {  	s8 =	simm.s32 $_scs_section_size  }
0x9e: {  	s9 =	simm.s32 $_size__tile_overlayer_lowered;
	s10 =	simm.s32 $_tile_overlayer_lowered  }
0x9f: {  	s22 =	simm.s32 $0x1BFF;
	s21 =	sshll.u32 s10, $0x1;
	s7 =	sadd.s32 s8, s19  }
0xa0: {  	s11 =	simm.s32 $0x0;
	s20 =	sshll.u32 s9, $0x1;
	s9 =	sadd.s32 s21, s7  }
0xa1: {  	[timem:s11], [sflag:s22] =	dma.local [hbm:s9], s20  }
0xa2: {  	_ =	swait.ge [sflag:s22], s20  }
0xa3: {  	s8 =	ssub.s32 $0x0, s20;
	[sflag:s22] =	ssyncset.done $0x0  }
0xa4: {  	[sflag:s22] =	ssyncadd.s32 s8;
	_ =	sdelay $0x1  }
0xa5: {  	s23 =	simm.s32 $0x1B8B  }
0xa6: {  	_ =	swait.ge [sflag:s23], $0x1  }
0xa7: {  	[sflag:s23] =	ssyncset.done $0x0  }
0xa8: {  	s25 =	simm.s32 $0x1B8E;
	s24 =	sld [smem:$0x3FFE];
	[sflag:s23] =	ssyncadd.s32 $0xFFFFFFFF  }
0xa9: {  	s26 =	simm.s32 $execute0_lowered;
	[smem:$0x3FD2] =	sst s25  }
0xaa: {  	s9 =	sshll.u32 s26, $0x1;
	_ =	strace $0x80000046;
	[dreg:$0x1] =	wrdreg $0xFFFFFFFF  }
0xab: {  	s28 =	simm.s32 $_size_execute0_lowered;
	s7 =	sadd.s32 s7, s9;
	[dreg:$0x0] =	wrdreg $0x0  }
0xac: {  	s9 =	sshll.u32 s28, $0x1;
	[dreg:$0x2] =	wrdreg s7  }
0xad: {  	[dreg:$0x3] =	wrdreg s9  }
0xae: {  	[dreg:$0x4] =	wrdreg $0xC0  }
0xaf: {  	_ =	task [dreg:s11], $0x5FFFF  }
0xb0: {  	[dreg:$0x1] =	wrdreg $0xFFFFFFFF  }
0xb1: {  	[dreg:$0x0] =	wrdreg $0x60  }
0xb2: {  	[dreg:$0x2] =	wrdreg s2  }
0xb3: {  	[dreg:$0x3] =	wrdreg s18  }
0xb4: {  	[dreg:$0x4] =	wrdreg s4  }
0xb5: {  	[dreg:$0x5] =	wrdreg s5  }
0xb6: {  	[dreg:$0x6] =	wrdreg s24  }
0xb7: {  	[dreg:$0x7] =	wrdreg s6  }
0xb8: {  	[dreg:$0x8] =	wrdreg $0x48000  }
0xb9: {  	[dreg:$0x9] =	wrdreg $0x9  }
0xba: {  	_ =	task.clear_ibuf [dreg:s11], $0xAFFFF;
	_ =	strace $0x90000046  }
0xbb: {  	s29 =	simm.s32 $0x9;
	_ =	strace $0x80000048  }
0xbc: {  	_ =	swait.ge [sflag:s29], $0x1  }
0xbd: {  	[sflag:s29] =	ssyncadd.s32 $0xFFFFFFFF  }
0xbe: {  	_ =	strace $0x90000048  }
0xbf: {  	_ =	sfence  }
0xc0: {  	s30 =	sld [smem:$0x0];
	_ =	sdelay $0x2  }
0xc1: {  	s31 =	sshll.u32 s1, $0xD;
	s1 =	sshrl.u32 s1, $0x2  }
0xc2: {  	s3 =	sand.u32 $0x4000, s31;
	s1 =	sadd.s32 s1, s30  }
0xc3: {  	s0 =	sor.u32 s3, s0;
	s1 =	sshll.u32 s1, $0x11  }
0xc4: {  	s0 =	sor.u32 s1, s0  }
0xc5: {  	s0 =	sadd.s32 $0x8F2B, s0  }
0xc6: {  	[sflag:s0] =	ssyncadd.remote.s32 $0x1  }
0xc7: {  	_ =	sfence.sel $0xFFFF  }
0xc8: {  	[dreg:$0x0] =	wrdreg $0xFFFFFFFF;
	(pc) =	sbr.abs _section_cstart, $3  }
0xc9: {  	[dreg:$0x1] =	wrdreg $0xFFFFFFFF  }
0xca: {  	_ =	task.clear_ibuf [dreg:s11], $0x2FFFF;
	_ =	strace $0x9FFFFFFF  }
0xcb: {  	(tm) =	ssettm $0x7FFFFFFF  }
tec
execute0_lowered:
.L_overlay_start_1:
0x0: {  	(tag) =	ssettag $0x1  }
0x1: {  	s0 =	rddreg [dreg:$0x0]  }
0x2: {  	s2 =	rddreg [dreg:$0x1]  }
0x3: {  	s9 =	rddreg [dreg:$0x2]  }
0x4: {  	s1 =	rddreg [dreg:$0x3]  }
0x5: {  	s5 =	rddreg [dreg:$0x4]  }
0x6: {  	s10 =	rddreg [dreg:$0x5]  }
0x7: {  	s3 =	rddreg [dreg:$0x6];
	s14 =	stileid.u32  }
0x8: {  	s7 =	srdreg.scid;
	s4 =	simm.s32 $0x0;
	s16 =	simm.s32 $0x800  }
0x9: {  	s18 =	simm.s32 $0x2600;
	s19 =	simm.s32 $0xE00;
	s20 =	simm.s32 $0x2E00  }
0xa: {  	s21 =	simm.s32 $0x5;
	s22 =	simm.s32 $0x1600;
	s23 =	simm.s32 $0x3600  }
0xb: {  	s24 =	simm.s32 $0x1E00;
	s28 =	simm.s32 $0x3;
	s29 =	simm.s32 $0x2  }
0xc: {  	s30 =	simm.s32 $0x4;
	s6 =	smul.u32 $0x18700, s14;
	s7 =	sand.u32 $0x1, s7  }
0xd: {  	[smem:$0x7FF] =	sst s4;
	s26 =	sshll.u32 s14, $0x7;
	s31 =	sshll.u32 s14, $0x6  }
0xe: {  	s11 =	ssub.s32 $0x2, s7;
	_ =	strace $0x80000047;
	s7 =	sshll.u32 s7, $0x6  }
0xf: {  	s8 =	sshrl.u32 s6, $0x3;
	s25 =	sshrl.u32 s11, $0x1;
	s12 =	sor.u32 s7, s26  }
0x10: {  	s13 =	sadd.s32 s6, s3;
	s6 =	sor.u32 $0x1C05, s31;
	s26 =	simm.s32 $0x1  }
0x11: {  	s5 =	sadd.s32 s8, s5;
	s11 =	ssub.s32 s11, s25;
	s7 =	sadd.s32 s0, s12  }
0x12: {  	s8 =	sadd.s32 s2, s12;
	s9 =	sadd.s32 s9, s12;
	s10 =	sadd.s32 s10, s12  }
0x13: {  	s12 =	sshrl.u32 s13, $0x3;
	s13 =	simm.s32 $0x6;
	s25 =	simm.s32 $0x3E00  }
0x14: {  	s2 =	simm.s32 $0x0;
	s5 =	sadd.s32 $0x400, s5;
	s11 =	smax.u32 s11, $0x1  }
.LBB2_1:
0x15: {  	[spmem:s12], [sflag:s6] =	dma.local [hbm:s5], $0x30E0  }
0x16: {  	[tilespmem:s4], [sflag:$0x6] =	stream.linear.gather [hbm4b:s7+s4], $0x200, $0x38;
	[tilespmem:$0x1CF00] =	vst v63  }
0x17: {  	_ =	swait.ge [sflag:s13], $0x200  }
0x18: {  	[sflag:s13] =	ssyncset.done $0x0  }
0x19: {  	s0 =	simm.s32 $0x200;
	[sflag:s13] =	ssyncadd.s32 $0xFFFFFE00  }
0x1a: {  	[tilespmem:s0], [sflag:$0x6] =	stream.linear.gather [hbm4b:s8+s4], $0x200, $0x38;
	[tilespmem:$0x1CF00] =	vst v63  }
0x1b: {  	_ =	swait.ge [sflag:s13], $0x200  }
0x1c: {  	[sflag:s13] =	ssyncset.done $0x0  }
0x1d: {  	s31 =	simm.s32 $0x400;
	[sflag:s13] =	ssyncadd.s32 $0xFFFFFE00  }
0x1e: {  	[tilespmem:s31], [sflag:$0x6] =	stream.linear.gather [hbm4b:s9+s4], $0x200, $0x38;
	[tilespmem:$0x1CF00] =	vst v63  }
0x1f: {  	_ =	swait.ge [sflag:s13], $0x200  }
0x20: {  	[sflag:s13] =	ssyncset.done $0x0  }
0x21: {  	s0 =	simm.s32 $0x0;
	[sflag:s13] =	ssyncadd.s32 $0xFFFFFE00  }
0x22: {  	v0 =	vld [tilespmem:s0+$0x400];
	_ =	sdelay $0x2  }
0x23: {  	v2 =	vld [tilespmem:s0+$0x0];
	_ =	sdelay $0x1  }
0x24: {  	v3 =	vld [tilespmem:s0+$0x200];
	v1 =	vshll.u32 v0, $0x3  }
0x25: {  	v0 =	vand.u32 $0x7F, v0;
	v1 =	vand.u32 $0xFFFFFC00, v1  }
0x26: {  	v0 =	vor.u32 v0, v1  }
0x27: {  	v2 =	vmul.u32 $0x186A0, v2;
	[tilespmem:s0+$0x1600] =	vst v0;
	v1 =	vadd.s32 $0xC3B80, v0  }
0x28: {  	v4 =	vadd.s32 $0xC3B00, v0;
	[tilespmem:s0+$0x1D80] =	vst v1  }
0x29: {  	v2 =	vadd.s32 v3, v2;
	v3 =	vor.u32 $0x80, v0;
	[tilespmem:s0+$0x1D00] =	vst v4  }
0x2a: {  	v1 =	vadd.s32 $0xC3A80, v0;
	[tilespmem:s0+$0x1680] =	vst v3  }
0x2b: {  	v4 =	vadd.s32 $0xC3A00, v0;
	[tilespmem:s0+$0x1C80] =	vst v1  }
0x2c: {  	v3 =	vor.u32 $0x180, v0;
	[tilespmem:s0+$0x1C00] =	vst v4  }
0x2d: {  	v1 =	vadd.s32 $0xC3980, v0;
	[tilespmem:s0+$0x1780] =	vst v3  }
0x2e: {  	v4 =	vadd.s32 $0xC3900, v0;
	[tilespmem:s0+$0x1B80] =	vst v1  }
0x2f: {  	v1 =	vadd.s32 $0xC3880, v0;
	[tilespmem:s0+$0x1B00] =	vst v4  }
0x30: {  	v4 =	vadd.s32 $0xC3800, v0;
	[tilespmem:s0+$0x1A80] =	vst v1  }
0x31: {  	v1 =	vor.u32 $0x300, v0;
	[tilespmem:s0+$0x1A00] =	vst v4  }
0x32: {  	[tilespmem:s0+$0x1900] =	vst v1;
	v1 =	vor.u32 $0x200, v0  }
0x33: {  	v4 =	vor.u32 $0x280, v0;
	[tilespmem:s0+$0x1800] =	vst v1;
	v1 =	vshll.u32 v2, $0x3  }
0x34: {  	[tilespmem:s0+$0x1880] =	vst v4;
	v4 =	vor.u32 $0x100, v0;
	v2 =	vand.u32 $0x7F, v2;
	v1 =	vand.u32 $0xFFFFFC00, v1  }
0x35: {  	[tilespmem:s0+$0x1700] =	vst v4;
	v7 =	vor.u32 v2, v1  }
0x36: {  	v1 =	vadd.s32 $0x30D780, v7;
	[tilespmem:s0+$0x600] =	vst v7  }
0x37: {  	v2 =	vadd.s32 $0x30D700, v7;
	[tilespmem:s0+$0xD80] =	vst v1  }
0x38: {  	v0 =	vor.u32 $0x380, v0;
	v4 =	vadd.s32 $0x30D600, v7;
	[tilespmem:s0+$0xD00] =	vst v2  }
0x39: {  	v8 =	vor.u32 $0x80, v7;
	v10 =	vor.u32 $0x100, v7;
	v5 =	vadd.s32 $0x30D400, v7;
	[tilespmem:s0+$0xC00] =	vst v4  }
0x3a: {  	v3 =	vor.u32 $0x280, v7;
	v6 =	vadd.s32 $0x30D480, v7;
	v9 =	vadd.s32 $0x30D500, v7;
	[tilespmem:s0+$0x680] =	vst v8  }
0x3b: {  	v1 =	vadd.s32 $0x30D680, v7;
	v2 =	vor.u32 $0x200, v7;
	v4 =	vor.u32 $0x300, v7;
	[tilespmem:s0+$0x700] =	vst v10  }
0x3c: {  	s14 =	simm.s32 $0x40;
	v8 =	vor.u32 $0x380, v7;
	[tilespmem:s0+$0xC80] =	vst v1;
	v1 =	vor.u32 $0x180, v7;
	v7 =	vadd.s32 $0x30D580, v7  }
.LBB2_2:
0x3d: {  	s15 =	sshra.s32 s14, $0x2;
	p0 =	sne.s32 s14, $0x1C0;
	s14 =	sadd.s32 $0x40, s14;
	[tilespmem:s0+$0x780] =	vst v1  }
0x3e: {  	v1 =	vld [tilespmem:s15+$0x0];
	[tilespmem:s0+$0x800] =	vst v2  }
0x3f: {  	v2 =	vld [tilespmem:s15+$0x400];
	[tilespmem:s0+$0x880] =	vst v3  }
0x40: {  	v3 =	vld [tilespmem:s15+$0x200];
	[tilespmem:s0+$0x900] =	vst v4  }
0x41: {  	[tilespmem:s0+$0x980] =	vst v8  }
0x42: {  	[tilespmem:s0+$0xA00] =	vst v5  }
0x43: {  	v1 =	vmul.u32 $0x186A0, v1;
	[tilespmem:s0+$0xA80] =	vst v6  }
0x44: {  	v4 =	vshll.u32 v2, $0x3;
	[tilespmem:s0+$0xB00] =	vst v9  }
0x45: {  	v2 =	vand.u32 $0x7F, v2;
	v1 =	vadd.s32 v3, v1;
	v3 =	vand.u32 $0xFFFFFC00, v4;
	[tilespmem:s0+$0xB80] =	vst v7  }
0x46: {  	v4 =	vshll.u32 v1, $0x3;
	v1 =	vand.u32 $0x7F, v1;
	v5 =	vor.u32 v2, v3;
	[tilespmem:s0+$0x1980] =	vst v0;
	s0 =	smov.u32 s15  }
0x47: {  	v2 =	vand.u32 $0xFFFFFC00, v4;
	[tilespmem:s0+$0x1600] =	vst v5;
	v0 =	vor.u32 $0x380, v5;
	v3 =	vadd.s32 $0xC3B80, v5  }
0x48: {  	v7 =	vor.u32 $0x80, v5;
	v10 =	vor.u32 v1, v2;
	v1 =	vadd.s32 $0xC3B00, v5;
	[tilespmem:s0+$0x1D80] =	vst v3  }
0x49: {  	v2 =	vadd.s32 $0xC3A80, v5;
	v11 =	vor.u32 $0x80, v10;
	v12 =	vadd.s32 $0x30D600, v10;
	[tilespmem:s0+$0x1D00] =	vst v1  }
0x4a: {  	v3 =	vadd.s32 $0xC3A00, v5;
	v13 =	vor.u32 $0x100, v10;
	v14 =	vadd.s32 $0x30D680, v10;
	[tilespmem:s0+$0x1C80] =	vst v2  }
0x4b: {  	v4 =	vadd.s32 $0xC3980, v5;
	v1 =	vor.u32 $0x180, v10;
	v15 =	vadd.s32 $0x30D780, v10;
	[tilespmem:s0+$0x1C00] =	vst v3  }
0x4c: {  	v16 =	vor.u32 $0x180, v5;
	v6 =	vadd.s32 $0xC3900, v5;
	v2 =	vor.u32 $0x200, v10;
	[tilespmem:s0+$0x1B80] =	vst v4  }
0x4d: {  	v8 =	vadd.s32 $0xC3880, v5;
	v17 =	vadd.s32 $0x30D700, v10;
	v3 =	vor.u32 $0x280, v10;
	[tilespmem:s0+$0x1B00] =	vst v6  }
0x4e: {  	v18 =	vor.u32 $0x100, v5;
	v4 =	vor.u32 $0x300, v10;
	v6 =	vadd.s32 $0xC3800, v5;
	[tilespmem:s0+$0x1A80] =	vst v8  }
0x4f: {  	v9 =	vor.u32 $0x200, v5;
	v19 =	vor.u32 $0x300, v5;
	v8 =	vor.u32 $0x380, v10;
	[tilespmem:s0+$0x1A00] =	vst v6  }
0x50: {  	v6 =	vor.u32 $0x280, v5;
	v5 =	vadd.s32 $0x30D400, v10;
	[tilespmem:s0+$0x1900] =	vst v19  }
0x51: {  	[tilespmem:s0+$0x1880] =	vst v6;
	v6 =	vadd.s32 $0x30D480, v10  }
0x52: {  	[tilespmem:s0+$0x1800] =	vst v9;
	v9 =	vadd.s32 $0x30D500, v10  }
0x53: {  	[tilespmem:s0+$0x1680] =	vst v7;
	v7 =	vadd.s32 $0x30D580, v10  }
0x54: {  	[tilespmem:s0+$0x1700] =	vst v18  }
0x55: {  	[tilespmem:s0+$0x1780] =	vst v16  }
0x56: {  	[tilespmem:s0+$0x600] =	vst v10  }
0x57: {  	[tilespmem:s0+$0xD80] =	vst v15  }
.Ltmp0:
0x58: {  	[tilespmem:s0+$0xD00] =	vst v17;
	(pc) =	sbr.rel @p0 .LBB2_2-.Ltmp0, $4  }
0x59: {  	[tilespmem:s0+$0xC80] =	vst v14  }
0x5a: {  	[tilespmem:s0+$0xC00] =	vst v12  }
0x5b: {  	[tilespmem:s0+$0x680] =	vst v11  }
0x5c: {  	[tilespmem:s0+$0x700] =	vst v13  }
0x5d: {  	[tilespmem:s0+$0x780] =	vst v1  }
0x5e: {  	[tilespmem:s0+$0x800] =	vst v2  }
0x5f: {  	[tilespmem:s0+$0x880] =	vst v3  }
0x60: {  	[tilespmem:s0+$0x900] =	vst v4  }
0x61: {  	[tilespmem:s0+$0x980] =	vst v8  }
0x62: {  	[tilespmem:s0+$0xA00] =	vst v5  }
0x63: {  	[tilespmem:s0+$0xA80] =	vst v6  }
0x64: {  	[tilespmem:s0+$0xB00] =	vst v9  }
0x65: {  	[tilespmem:s0+$0xB80] =	vst v7  }
0x66: {  	[tilespmem:s0+$0x1980] =	vst v0;
	s31 =	simm.s32 $0x600;
	s0 =	simm.s32 $0x0  }
0x67: {  	[tilespmem:s18], [sflag:$0x1] =	stream.indirect.gather [hbm4b:s1+s16], $0x1, s31, s16, $0xb8;
	[tilespmem:$0x1CF00] =	vst v63  }
0x68: {  	v0 =	vld [tilespmem:s0+$0x480];
	_ =	sdelay $0x2  }
0x69: {  	v2 =	vld [tilespmem:s0+$0x80];
	_ =	sdelay $0x1  }
0x6a: {  	v3 =	vld [tilespmem:s0+$0x280];
	v1 =	vshll.u32 v0, $0x3  }
0x6b: {  	v0 =	vand.u32 $0x7F, v0;
	v1 =	vand.u32 $0xFFFFFC00, v1  }
0x6c: {  	v0 =	vor.u32 v0, v1  }
0x6d: {  	v2 =	vmul.u32 $0x186A0, v2;
	[tilespmem:s0+$0x1E00] =	vst v0;
	v1 =	vadd.s32 $0xC3B80, v0  }
0x6e: {  	v4 =	vadd.s32 $0xC3B00, v0;
	[tilespmem:s0+$0x2580] =	vst v1  }
0x6f: {  	v2 =	vadd.s32 v3, v2;
	v3 =	vor.u32 $0x80, v0;
	[tilespmem:s0+$0x2500] =	vst v4  }
0x70: {  	v1 =	vadd.s32 $0xC3A80, v0;
	[tilespmem:s0+$0x1E80] =	vst v3  }
0x71: {  	v4 =	vadd.s32 $0xC3A00, v0;
	[tilespmem:s0+$0x2480] =	vst v1  }
0x72: {  	v3 =	vor.u32 $0x180, v0;
	[tilespmem:s0+$0x2400] =	vst v4  }
0x73: {  	v1 =	vadd.s32 $0xC3980, v0;
	[tilespmem:s0+$0x1F80] =	vst v3  }
0x74: {  	v4 =	vadd.s32 $0xC3900, v0;
	[tilespmem:s0+$0x2380] =	vst v1  }
0x75: {  	v1 =	vadd.s32 $0xC3880, v0;
	[tilespmem:s0+$0x2300] =	vst v4  }
0x76: {  	v4 =	vadd.s32 $0xC3800, v0;
	[tilespmem:s0+$0x2280] =	vst v1  }
0x77: {  	v1 =	vor.u32 $0x300, v0;
	[tilespmem:s0+$0x2200] =	vst v4  }
0x78: {  	[tilespmem:s0+$0x2100] =	vst v1;
	v1 =	vor.u32 $0x200, v0  }
0x79: {  	v4 =	vor.u32 $0x280, v0;
	[tilespmem:s0+$0x2000] =	vst v1;
	v1 =	vshll.u32 v2, $0x3  }
0x7a: {  	[tilespmem:s0+$0x2080] =	vst v4;
	v4 =	vor.u32 $0x100, v0;
	v2 =	vand.u32 $0x7F, v2;
	v1 =	vand.u32 $0xFFFFFC00, v1  }
0x7b: {  	[tilespmem:s0+$0x1F00] =	vst v4;
	v7 =	vor.u32 v2, v1  }
0x7c: {  	v1 =	vadd.s32 $0x30D780, v7;
	[tilespmem:s0+$0xE00] =	vst v7  }
0x7d: {  	v2 =	vadd.s32 $0x30D700, v7;
	[tilespmem:s0+$0x1580] =	vst v1  }
0x7e: {  	v0 =	vor.u32 $0x380, v0;
	v4 =	vadd.s32 $0x30D600, v7;
	[tilespmem:s0+$0x1500] =	vst v2  }
0x7f: {  	v8 =	vor.u32 $0x80, v7;
	v10 =	vor.u32 $0x100, v7;
	v5 =	vadd.s32 $0x30D400, v7;
	[tilespmem:s0+$0x1400] =	vst v4  }
0x80: {  	v3 =	vor.u32 $0x280, v7;
	v6 =	vadd.s32 $0x30D480, v7;
	v9 =	vadd.s32 $0x30D500, v7;
	[tilespmem:s0+$0xE80] =	vst v8  }
0x81: {  	v1 =	vadd.s32 $0x30D680, v7;
	v2 =	vor.u32 $0x200, v7;
	v4 =	vor.u32 $0x300, v7;
	[tilespmem:s0+$0xF00] =	vst v10  }
0x82: {  	s14 =	simm.s32 $0x40;
	v8 =	vor.u32 $0x380, v7;
	[tilespmem:s0+$0x1480] =	vst v1;
	v1 =	vor.u32 $0x180, v7;
	v7 =	vadd.s32 $0x30D580, v7  }
.LBB2_4:
0x83: {  	s15 =	sshra.s32 s14, $0x2;
	p0 =	sne.s32 s14, $0x1C0;
	s14 =	sadd.s32 $0x40, s14;
	[tilespmem:s0+$0xF80] =	vst v1  }
0x84: {  	v1 =	vld [tilespmem:s15+$0x80];
	[tilespmem:s0+$0x1000] =	vst v2  }
0x85: {  	v2 =	vld [tilespmem:s15+$0x480];
	[tilespmem:s0+$0x1080] =	vst v3  }
0x86: {  	v3 =	vld [tilespmem:s15+$0x280];
	[tilespmem:s0+$0x1100] =	vst v4  }
0x87: {  	[tilespmem:s0+$0x1180] =	vst v8  }
0x88: {  	[tilespmem:s0+$0x1200] =	vst v5  }
0x89: {  	v1 =	vmul.u32 $0x186A0, v1;
	[tilespmem:s0+$0x1280] =	vst v6  }
0x8a: {  	v4 =	vshll.u32 v2, $0x3;
	[tilespmem:s0+$0x1300] =	vst v9  }
0x8b: {  	v2 =	vand.u32 $0x7F, v2;
	v1 =	vadd.s32 v3, v1;
	v3 =	vand.u32 $0xFFFFFC00, v4;
	[tilespmem:s0+$0x1380] =	vst v7  }
0x8c: {  	v4 =	vshll.u32 v1, $0x3;
	v1 =	vand.u32 $0x7F, v1;
	v5 =	vor.u32 v2, v3;
	[tilespmem:s0+$0x2180] =	vst v0;
	s0 =	smov.u32 s15  }
0x8d: {  	v2 =	vand.u32 $0xFFFFFC00, v4;
	[tilespmem:s0+$0x1E00] =	vst v5;
	v0 =	vor.u32 $0x380, v5;
	v3 =	vadd.s32 $0xC3B80, v5  }
0x8e: {  	v7 =	vor.u32 $0x80, v5;
	v10 =	vor.u32 v1, v2;
	v1 =	vadd.s32 $0xC3B00, v5;
	[tilespmem:s0+$0x2580] =	vst v3  }
0x8f: {  	v2 =	vadd.s32 $0xC3A80, v5;
	v11 =	vor.u32 $0x80, v10;
	v12 =	vadd.s32 $0x30D600, v10;
	[tilespmem:s0+$0x2500] =	vst v1  }
0x90: {  	v3 =	vadd.s32 $0xC3A00, v5;
	v13 =	vor.u32 $0x100, v10;
	v14 =	vadd.s32 $0x30D680, v10;
	[tilespmem:s0+$0x2480] =	vst v2  }
0x91: {  	v4 =	vadd.s32 $0xC3980, v5;
	v1 =	vor.u32 $0x180, v10;
	v15 =	vadd.s32 $0x30D780, v10;
	[tilespmem:s0+$0x2400] =	vst v3  }
0x92: {  	v16 =	vor.u32 $0x180, v5;
	v6 =	vadd.s32 $0xC3900, v5;
	v2 =	vor.u32 $0x200, v10;
	[tilespmem:s0+$0x2380] =	vst v4  }
0x93: {  	v8 =	vadd.s32 $0xC3880, v5;
	v17 =	vadd.s32 $0x30D700, v10;
	v3 =	vor.u32 $0x280, v10;
	[tilespmem:s0+$0x2300] =	vst v6  }
0x94: {  	v18 =	vor.u32 $0x100, v5;
	v4 =	vor.u32 $0x300, v10;
	v6 =	vadd.s32 $0xC3800, v5;
	[tilespmem:s0+$0x2280] =	vst v8  }
0x95: {  	v9 =	vor.u32 $0x200, v5;
	v19 =	vor.u32 $0x300, v5;
	v8 =	vor.u32 $0x380, v10;
	[tilespmem:s0+$0x2200] =	vst v6  }
0x96: {  	v6 =	vor.u32 $0x280, v5;
	v5 =	vadd.s32 $0x30D400, v10;
	[tilespmem:s0+$0x2100] =	vst v19  }
0x97: {  	[tilespmem:s0+$0x2080] =	vst v6;
	v6 =	vadd.s32 $0x30D480, v10  }
0x98: {  	[tilespmem:s0+$0x2000] =	vst v9;
	v9 =	vadd.s32 $0x30D500, v10  }
0x99: {  	[tilespmem:s0+$0x1E80] =	vst v7;
	v7 =	vadd.s32 $0x30D580, v10  }
0x9a: {  	[tilespmem:s0+$0x1F00] =	vst v18  }
0x9b: {  	[tilespmem:s0+$0x1F80] =	vst v16  }
0x9c: {  	[tilespmem:s0+$0xE00] =	vst v10  }
0x9d: {  	[tilespmem:s0+$0x1580] =	vst v15  }
.Ltmp1:
0x9e: {  	[tilespmem:s0+$0x1500] =	vst v17;
	(pc) =	sbr.rel @p0 .LBB2_4-.Ltmp1, $4  }
0x9f: {  	[tilespmem:s0+$0x1480] =	vst v14  }
0xa0: {  	[tilespmem:s0+$0x1400] =	vst v12  }
0xa1: {  	[tilespmem:s0+$0xE80] =	vst v11  }
0xa2: {  	[tilespmem:s0+$0xF00] =	vst v13  }
0xa3: {  	[tilespmem:s0+$0xF80] =	vst v1  }
0xa4: {  	[tilespmem:s0+$0x1000] =	vst v2  }
0xa5: {  	[tilespmem:s0+$0x1080] =	vst v3  }
0xa6: {  	[tilespmem:s0+$0x1100] =	vst v4  }
0xa7: {  	[tilespmem:s0+$0x1180] =	vst v8  }
0xa8: {  	[tilespmem:s0+$0x1200] =	vst v5  }
0xa9: {  	[tilespmem:s0+$0x1280] =	vst v6  }
0xaa: {  	[tilespmem:s0+$0x1300] =	vst v9  }
0xab: {  	[tilespmem:s0+$0x1380] =	vst v7  }
0xac: {  	[tilespmem:s0+$0x2180] =	vst v0  }
0xad: {  	[tilespmem:s20], [sflag:$0x2] =	stream.indirect.gather [hbm4b:s1+s16], $0x1, s19, s16, $0xb8;
	[tilespmem:$0x1CF00] =	vst v63  }
0xae: {  	_ =	swait.ge [sflag:s21], $0x30E0  }
0xaf: {  	[sflag:s21] =	ssyncset.done $0x0  }
0xb0: {  	[sflag:s21] =	ssyncadd.s32 $0xFFFFCF20  }
0xb1: {  	[bflag:$0x0] =	sbarrier.arrive $0xFFFF  }
0xb2: {  	[tilespmem:s23], [sflag:$0x3] =	stream.indirect.gather [spmem:s3], $0x1, s22, s16, $0xb8;
	[tilespmem:$0x1CF00] =	vst v63  }
0xb3: {  	_ = 	snop  }
0xb4: {  	[tilespmem:s25], [sflag:$0x4] =	stream.indirect.gather [spmem:s3], $0x1, s24, s16, $0xb8;
	[tilespmem:$0x1CF00] =	vst v63  }
0xb5: {  	_ =	swait.ge [sflag:s26], $0x800  }
0xb6: {  	[sflag:s26] =	ssyncset.done $0x0  }
0xb7: {  	[sflag:s26] =	ssyncadd.s32 $0xFFFFF800  }
0xb8: {  	_ =	swait.ge [sflag:s28], $0x800  }
0xb9: {  	[sflag:s28] =	ssyncset.done $0x0  }
0xba: {  	s0 =	simm.s32 $0x0;
	[sflag:s28] =	ssyncadd.s32 $0xFFFFF800  }
0xbb: {  	v0 =	vld [tilespmem:s0+$0x2600]  }
0xbc: {  	v1 =	vld [tilespmem:s0+$0x3600]  }
0xbd: {  	v2 =	vld [tilespmem:s0+$0x2680]  }
0xbe: {  	v3 =	vld [tilespmem:s0+$0x3680]  }
0xbf: {  	v4 =	vld [tilespmem:s0+$0x2700]  }
0xc0: {  	v5 =	vld [tilespmem:s0+$0x3700]  }
0xc1: {  	v6 =	vld [tilespmem:s0+$0x3780];
	v0 =	vmul.f32 v1, v0  }
0xc2: {  	v1 =	vld [tilespmem:s0+$0x2780]  }
0xc3: {  	v7 =	vld [tilespmem:s0+$0x3800];
	v2 =	vmul.f32 v3, v2;
	v0 =	vadd.f32 $0.0e+00, v0  }
0xc4: {  	v3 =	vld [tilespmem:s0+$0x2800]  }
0xc5: {  	v0 =	vadd.f32 v2, v0;
	v2 =	vmul.f32 v5, v4;
	v4 =	vld [tilespmem:s0+$0x2880]  }
0xc6: {  	v5 =	vld [tilespmem:s0+$0x3880]  }
0xc7: {  	v1 =	vmul.f32 v6, v1;
	v6 =	vld [tilespmem:s0+$0x3900];
	v0 =	vadd.f32 v2, v0  }
0xc8: {  	v2 =	vld [tilespmem:s0+$0x2900]  }
0xc9: {  	v0 =	vadd.f32 v1, v0;
	v1 =	vmul.f32 v7, v3;
	v3 =	vld [tilespmem:s0+$0x2980]  }
0xca: {  	v7 =	vld [tilespmem:s0+$0x3980]  }
0xcb: {  	v0 =	vadd.f32 v1, v0;
	v1 =	vmul.f32 v5, v4;
	v4 =	vld [tilespmem:s0+$0x2A00]  }
0xcc: {  	v5 =	vld [tilespmem:s0+$0x3A00]  }
0xcd: {  	v0 =	vadd.f32 v1, v0;
	v1 =	vmul.f32 v6, v2;
	v2 =	vld [tilespmem:s0+$0x2A80]  }
0xce: {  	v6 =	vld [tilespmem:s0+$0x3A80]  }
0xcf: {  	v0 =	vadd.f32 v1, v0;
	v1 =	vmul.f32 v7, v3;
	v3 =	vld [tilespmem:s0+$0x2B00]  }
0xd0: {  	v7 =	vld [tilespmem:s0+$0x3B00]  }
0xd1: {  	v0 =	vadd.f32 v1, v0;
	v1 =	vmul.f32 v5, v4;
	v4 =	vld [tilespmem:s0+$0x2B80]  }
0xd2: {  	v5 =	vld [tilespmem:s0+$0x3B80]  }
0xd3: {  	v0 =	vadd.f32 v1, v0;
	v1 =	vmul.f32 v6, v2;
	v2 =	vld [tilespmem:s0+$0x2C00]  }
0xd4: {  	v6 =	vld [tilespmem:s0+$0x3C00]  }
0xd5: {  	v8 =	vld [tilespmem:s0+$0x3C80];
	v0 =	vadd.f32 v1, v0;
	v1 =	vmul.f32 v7, v3  }
0xd6: {  	v7 =	vld [tilespmem:s0+$0x2C80]  }
0xd7: {  	v3 =	vld [tilespmem:s0+$0x3D00];
	v4 =	vmul.f32 v5, v4;
	v1 =	vadd.f32 v1, v0  }
0xd8: {  	v0 =	vld [tilespmem:s0+$0x2D00]  }
0xd9: {  	v6 =	vmul.f32 v6, v2;
	v5 =	vadd.f32 v4, v1;
	v1 =	vld [tilespmem:s0+$0x2D80]  }
0xda: {  	s31 =	simm.s32 $0x10;
	v4 =	vld [tilespmem:s0+$0x3D80]  }
0xdb: {  	s14 =	simm.s32 $0x40;
	s17 =	simm.s32 $0x80;
	s15 =	simm.s32 $0x0;
	v2 =	vld [tilespmem:s31+$0x2600];
	v5 =	vadd.f32 v6, v5;
	v6 =	vmul.f32 v8, v7  }
.LBB2_6:
0xdc: {  	p0 =	sne.s32 s17, $0x1C0;
	v7 =	vld [tilespmem:s31+$0x3600]  }
0xdd: {  	v8 =	vld [tilespmem:s31+$0x2680];
	v5 =	vadd.f32 v6, v5;
	v0 =	vmul.f32 v3, v0  }
0xde: {  	v3 =	vld [tilespmem:s31+$0x3680]  }
0xdf: {  	v6 =	vld [tilespmem:s31+$0x2700];
	v0 =	vadd.f32 v0, v5;
	v1 =	vmul.f32 v4, v1  }
0xe0: {  	v4 =	vld [tilespmem:s31+$0x3700]  }
0xe1: {  	v2 =	vmul.f32 v7, v2;
	v5 =	vld [tilespmem:s31+$0x2780];
	v0 =	vadd.f32 v1, v0  }
0xe2: {  	v1 =	vld [tilespmem:s31+$0x3780]  }
0xe3: {  	v2 =	vadd.f32 $0.0e+00, v2;
	v3 =	vmul.f32 v3, v8;
	v7 =	vld [tilespmem:s31+$0x2800];
	[tilespmem:s15+$0x4600] =	vst v0;
	s15 =	smov.u32 s31  }
0xe4: {  	v0 =	vld [tilespmem:s15+$0x3800]  }
0xe5: {  	v2 =	vadd.f32 v3, v2;
	v3 =	vmul.f32 v4, v6;
	v4 =	vld [tilespmem:s15+$0x2880]  }
0xe6: {  	v6 =	vld [tilespmem:s15+$0x3880]  }
0xe7: {  	v2 =	vadd.f32 v3, v2;
	v1 =	vmul.f32 v1, v5;
	v3 =	vld [tilespmem:s15+$0x2900]  }
0xe8: {  	v5 =	vld [tilespmem:s15+$0x3900]  }
0xe9: {  	v1 =	vadd.f32 v1, v2;
	v0 =	vmul.f32 v0, v7;
	v2 =	vld [tilespmem:s15+$0x2980]  }
0xea: {  	v7 =	vld [tilespmem:s15+$0x3980]  }
0xeb: {  	v0 =	vadd.f32 v0, v1;
	v1 =	vmul.f32 v6, v4;
	v4 =	vld [tilespmem:s15+$0x2A00]  }
0xec: {  	v6 =	vld [tilespmem:s15+$0x3A00]  }
0xed: {  	v0 =	vadd.f32 v1, v0;
	v1 =	vmul.f32 v5, v3;
	v3 =	vld [tilespmem:s15+$0x2A80]  }
0xee: {  	v5 =	vld [tilespmem:s15+$0x3A80]  }
0xef: {  	v0 =	vadd.f32 v1, v0;
	v1 =	vmul.f32 v7, v2;
	v2 =	vld [tilespmem:s15+$0x2B00]  }
0xf0: {  	v7 =	vld [tilespmem:s15+$0x3B00]  }
0xf1: {  	v0 =	vadd.f32 v1, v0;
	v1 =	vmul.f32 v6, v4;
	v4 =	vld [tilespmem:s15+$0x2B80]  }
0xf2: {  	v6 =	vld [tilespmem:s15+$0x3B80]  }
0xf3: {  	v0 =	vadd.f32 v1, v0;
	v1 =	vmul.f32 v5, v3;
	v5 =	vld [tilespmem:s15+$0x2C00]  }
0xf4: {  	v8 =	vld [tilespmem:s15+$0x3C00]  }
0xf5: {  	v0 =	vadd.f32 v1, v0;
	v1 =	vmul.f32 v7, v2;
	v7 =	vld [tilespmem:s15+$0x2C80]  }
0xf6: {  	v9 =	vld [tilespmem:s15+$0x3C80]  }
.Ltmp2:
0xf7: {  	v1 =	vadd.f32 v1, v0;
	v2 =	vmul.f32 v6, v4;
	v0 =	vld [tilespmem:s15+$0x2D00];
	(pc) =	sbr.rel @p0 .LBB2_6-.Ltmp2, $4  }
0xf8: {  	v3 =	vld [tilespmem:s15+$0x3D00]  }
0xf9: {  	v6 =	vadd.f32 v2, v1;
	v5 =	vmul.f32 v8, v5;
	v1 =	vld [tilespmem:s15+$0x2D80]  }
0xfa: {  	s31 =	sshra.s32 s17, $0x2;
	v4 =	vld [tilespmem:s15+$0x3D80]  }
0xfb: {  	s17 =	sadd.s32 $0x40, s17;
	v2 =	vld [tilespmem:s31+$0x2600];
	v5 =	vadd.f32 v5, v6;
	v6 =	vmul.f32 v9, v7  }
0xfc: {  	v7 =	vld [tilespmem:s31+$0x3600]  }
0xfd: {  	v8 =	vld [tilespmem:s31+$0x2680];
	v5 =	vadd.f32 v6, v5;
	v0 =	vmul.f32 v3, v0  }
0xfe: {  	v3 =	vld [tilespmem:s31+$0x3680]  }
0xff: {  	v6 =	vld [tilespmem:s31+$0x2700];
	v0 =	vadd.f32 v0, v5;
	v1 =	vmul.f32 v4, v1  }
0x100: {  	v4 =	vld [tilespmem:s31+$0x3700]  }
0x101: {  	v5 =	vld [tilespmem:s31+$0x2780];
	v2 =	vmul.f32 v7, v2;
	v0 =	vadd.f32 v1, v0  }
0x102: {  	v1 =	vld [tilespmem:s31+$0x3780]  }
0x103: {  	v7 =	vld [tilespmem:s31+$0x2800];
	v3 =	vmul.f32 v3, v8;
	v2 =	vadd.f32 $0.0e+00, v2;
	[tilespmem:s15+$0x4600] =	vst v0  }
0x104: {  	v0 =	vld [tilespmem:s31+$0x3800]  }
0x105: {  	v2 =	vadd.f32 v3, v2;
	v3 =	vmul.f32 v4, v6;
	v4 =	vld [tilespmem:s31+$0x2880]  }
0x106: {  	v6 =	vld [tilespmem:s31+$0x3880]  }
0x107: {  	v1 =	vmul.f32 v1, v5;
	v5 =	vld [tilespmem:s31+$0x3900];
	v2 =	vadd.f32 v3, v2  }
0x108: {  	v3 =	vld [tilespmem:s31+$0x2900]  }
0x109: {  	v1 =	vadd.f32 v1, v2;
	v0 =	vmul.f32 v0, v7;
	v2 =	vld [tilespmem:s31+$0x2980]  }
0x10a: {  	v7 =	vld [tilespmem:s31+$0x3980]  }
0x10b: {  	v0 =	vadd.f32 v0, v1;
	v1 =	vmul.f32 v6, v4;
	v4 =	vld [tilespmem:s31+$0x2A00]  }
0x10c: {  	v6 =	vld [tilespmem:s31+$0x3A00]  }
0x10d: {  	v0 =	vadd.f32 v1, v0;
	v1 =	vmul.f32 v5, v3;
	v3 =	vld [tilespmem:s31+$0x2A80]  }
0x10e: {  	v5 =	vld [tilespmem:s31+$0x3A80]  }
0x10f: {  	v0 =	vadd.f32 v1, v0;
	v1 =	vmul.f32 v7, v2;
	v2 =	vld [tilespmem:s31+$0x2B00]  }
0x110: {  	v7 =	vld [tilespmem:s31+$0x3B00]  }
0x111: {  	v0 =	vadd.f32 v1, v0;
	v1 =	vmul.f32 v6, v4;
	v4 =	vld [tilespmem:s31+$0x2B80]  }
0x112: {  	v6 =	vld [tilespmem:s31+$0x3B80]  }
0x113: {  	v0 =	vadd.f32 v1, v0;
	v1 =	vmul.f32 v5, v3;
	v3 =	vld [tilespmem:s31+$0x2C00]  }
0x114: {  	v5 =	vld [tilespmem:s31+$0x3C00]  }
0x115: {  	v0 =	vadd.f32 v1, v0;
	v1 =	vmul.f32 v7, v2;
	v2 =	vld [tilespmem:s31+$0x2C80]  }
0x116: {  	v7 =	vld [tilespmem:s31+$0x3C80]  }
0x117: {  	v0 =	vadd.f32 v1, v0;
	v1 =	vmul.f32 v6, v4;
	v4 =	vld [tilespmem:s31+$0x2D00]  }
0x118: {  	v6 =	vld [tilespmem:s31+$0x3D00]  }
0x119: {  	v0 =	vadd.f32 v1, v0;
	v1 =	vmul.f32 v5, v3;
	v3 =	vld [tilespmem:s31+$0x2D80]  }
0x11a: {  	v5 =	vld [tilespmem:s31+$0x3D80]  }
0x11b: {  	v0 =	vadd.f32 v1, v0;
	v1 =	vmul.f32 v7, v2;
	_ =	sdelay $0x1  }
0x11c: {  	v0 =	vadd.f32 v1, v0;
	v1 =	vmul.f32 v6, v4;
	_ =	sdelay $0x1  }
0x11d: {  	v0 =	vadd.f32 v1, v0;
	v1 =	vmul.f32 v5, v3;
	_ =	sdelay $0x1  }
0x11e: {  	v0 =	vadd.f32 v1, v0;
	_ =	sdelay $0x1  }
0x11f: {  	[tilespmem:s31+$0x4600] =	vst v0  }
0x120: {  	v0 =	vld [tilespmem:s0+$0x500];
	_ =	sdelay $0x2  }
0x121: {  	v2 =	vld [tilespmem:s0+$0x100];
	_ =	sdelay $0x1  }
0x122: {  	v3 =	vld [tilespmem:s0+$0x300];
	v1 =	vshll.u32 v0, $0x3  }
0x123: {  	v0 =	vand.u32 $0x7F, v0;
	v1 =	vand.u32 $0xFFFFFC00, v1  }
0x124: {  	v0 =	vor.u32 v0, v1  }
0x125: {  	v2 =	vmul.u32 $0x186A0, v2;
	[tilespmem:s0+$0x1600] =	vst v0;
	v1 =	vadd.s32 $0xC3B80, v0  }
0x126: {  	v4 =	vadd.s32 $0xC3B00, v0;
	[tilespmem:s0+$0x1D80] =	vst v1  }
0x127: {  	v2 =	vadd.s32 v3, v2;
	v3 =	vor.u32 $0x80, v0;
	[tilespmem:s0+$0x1D00] =	vst v4  }
0x128: {  	v1 =	vadd.s32 $0xC3A80, v0;
	[tilespmem:s0+$0x1680] =	vst v3  }
0x129: {  	v4 =	vadd.s32 $0xC3A00, v0;
	[tilespmem:s0+$0x1C80] =	vst v1  }
0x12a: {  	v3 =	vor.u32 $0x180, v0;
	[tilespmem:s0+$0x1C00] =	vst v4  }
0x12b: {  	v1 =	vadd.s32 $0xC3980, v0;
	[tilespmem:s0+$0x1780] =	vst v3  }
0x12c: {  	v4 =	vadd.s32 $0xC3900, v0;
	[tilespmem:s0+$0x1B80] =	vst v1  }
0x12d: {  	v1 =	vadd.s32 $0xC3880, v0;
	[tilespmem:s0+$0x1B00] =	vst v4  }
0x12e: {  	v4 =	vadd.s32 $0xC3800, v0;
	[tilespmem:s0+$0x1A80] =	vst v1  }
0x12f: {  	v1 =	vor.u32 $0x300, v0;
	[tilespmem:s0+$0x1A00] =	vst v4  }
0x130: {  	[tilespmem:s0+$0x1900] =	vst v1;
	v1 =	vor.u32 $0x200, v0  }
0x131: {  	v4 =	vor.u32 $0x280, v0;
	[tilespmem:s0+$0x1800] =	vst v1;
	v1 =	vshll.u32 v2, $0x3  }
0x132: {  	[tilespmem:s0+$0x1880] =	vst v4;
	v4 =	vor.u32 $0x100, v0;
	v2 =	vand.u32 $0x7F, v2;
	v1 =	vand.u32 $0xFFFFFC00, v1  }
0x133: {  	[tilespmem:s0+$0x1700] =	vst v4;
	v7 =	vor.u32 v2, v1  }
0x134: {  	v1 =	vadd.s32 $0x30D780, v7;
	[tilespmem:s0+$0x600] =	vst v7  }
0x135: {  	v2 =	vadd.s32 $0x30D700, v7;
	[tilespmem:s0+$0xD80] =	vst v1  }
0x136: {  	v0 =	vor.u32 $0x380, v0;
	v4 =	vadd.s32 $0x30D600, v7;
	[tilespmem:s0+$0xD00] =	vst v2  }
0x137: {  	v8 =	vor.u32 $0x80, v7;
	v10 =	vor.u32 $0x100, v7;
	v5 =	vadd.s32 $0x30D400, v7;
	[tilespmem:s0+$0xC00] =	vst v4  }
0x138: {  	v3 =	vor.u32 $0x280, v7;
	v6 =	vadd.s32 $0x30D480, v7;
	v9 =	vadd.s32 $0x30D500, v7;
	[tilespmem:s0+$0x680] =	vst v8  }
0x139: {  	v1 =	vadd.s32 $0x30D680, v7;
	v2 =	vor.u32 $0x200, v7;
	v4 =	vor.u32 $0x300, v7;
	[tilespmem:s0+$0x700] =	vst v10  }
0x13a: {  	v8 =	vor.u32 $0x380, v7;
	[tilespmem:s0+$0xC80] =	vst v1;
	v1 =	vor.u32 $0x180, v7;
	v7 =	vadd.s32 $0x30D580, v7  }
.LBB2_8:
0x13b: {  	s15 =	sshra.s32 s14, $0x2;
	p0 =	sne.s32 s14, $0x1C0;
	s14 =	sadd.s32 $0x40, s14;
	[tilespmem:s0+$0x780] =	vst v1  }
0x13c: {  	v1 =	vld [tilespmem:s15+$0x100];
	[tilespmem:s0+$0x800] =	vst v2  }
0x13d: {  	v2 =	vld [tilespmem:s15+$0x500];
	[tilespmem:s0+$0x880] =	vst v3  }
0x13e: {  	v3 =	vld [tilespmem:s15+$0x300];
	[tilespmem:s0+$0x900] =	vst v4  }
0x13f: {  	[tilespmem:s0+$0x980] =	vst v8  }
0x140: {  	[tilespmem:s0+$0xA00] =	vst v5  }
0x141: {  	v1 =	vmul.u32 $0x186A0, v1;
	[tilespmem:s0+$0xA80] =	vst v6  }
0x142: {  	v4 =	vshll.u32 v2, $0x3;
	[tilespmem:s0+$0xB00] =	vst v9  }
0x143: {  	v2 =	vand.u32 $0x7F, v2;
	v1 =	vadd.s32 v3, v1;
	v3 =	vand.u32 $0xFFFFFC00, v4;
	[tilespmem:s0+$0xB80] =	vst v7  }
0x144: {  	v4 =	vshll.u32 v1, $0x3;
	v1 =	vand.u32 $0x7F, v1;
	v5 =	vor.u32 v2, v3;
	[tilespmem:s0+$0x1980] =	vst v0;
	s0 =	smov.u32 s15  }
0x145: {  	v2 =	vand.u32 $0xFFFFFC00, v4;
	[tilespmem:s0+$0x1600] =	vst v5;
	v0 =	vor.u32 $0x380, v5;
	v3 =	vadd.s32 $0xC3B80, v5  }
0x146: {  	v7 =	vor.u32 $0x80, v5;
	v10 =	vor.u32 v1, v2;
	v1 =	vadd.s32 $0xC3B00, v5;
	[tilespmem:s0+$0x1D80] =	vst v3  }
0x147: {  	v2 =	vadd.s32 $0xC3A80, v5;
	v11 =	vor.u32 $0x80, v10;
	v12 =	vadd.s32 $0x30D600, v10;
	[tilespmem:s0+$0x1D00] =	vst v1  }
0x148: {  	v3 =	vadd.s32 $0xC3A00, v5;
	v13 =	vor.u32 $0x100, v10;
	v14 =	vadd.s32 $0x30D680, v10;
	[tilespmem:s0+$0x1C80] =	vst v2  }
0x149: {  	v4 =	vadd.s32 $0xC3980, v5;
	v1 =	vor.u32 $0x180, v10;
	v15 =	vadd.s32 $0x30D780, v10;
	[tilespmem:s0+$0x1C00] =	vst v3  }
0x14a: {  	v16 =	vor.u32 $0x180, v5;
	v6 =	vadd.s32 $0xC3900, v5;
	v2 =	vor.u32 $0x200, v10;
	[tilespmem:s0+$0x1B80] =	vst v4  }
0x14b: {  	v8 =	vadd.s32 $0xC3880, v5;
	v17 =	vadd.s32 $0x30D700, v10;
	v3 =	vor.u32 $0x280, v10;
	[tilespmem:s0+$0x1B00] =	vst v6  }
0x14c: {  	v18 =	vor.u32 $0x100, v5;
	v4 =	vor.u32 $0x300, v10;
	v6 =	vadd.s32 $0xC3800, v5;
	[tilespmem:s0+$0x1A80] =	vst v8  }
0x14d: {  	v9 =	vor.u32 $0x200, v5;
	v19 =	vor.u32 $0x300, v5;
	v8 =	vor.u32 $0x380, v10;
	[tilespmem:s0+$0x1A00] =	vst v6  }
0x14e: {  	v6 =	vor.u32 $0x280, v5;
	v5 =	vadd.s32 $0x30D400, v10;
	[tilespmem:s0+$0x1900] =	vst v19  }
0x14f: {  	[tilespmem:s0+$0x1880] =	vst v6;
	v6 =	vadd.s32 $0x30D480, v10  }
0x150: {  	[tilespmem:s0+$0x1800] =	vst v9;
	v9 =	vadd.s32 $0x30D500, v10  }
0x151: {  	[tilespmem:s0+$0x1680] =	vst v7;
	v7 =	vadd.s32 $0x30D580, v10  }
0x152: {  	[tilespmem:s0+$0x1700] =	vst v18  }
0x153: {  	[tilespmem:s0+$0x1780] =	vst v16  }
0x154: {  	[tilespmem:s0+$0x600] =	vst v10  }
0x155: {  	[tilespmem:s0+$0xD80] =	vst v15  }
.Ltmp3:
0x156: {  	[tilespmem:s0+$0xD00] =	vst v17;
	(pc) =	sbr.rel @p0 .LBB2_8-.Ltmp3, $4  }
0x157: {  	[tilespmem:s0+$0xC80] =	vst v14  }
0x158: {  	[tilespmem:s0+$0xC00] =	vst v12  }
0x159: {  	[tilespmem:s0+$0x680] =	vst v11  }
0x15a: {  	[tilespmem:s0+$0x700] =	vst v13  }
0x15b: {  	[tilespmem:s0+$0x780] =	vst v1  }
0x15c: {  	[tilespmem:s0+$0x800] =	vst v2  }
0x15d: {  	[tilespmem:s0+$0x880] =	vst v3  }
0x15e: {  	[tilespmem:s0+$0x900] =	vst v4  }
0x15f: {  	[tilespmem:s0+$0x980] =	vst v8  }
0x160: {  	[tilespmem:s0+$0xA00] =	vst v5  }
0x161: {  	[tilespmem:s0+$0xA80] =	vst v6  }
0x162: {  	[tilespmem:s0+$0xB00] =	vst v9  }
0x163: {  	[tilespmem:s0+$0xB80] =	vst v7  }
0x164: {  	[tilespmem:s0+$0x1980] =	vst v0;
	s17 =	simm.s32 $0x600  }
0x165: {  	[tilespmem:s18], [sflag:$0x1] =	stream.indirect.gather [hbm4b:s1+s16], $0x1, s17, s16, $0xb8;
	[tilespmem:$0x1CF00] =	vst v63  }
0x166: {  	_ = 	snop  }
0x167: {  	[tilespmem:s23], [sflag:$0x3] =	stream.indirect.gather [spmem:s3], $0x1, s22, s16, $0xb8;
	[tilespmem:$0x1CF00] =	vst v63  }
0x168: {  	_ =	swait.ge [sflag:s29], $0x800  }
0x169: {  	[sflag:s29] =	ssyncset.done $0x0  }
0x16a: {  	[sflag:s29] =	ssyncadd.s32 $0xFFFFF800  }
0x16b: {  	_ =	swait.ge [sflag:s30], $0x800  }
0x16c: {  	[sflag:s30] =	ssyncset.done $0x0  }
0x16d: {  	s0 =	simm.s32 $0x0;
	[sflag:s30] =	ssyncadd.s32 $0xFFFFF800  }
0x16e: {  	v0 =	vld [tilespmem:s0+$0x2E00]  }
0x16f: {  	v1 =	vld [tilespmem:s0+$0x3E00]  }
0x170: {  	v2 =	vld [tilespmem:s0+$0x2E80]  }
0x171: {  	v3 =	vld [tilespmem:s0+$0x3E80]  }
0x172: {  	v4 =	vld [tilespmem:s0+$0x2F00]  }
0x173: {  	v5 =	vld [tilespmem:s0+$0x3F00]  }
0x174: {  	v6 =	vld [tilespmem:s0+$0x3F80];
	v0 =	vmul.f32 v1, v0  }
0x175: {  	v1 =	vld [tilespmem:s0+$0x2F80]  }
0x176: {  	v7 =	vld [tilespmem:s0+$0x4000];
	v2 =	vmul.f32 v3, v2;
	v0 =	vadd.f32 $0.0e+00, v0  }
0x177: {  	v3 =	vld [tilespmem:s0+$0x3000]  }
0x178: {  	v0 =	vadd.f32 v2, v0;
	v2 =	vmul.f32 v5, v4;
	v4 =	vld [tilespmem:s0+$0x3080]  }
0x179: {  	v5 =	vld [tilespmem:s0+$0x4080]  }
0x17a: {  	v1 =	vmul.f32 v6, v1;
	v6 =	vld [tilespmem:s0+$0x4100];
	v0 =	vadd.f32 v2, v0  }
0x17b: {  	v2 =	vld [tilespmem:s0+$0x3100]  }
0x17c: {  	v0 =	vadd.f32 v1, v0;
	v1 =	vmul.f32 v7, v3;
	v3 =	vld [tilespmem:s0+$0x3180]  }
0x17d: {  	v7 =	vld [tilespmem:s0+$0x4180]  }
0x17e: {  	v0 =	vadd.f32 v1, v0;
	v1 =	vmul.f32 v5, v4;
	v4 =	vld [tilespmem:s0+$0x3200]  }
0x17f: {  	v5 =	vld [tilespmem:s0+$0x4200]  }
0x180: {  	v0 =	vadd.f32 v1, v0;
	v1 =	vmul.f32 v6, v2;
	v2 =	vld [tilespmem:s0+$0x3280]  }
0x181: {  	v6 =	vld [tilespmem:s0+$0x4280]  }
0x182: {  	v0 =	vadd.f32 v1, v0;
	v1 =	vmul.f32 v7, v3;
	v3 =	vld [tilespmem:s0+$0x3300]  }
0x183: {  	v7 =	vld [tilespmem:s0+$0x4300]  }
0x184: {  	v0 =	vadd.f32 v1, v0;
	v1 =	vmul.f32 v5, v4;
	v4 =	vld [tilespmem:s0+$0x3380]  }
0x185: {  	v5 =	vld [tilespmem:s0+$0x4380]  }
0x186: {  	v0 =	vadd.f32 v1, v0;
	v1 =	vmul.f32 v6, v2;
	v2 =	vld [tilespmem:s0+$0x3400]  }
0x187: {  	v6 =	vld [tilespmem:s0+$0x4400]  }
0x188: {  	v8 =	vld [tilespmem:s0+$0x4480];
	v0 =	vadd.f32 v1, v0;
	v1 =	vmul.f32 v7, v3  }
0x189: {  	v7 =	vld [tilespmem:s0+$0x3480]  }
0x18a: {  	v3 =	vld [tilespmem:s0+$0x4500];
	v4 =	vmul.f32 v5, v4;
	v1 =	vadd.f32 v1, v0  }
0x18b: {  	v0 =	vld [tilespmem:s0+$0x3500]  }
0x18c: {  	v6 =	vmul.f32 v6, v2;
	v5 =	vadd.f32 v4, v1;
	v1 =	vld [tilespmem:s0+$0x3580]  }
0x18d: {  	s31 =	simm.s32 $0x10;
	v4 =	vld [tilespmem:s0+$0x4580]  }
0x18e: {  	s14 =	simm.s32 $0x40;
	s15 =	simm.s32 $0x0;
	s17 =	simm.s32 $0x80;
	v2 =	vld [tilespmem:s31+$0x2E00];
	v5 =	vadd.f32 v6, v5;
	v6 =	vmul.f32 v8, v7  }
.LBB2_10:
0x18f: {  	p0 =	sne.s32 s17, $0x1C0;
	v7 =	vld [tilespmem:s31+$0x3E00]  }
0x190: {  	v8 =	vld [tilespmem:s31+$0x2E80];
	v5 =	vadd.f32 v6, v5;
	v0 =	vmul.f32 v3, v0  }
0x191: {  	v3 =	vld [tilespmem:s31+$0x3E80]  }
0x192: {  	v6 =	vld [tilespmem:s31+$0x2F00];
	v0 =	vadd.f32 v0, v5;
	v1 =	vmul.f32 v4, v1  }
0x193: {  	v4 =	vld [tilespmem:s31+$0x3F00]  }
0x194: {  	v2 =	vmul.f32 v7, v2;
	v5 =	vld [tilespmem:s31+$0x2F80];
	v0 =	vadd.f32 v1, v0  }
0x195: {  	v1 =	vld [tilespmem:s31+$0x3F80]  }
0x196: {  	v2 =	vadd.f32 $0.0e+00, v2;
	v3 =	vmul.f32 v3, v8;
	v7 =	vld [tilespmem:s31+$0x3000];
	[tilespmem:s15+$0x4680] =	vst v0;
	s15 =	smov.u32 s31  }
0x197: {  	v0 =	vld [tilespmem:s15+$0x4000]  }
0x198: {  	v2 =	vadd.f32 v3, v2;
	v3 =	vmul.f32 v4, v6;
	v4 =	vld [tilespmem:s15+$0x3080]  }
0x199: {  	v6 =	vld [tilespmem:s15+$0x4080]  }
0x19a: {  	v2 =	vadd.f32 v3, v2;
	v1 =	vmul.f32 v1, v5;
	v3 =	vld [tilespmem:s15+$0x3100]  }
0x19b: {  	v5 =	vld [tilespmem:s15+$0x4100]  }
0x19c: {  	v1 =	vadd.f32 v1, v2;
	v0 =	vmul.f32 v0, v7;
	v2 =	vld [tilespmem:s15+$0x3180]  }
0x19d: {  	v7 =	vld [tilespmem:s15+$0x4180]  }
0x19e: {  	v0 =	vadd.f32 v0, v1;
	v1 =	vmul.f32 v6, v4;
	v4 =	vld [tilespmem:s15+$0x3200]  }
0x19f: {  	v6 =	vld [tilespmem:s15+$0x4200]  }
0x1a0: {  	v0 =	vadd.f32 v1, v0;
	v1 =	vmul.f32 v5, v3;
	v3 =	vld [tilespmem:s15+$0x3280]  }
0x1a1: {  	v5 =	vld [tilespmem:s15+$0x4280]  }
0x1a2: {  	v0 =	vadd.f32 v1, v0;
	v1 =	vmul.f32 v7, v2;
	v2 =	vld [tilespmem:s15+$0x3300]  }
0x1a3: {  	v7 =	vld [tilespmem:s15+$0x4300]  }
0x1a4: {  	v0 =	vadd.f32 v1, v0;
	v1 =	vmul.f32 v6, v4;
	v4 =	vld [tilespmem:s15+$0x3380]  }
0x1a5: {  	v6 =	vld [tilespmem:s15+$0x4380]  }
0x1a6: {  	v0 =	vadd.f32 v1, v0;
	v1 =	vmul.f32 v5, v3;
	v5 =	vld [tilespmem:s15+$0x3400]  }
0x1a7: {  	v8 =	vld [tilespmem:s15+$0x4400]  }
0x1a8: {  	v0 =	vadd.f32 v1, v0;
	v1 =	vmul.f32 v7, v2;
	v7 =	vld [tilespmem:s15+$0x3480]  }
0x1a9: {  	v9 =	vld [tilespmem:s15+$0x4480]  }
.Ltmp4:
0x1aa: {  	v1 =	vadd.f32 v1, v0;
	v2 =	vmul.f32 v6, v4;
	v0 =	vld [tilespmem:s15+$0x3500];
	(pc) =	sbr.rel @p0 .LBB2_10-.Ltmp4, $4  }
0x1ab: {  	v3 =	vld [tilespmem:s15+$0x4500]  }
0x1ac: {  	v6 =	vadd.f32 v2, v1;
	v5 =	vmul.f32 v8, v5;
	v1 =	vld [tilespmem:s15+$0x3580]  }
0x1ad: {  	s31 =	sshra.s32 s17, $0x2;
	v4 =	vld [tilespmem:s15+$0x4580]  }
0x1ae: {  	s17 =	sadd.s32 $0x40, s17;
	v2 =	vld [tilespmem:s31+$0x2E00];
	v5 =	vadd.f32 v5, v6;
	v6 =	vmul.f32 v9, v7  }
0x1af: {  	v7 =	vld [tilespmem:s31+$0x3E00]  }
0x1b0: {  	v8 =	vld [tilespmem:s31+$0x2E80];
	v5 =	vadd.f32 v6, v5;
	v0 =	vmul.f32 v3, v0  }
0x1b1: {  	v3 =	vld [tilespmem:s31+$0x3E80]  }
0x1b2: {  	v6 =	vld [tilespmem:s31+$0x2F00];
	v0 =	vadd.f32 v0, v5;
	v1 =	vmul.f32 v4, v1  }
0x1b3: {  	v4 =	vld [tilespmem:s31+$0x3F00]  }
0x1b4: {  	v5 =	vld [tilespmem:s31+$0x2F80];
	v2 =	vmul.f32 v7, v2;
	v0 =	vadd.f32 v1, v0  }
0x1b5: {  	v1 =	vld [tilespmem:s31+$0x3F80]  }
0x1b6: {  	v7 =	vld [tilespmem:s31+$0x3000];
	v3 =	vmul.f32 v3, v8;
	v2 =	vadd.f32 $0.0e+00, v2;
	[tilespmem:s15+$0x4680] =	vst v0  }
0x1b7: {  	v0 =	vld [tilespmem:s31+$0x4000]  }
0x1b8: {  	v2 =	vadd.f32 v3, v2;
	v3 =	vmul.f32 v4, v6;
	v4 =	vld [tilespmem:s31+$0x3080]  }
0x1b9: {  	v6 =	vld [tilespmem:s31+$0x4080]  }
0x1ba: {  	v1 =	vmul.f32 v1, v5;
	v5 =	vld [tilespmem:s31+$0x4100];
	v2 =	vadd.f32 v3, v2  }
0x1bb: {  	v3 =	vld [tilespmem:s31+$0x3100]  }
0x1bc: {  	v1 =	vadd.f32 v1, v2;
	v0 =	vmul.f32 v0, v7;
	v2 =	vld [tilespmem:s31+$0x3180]  }
0x1bd: {  	v7 =	vld [tilespmem:s31+$0x4180]  }
0x1be: {  	v0 =	vadd.f32 v0, v1;
	v1 =	vmul.f32 v6, v4;
	v4 =	vld [tilespmem:s31+$0x3200]  }
0x1bf: {  	v6 =	vld [tilespmem:s31+$0x4200]  }
0x1c0: {  	v0 =	vadd.f32 v1, v0;
	v1 =	vmul.f32 v5, v3;
	v3 =	vld [tilespmem:s31+$0x3280]  }
0x1c1: {  	v5 =	vld [tilespmem:s31+$0x4280]  }
0x1c2: {  	v0 =	vadd.f32 v1, v0;
	v1 =	vmul.f32 v7, v2;
	v2 =	vld [tilespmem:s31+$0x3300]  }
0x1c3: {  	v7 =	vld [tilespmem:s31+$0x4300]  }
0x1c4: {  	v0 =	vadd.f32 v1, v0;
	v1 =	vmul.f32 v6, v4;
	v4 =	vld [tilespmem:s31+$0x3380]  }
0x1c5: {  	v6 =	vld [tilespmem:s31+$0x4380]  }
0x1c6: {  	v0 =	vadd.f32 v1, v0;
	v1 =	vmul.f32 v5, v3;
	v3 =	vld [tilespmem:s31+$0x3400]  }
0x1c7: {  	v5 =	vld [tilespmem:s31+$0x4400]  }
0x1c8: {  	v0 =	vadd.f32 v1, v0;
	v1 =	vmul.f32 v7, v2;
	v2 =	vld [tilespmem:s31+$0x3480]  }
0x1c9: {  	v7 =	vld [tilespmem:s31+$0x4480]  }
0x1ca: {  	v0 =	vadd.f32 v1, v0;
	v1 =	vmul.f32 v6, v4;
	v4 =	vld [tilespmem:s31+$0x3500]  }
0x1cb: {  	v6 =	vld [tilespmem:s31+$0x4500]  }
0x1cc: {  	v0 =	vadd.f32 v1, v0;
	v1 =	vmul.f32 v5, v3;
	v3 =	vld [tilespmem:s31+$0x3580]  }
0x1cd: {  	v5 =	vld [tilespmem:s31+$0x4580]  }
0x1ce: {  	v0 =	vadd.f32 v1, v0;
	v1 =	vmul.f32 v7, v2;
	_ =	sdelay $0x1  }
0x1cf: {  	v0 =	vadd.f32 v1, v0;
	v1 =	vmul.f32 v6, v4;
	_ =	sdelay $0x1  }
0x1d0: {  	v0 =	vadd.f32 v1, v0;
	v1 =	vmul.f32 v5, v3;
	_ =	sdelay $0x1  }
0x1d1: {  	v0 =	vadd.f32 v1, v0;
	_ =	sdelay $0x1  }
0x1d2: {  	[tilespmem:s31+$0x4680] =	vst v0  }
0x1d3: {  	v0 =	vld [tilespmem:s0+$0x580];
	_ =	sdelay $0x2  }
0x1d4: {  	v2 =	vld [tilespmem:s0+$0x180];
	_ =	sdelay $0x1  }
0x1d5: {  	v3 =	vld [tilespmem:s0+$0x380];
	v1 =	vshll.u32 v0, $0x3  }
0x1d6: {  	v0 =	vand.u32 $0x7F, v0;
	v1 =	vand.u32 $0xFFFFFC00, v1  }
0x1d7: {  	v0 =	vor.u32 v0, v1  }
0x1d8: {  	v2 =	vmul.u32 $0x186A0, v2;
	[tilespmem:s0+$0x1E00] =	vst v0;
	v1 =	vadd.s32 $0xC3B80, v0  }
0x1d9: {  	v4 =	vadd.s32 $0xC3B00, v0;
	[tilespmem:s0+$0x2580] =	vst v1  }
0x1da: {  	v2 =	vadd.s32 v3, v2;
	v3 =	vor.u32 $0x80, v0;
	[tilespmem:s0+$0x2500] =	vst v4  }
0x1db: {  	v1 =	vadd.s32 $0xC3A80, v0;
	[tilespmem:s0+$0x1E80] =	vst v3  }
0x1dc: {  	v4 =	vadd.s32 $0xC3A00, v0;
	[tilespmem:s0+$0x2480] =	vst v1  }
0x1dd: {  	v3 =	vor.u32 $0x180, v0;
	[tilespmem:s0+$0x2400] =	vst v4  }
0x1de: {  	v1 =	vadd.s32 $0xC3980, v0;
	[tilespmem:s0+$0x1F80] =	vst v3  }
0x1df: {  	v4 =	vadd.s32 $0xC3900, v0;
	[tilespmem:s0+$0x2380] =	vst v1  }
0x1e0: {  	v1 =	vadd.s32 $0xC3880, v0;
	[tilespmem:s0+$0x2300] =	vst v4  }
0x1e1: {  	v4 =	vadd.s32 $0xC3800, v0;
	[tilespmem:s0+$0x2280] =	vst v1  }
0x1e2: {  	v1 =	vor.u32 $0x300, v0;
	[tilespmem:s0+$0x2200] =	vst v4  }
0x1e3: {  	[tilespmem:s0+$0x2100] =	vst v1;
	v1 =	vor.u32 $0x200, v0  }
0x1e4: {  	v4 =	vor.u32 $0x280, v0;
	[tilespmem:s0+$0x2000] =	vst v1;
	v1 =	vshll.u32 v2, $0x3  }
0x1e5: {  	[tilespmem:s0+$0x2080] =	vst v4;
	v4 =	vor.u32 $0x100, v0;
	v2 =	vand.u32 $0x7F, v2;
	v1 =	vand.u32 $0xFFFFFC00, v1  }
0x1e6: {  	[tilespmem:s0+$0x1F00] =	vst v4;
	v7 =	vor.u32 v2, v1  }
0x1e7: {  	v1 =	vadd.s32 $0x30D780, v7;
	[tilespmem:s0+$0xE00] =	vst v7  }
0x1e8: {  	v2 =	vadd.s32 $0x30D700, v7;
	[tilespmem:s0+$0x1580] =	vst v1  }
0x1e9: {  	v0 =	vor.u32 $0x380, v0;
	v4 =	vadd.s32 $0x30D600, v7;
	[tilespmem:s0+$0x1500] =	vst v2  }
0x1ea: {  	v8 =	vor.u32 $0x80, v7;
	v10 =	vor.u32 $0x100, v7;
	v5 =	vadd.s32 $0x30D400, v7;
	[tilespmem:s0+$0x1400] =	vst v4  }
0x1eb: {  	v3 =	vor.u32 $0x280, v7;
	v6 =	vadd.s32 $0x30D480, v7;
	v9 =	vadd.s32 $0x30D500, v7;
	[tilespmem:s0+$0xE80] =	vst v8  }
0x1ec: {  	v1 =	vadd.s32 $0x30D680, v7;
	v2 =	vor.u32 $0x200, v7;
	v4 =	vor.u32 $0x300, v7;
	[tilespmem:s0+$0xF00] =	vst v10  }
0x1ed: {  	v8 =	vor.u32 $0x380, v7;
	[tilespmem:s0+$0x1480] =	vst v1;
	v1 =	vor.u32 $0x180, v7;
	v7 =	vadd.s32 $0x30D580, v7  }
.LBB2_12:
0x1ee: {  	s15 =	sshra.s32 s14, $0x2;
	p0 =	sne.s32 s14, $0x1C0;
	s14 =	sadd.s32 $0x40, s14;
	[tilespmem:s0+$0xF80] =	vst v1  }
0x1ef: {  	v1 =	vld [tilespmem:s15+$0x180];
	[tilespmem:s0+$0x1000] =	vst v2  }
0x1f0: {  	v2 =	vld [tilespmem:s15+$0x580];
	[tilespmem:s0+$0x1080] =	vst v3  }
0x1f1: {  	v3 =	vld [tilespmem:s15+$0x380];
	[tilespmem:s0+$0x1100] =	vst v4  }
0x1f2: {  	[tilespmem:s0+$0x1180] =	vst v8  }
0x1f3: {  	[tilespmem:s0+$0x1200] =	vst v5  }
0x1f4: {  	v1 =	vmul.u32 $0x186A0, v1;
	[tilespmem:s0+$0x1280] =	vst v6  }
0x1f5: {  	v4 =	vshll.u32 v2, $0x3;
	[tilespmem:s0+$0x1300] =	vst v9  }
0x1f6: {  	v2 =	vand.u32 $0x7F, v2;
	v1 =	vadd.s32 v3, v1;
	v3 =	vand.u32 $0xFFFFFC00, v4;
	[tilespmem:s0+$0x1380] =	vst v7  }
0x1f7: {  	v4 =	vshll.u32 v1, $0x3;
	v1 =	vand.u32 $0x7F, v1;
	v5 =	vor.u32 v2, v3;
	[tilespmem:s0+$0x2180] =	vst v0;
	s0 =	smov.u32 s15  }
0x1f8: {  	v2 =	vand.u32 $0xFFFFFC00, v4;
	[tilespmem:s0+$0x1E00] =	vst v5;
	v0 =	vor.u32 $0x380, v5;
	v3 =	vadd.s32 $0xC3B80, v5  }
0x1f9: {  	v7 =	vor.u32 $0x80, v5;
	v10 =	vor.u32 v1, v2;
	v1 =	vadd.s32 $0xC3B00, v5;
	[tilespmem:s0+$0x2580] =	vst v3  }
0x1fa: {  	v2 =	vadd.s32 $0xC3A80, v5;
	v11 =	vor.u32 $0x80, v10;
	v12 =	vadd.s32 $0x30D600, v10;
	[tilespmem:s0+$0x2500] =	vst v1  }
0x1fb: {  	v3 =	vadd.s32 $0xC3A00, v5;
	v13 =	vor.u32 $0x100, v10;
	v14 =	vadd.s32 $0x30D680, v10;
	[tilespmem:s0+$0x2480] =	vst v2  }
0x1fc: {  	v4 =	vadd.s32 $0xC3980, v5;
	v1 =	vor.u32 $0x180, v10;
	v15 =	vadd.s32 $0x30D780, v10;
	[tilespmem:s0+$0x2400] =	vst v3  }
0x1fd: {  	v16 =	vor.u32 $0x180, v5;
	v6 =	vadd.s32 $0xC3900, v5;
	v2 =	vor.u32 $0x200, v10;
	[tilespmem:s0+$0x2380] =	vst v4  }
0x1fe: {  	v8 =	vadd.s32 $0xC3880, v5;
	v17 =	vadd.s32 $0x30D700, v10;
	v3 =	vor.u32 $0x280, v10;
	[tilespmem:s0+$0x2300] =	vst v6  }
0x1ff: {  	v18 =	vor.u32 $0x100, v5;
	v4 =	vor.u32 $0x300, v10;
	v6 =	vadd.s32 $0xC3800, v5;
	[tilespmem:s0+$0x2280] =	vst v8  }
0x200: {  	v9 =	vor.u32 $0x200, v5;
	v19 =	vor.u32 $0x300, v5;
	v8 =	vor.u32 $0x380, v10;
	[tilespmem:s0+$0x2200] =	vst v6  }
0x201: {  	v6 =	vor.u32 $0x280, v5;
	v5 =	vadd.s32 $0x30D400, v10;
	[tilespmem:s0+$0x2100] =	vst v19  }
0x202: {  	[tilespmem:s0+$0x2080] =	vst v6;
	v6 =	vadd.s32 $0x30D480, v10  }
0x203: {  	[tilespmem:s0+$0x2000] =	vst v9;
	v9 =	vadd.s32 $0x30D500, v10  }
0x204: {  	[tilespmem:s0+$0x1E80] =	vst v7;
	v7 =	vadd.s32 $0x30D580, v10  }
0x205: {  	[tilespmem:s0+$0x1F00] =	vst v18  }
0x206: {  	[tilespmem:s0+$0x1F80] =	vst v16  }
0x207: {  	[tilespmem:s0+$0xE00] =	vst v10  }
0x208: {  	[tilespmem:s0+$0x1580] =	vst v15  }
.Ltmp5:
0x209: {  	[tilespmem:s0+$0x1500] =	vst v17;
	(pc) =	sbr.rel @p0 .LBB2_12-.Ltmp5, $4  }
0x20a: {  	[tilespmem:s0+$0x1480] =	vst v14  }
0x20b: {  	[tilespmem:s0+$0x1400] =	vst v12  }
0x20c: {  	[tilespmem:s0+$0xE80] =	vst v11  }
0x20d: {  	[tilespmem:s0+$0xF00] =	vst v13  }
0x20e: {  	[tilespmem:s0+$0xF80] =	vst v1  }
0x20f: {  	[tilespmem:s0+$0x1000] =	vst v2  }
0x210: {  	[tilespmem:s0+$0x1080] =	vst v3  }
0x211: {  	[tilespmem:s0+$0x1100] =	vst v4  }
0x212: {  	[tilespmem:s0+$0x1180] =	vst v8  }
0x213: {  	[tilespmem:s0+$0x1200] =	vst v5  }
0x214: {  	[tilespmem:s0+$0x1280] =	vst v6  }
0x215: {  	[tilespmem:s0+$0x1300] =	vst v9  }
0x216: {  	[tilespmem:s0+$0x1380] =	vst v7  }
0x217: {  	[tilespmem:s0+$0x2180] =	vst v0  }
0x218: {  	[tilespmem:s20], [sflag:$0x2] =	stream.indirect.gather [hbm4b:s1+s16], $0x1, s19, s16, $0xb8;
	[tilespmem:$0x1CF00] =	vst v63  }
0x219: {  	_ = 	snop  }
0x21a: {  	[tilespmem:s25], [sflag:$0x4] =	stream.indirect.gather [spmem:s3], $0x1, s24, s16, $0xb8;
	[tilespmem:$0x1CF00] =	vst v63  }
0x21b: {  	_ =	swait.ge [sflag:s26], $0x800  }
0x21c: {  	[sflag:s26] =	ssyncset.done $0x0  }
0x21d: {  	[sflag:s26] =	ssyncadd.s32 $0xFFFFF800  }
0x21e: {  	_ =	swait.ge [sflag:s28], $0x800  }
0x21f: {  	[sflag:s28] =	ssyncset.done $0x0  }
0x220: {  	s0 =	simm.s32 $0x0;
	[sflag:s28] =	ssyncadd.s32 $0xFFFFF800  }
0x221: {  	v0 =	vld [tilespmem:s0+$0x2600]  }
0x222: {  	v1 =	vld [tilespmem:s0+$0x3600]  }
0x223: {  	v2 =	vld [tilespmem:s0+$0x2680]  }
0x224: {  	v3 =	vld [tilespmem:s0+$0x3680]  }
0x225: {  	v4 =	vld [tilespmem:s0+$0x2700]  }
0x226: {  	v5 =	vld [tilespmem:s0+$0x3700]  }
0x227: {  	v6 =	vld [tilespmem:s0+$0x3780];
	v0 =	vmul.f32 v1, v0  }
0x228: {  	v1 =	vld [tilespmem:s0+$0x2780]  }
0x229: {  	v7 =	vld [tilespmem:s0+$0x3800];
	v2 =	vmul.f32 v3, v2;
	v0 =	vadd.f32 $0.0e+00, v0  }
0x22a: {  	v3 =	vld [tilespmem:s0+$0x2800]  }
0x22b: {  	v0 =	vadd.f32 v2, v0;
	v2 =	vmul.f32 v5, v4;
	v4 =	vld [tilespmem:s0+$0x2880]  }
0x22c: {  	v5 =	vld [tilespmem:s0+$0x3880]  }
0x22d: {  	v1 =	vmul.f32 v6, v1;
	v6 =	vld [tilespmem:s0+$0x3900];
	v0 =	vadd.f32 v2, v0  }
0x22e: {  	v2 =	vld [tilespmem:s0+$0x2900]  }
0x22f: {  	v0 =	vadd.f32 v1, v0;
	v1 =	vmul.f32 v7, v3;
	v3 =	vld [tilespmem:s0+$0x2980]  }
0x230: {  	v7 =	vld [tilespmem:s0+$0x3980]  }
0x231: {  	v0 =	vadd.f32 v1, v0;
	v1 =	vmul.f32 v5, v4;
	v4 =	vld [tilespmem:s0+$0x2A00]  }
0x232: {  	v5 =	vld [tilespmem:s0+$0x3A00]  }
0x233: {  	v0 =	vadd.f32 v1, v0;
	v1 =	vmul.f32 v6, v2;
	v2 =	vld [tilespmem:s0+$0x2A80]  }
0x234: {  	v6 =	vld [tilespmem:s0+$0x3A80]  }
0x235: {  	v0 =	vadd.f32 v1, v0;
	v1 =	vmul.f32 v7, v3;
	v3 =	vld [tilespmem:s0+$0x2B00]  }
0x236: {  	v7 =	vld [tilespmem:s0+$0x3B00]  }
0x237: {  	v0 =	vadd.f32 v1, v0;
	v1 =	vmul.f32 v5, v4;
	v4 =	vld [tilespmem:s0+$0x2B80]  }
0x238: {  	v5 =	vld [tilespmem:s0+$0x3B80]  }
0x239: {  	v0 =	vadd.f32 v1, v0;
	v1 =	vmul.f32 v6, v2;
	v2 =	vld [tilespmem:s0+$0x2C00]  }
0x23a: {  	v6 =	vld [tilespmem:s0+$0x3C00]  }
0x23b: {  	v8 =	vld [tilespmem:s0+$0x3C80];
	v0 =	vadd.f32 v1, v0;
	v1 =	vmul.f32 v7, v3  }
0x23c: {  	v7 =	vld [tilespmem:s0+$0x2C80]  }
0x23d: {  	v3 =	vld [tilespmem:s0+$0x3D00];
	v4 =	vmul.f32 v5, v4;
	v1 =	vadd.f32 v1, v0  }
0x23e: {  	v0 =	vld [tilespmem:s0+$0x2D00]  }
0x23f: {  	v6 =	vmul.f32 v6, v2;
	v5 =	vadd.f32 v4, v1;
	v1 =	vld [tilespmem:s0+$0x2D80]  }
0x240: {  	s14 =	simm.s32 $0x10;
	v4 =	vld [tilespmem:s0+$0x3D80]  }
0x241: {  	s15 =	simm.s32 $0x80;
	v2 =	vld [tilespmem:s14+$0x2600];
	v5 =	vadd.f32 v6, v5;
	v6 =	vmul.f32 v8, v7  }
.LBB2_14:
0x242: {  	p0 =	sne.s32 s15, $0x1C0;
	v7 =	vld [tilespmem:s14+$0x3600]  }
0x243: {  	v8 =	vld [tilespmem:s14+$0x2680];
	v5 =	vadd.f32 v6, v5;
	v0 =	vmul.f32 v3, v0  }
0x244: {  	v3 =	vld [tilespmem:s14+$0x3680]  }
0x245: {  	v6 =	vld [tilespmem:s14+$0x2700];
	v0 =	vadd.f32 v0, v5;
	v1 =	vmul.f32 v4, v1  }
0x246: {  	v4 =	vld [tilespmem:s14+$0x3700]  }
0x247: {  	v2 =	vmul.f32 v7, v2;
	v5 =	vld [tilespmem:s14+$0x2780];
	v0 =	vadd.f32 v1, v0  }
0x248: {  	v1 =	vld [tilespmem:s14+$0x3780]  }
0x249: {  	v2 =	vadd.f32 $0.0e+00, v2;
	v3 =	vmul.f32 v3, v8;
	v7 =	vld [tilespmem:s14+$0x2800];
	[tilespmem:s0+$0x4700] =	vst v0;
	s0 =	smov.u32 s14  }
0x24a: {  	v0 =	vld [tilespmem:s0+$0x3800]  }
0x24b: {  	v2 =	vadd.f32 v3, v2;
	v3 =	vmul.f32 v4, v6;
	v4 =	vld [tilespmem:s0+$0x2880]  }
0x24c: {  	v6 =	vld [tilespmem:s0+$0x3880]  }
0x24d: {  	v2 =	vadd.f32 v3, v2;
	v1 =	vmul.f32 v1, v5;
	v3 =	vld [tilespmem:s0+$0x2900]  }
0x24e: {  	v5 =	vld [tilespmem:s0+$0x3900]  }
0x24f: {  	v1 =	vadd.f32 v1, v2;
	v0 =	vmul.f32 v0, v7;
	v2 =	vld [tilespmem:s0+$0x2980]  }
0x250: {  	v7 =	vld [tilespmem:s0+$0x3980]  }
0x251: {  	v0 =	vadd.f32 v0, v1;
	v1 =	vmul.f32 v6, v4;
	v4 =	vld [tilespmem:s0+$0x2A00]  }
0x252: {  	v6 =	vld [tilespmem:s0+$0x3A00]  }
0x253: {  	v0 =	vadd.f32 v1, v0;
	v1 =	vmul.f32 v5, v3;
	v3 =	vld [tilespmem:s0+$0x2A80]  }
0x254: {  	v5 =	vld [tilespmem:s0+$0x3A80]  }
0x255: {  	v0 =	vadd.f32 v1, v0;
	v1 =	vmul.f32 v7, v2;
	v2 =	vld [tilespmem:s0+$0x2B00]  }
0x256: {  	v7 =	vld [tilespmem:s0+$0x3B00]  }
0x257: {  	v0 =	vadd.f32 v1, v0;
	v1 =	vmul.f32 v6, v4;
	v4 =	vld [tilespmem:s0+$0x2B80]  }
0x258: {  	v6 =	vld [tilespmem:s0+$0x3B80]  }
0x259: {  	v0 =	vadd.f32 v1, v0;
	v1 =	vmul.f32 v5, v3;
	v5 =	vld [tilespmem:s0+$0x2C00]  }
0x25a: {  	v8 =	vld [tilespmem:s0+$0x3C00]  }
0x25b: {  	v0 =	vadd.f32 v1, v0;
	v1 =	vmul.f32 v7, v2;
	v7 =	vld [tilespmem:s0+$0x2C80]  }
0x25c: {  	v9 =	vld [tilespmem:s0+$0x3C80]  }
.Ltmp6:
0x25d: {  	v1 =	vadd.f32 v1, v0;
	v2 =	vmul.f32 v6, v4;
	v0 =	vld [tilespmem:s0+$0x2D00];
	(pc) =	sbr.rel @p0 .LBB2_14-.Ltmp6, $4  }
0x25e: {  	v3 =	vld [tilespmem:s0+$0x3D00]  }
0x25f: {  	v6 =	vadd.f32 v2, v1;
	v5 =	vmul.f32 v8, v5;
	v1 =	vld [tilespmem:s0+$0x2D80]  }
0x260: {  	s14 =	sshra.s32 s15, $0x2;
	v4 =	vld [tilespmem:s0+$0x3D80]  }
0x261: {  	s15 =	sadd.s32 $0x40, s15;
	v2 =	vld [tilespmem:s14+$0x2600];
	v5 =	vadd.f32 v5, v6;
	v6 =	vmul.f32 v9, v7  }
0x262: {  	v7 =	vld [tilespmem:s14+$0x3600]  }
0x263: {  	v8 =	vld [tilespmem:s14+$0x2680];
	v5 =	vadd.f32 v6, v5;
	v0 =	vmul.f32 v3, v0  }
0x264: {  	v3 =	vld [tilespmem:s14+$0x3680]  }
0x265: {  	v6 =	vld [tilespmem:s14+$0x2700];
	v0 =	vadd.f32 v0, v5;
	v1 =	vmul.f32 v4, v1  }
0x266: {  	v4 =	vld [tilespmem:s14+$0x3700]  }
0x267: {  	v5 =	vld [tilespmem:s14+$0x2780];
	v2 =	vmul.f32 v7, v2;
	v0 =	vadd.f32 v1, v0  }
0x268: {  	v1 =	vld [tilespmem:s14+$0x3780]  }
0x269: {  	v7 =	vld [tilespmem:s14+$0x2800];
	v3 =	vmul.f32 v3, v8;
	v2 =	vadd.f32 $0.0e+00, v2;
	[tilespmem:s0+$0x4700] =	vst v0  }
0x26a: {  	v0 =	vld [tilespmem:s14+$0x3800]  }
0x26b: {  	v2 =	vadd.f32 v3, v2;
	v3 =	vmul.f32 v4, v6;
	v4 =	vld [tilespmem:s14+$0x2880]  }
0x26c: {  	v6 =	vld [tilespmem:s14+$0x3880]  }
0x26d: {  	v1 =	vmul.f32 v1, v5;
	v5 =	vld [tilespmem:s14+$0x3900];
	v2 =	vadd.f32 v3, v2  }
0x26e: {  	v3 =	vld [tilespmem:s14+$0x2900]  }
0x26f: {  	v1 =	vadd.f32 v1, v2;
	v0 =	vmul.f32 v0, v7;
	v2 =	vld [tilespmem:s14+$0x2980]  }
0x270: {  	v7 =	vld [tilespmem:s14+$0x3980]  }
0x271: {  	v0 =	vadd.f32 v0, v1;
	v1 =	vmul.f32 v6, v4;
	v4 =	vld [tilespmem:s14+$0x2A00]  }
0x272: {  	v6 =	vld [tilespmem:s14+$0x3A00]  }
0x273: {  	v0 =	vadd.f32 v1, v0;
	v1 =	vmul.f32 v5, v3;
	v3 =	vld [tilespmem:s14+$0x2A80]  }
0x274: {  	v5 =	vld [tilespmem:s14+$0x3A80]  }
0x275: {  	v0 =	vadd.f32 v1, v0;
	v1 =	vmul.f32 v7, v2;
	v2 =	vld [tilespmem:s14+$0x2B00]  }
0x276: {  	v7 =	vld [tilespmem:s14+$0x3B00]  }
0x277: {  	v0 =	vadd.f32 v1, v0;
	v1 =	vmul.f32 v6, v4;
	v4 =	vld [tilespmem:s14+$0x2B80]  }
0x278: {  	v6 =	vld [tilespmem:s14+$0x3B80]  }
0x279: {  	v0 =	vadd.f32 v1, v0;
	v1 =	vmul.f32 v5, v3;
	v3 =	vld [tilespmem:s14+$0x2C00]  }
0x27a: {  	v5 =	vld [tilespmem:s14+$0x3C00]  }
0x27b: {  	v0 =	vadd.f32 v1, v0;
	v1 =	vmul.f32 v7, v2;
	v2 =	vld [tilespmem:s14+$0x2C80]  }
0x27c: {  	v7 =	vld [tilespmem:s14+$0x3C80]  }
0x27d: {  	v0 =	vadd.f32 v1, v0;
	v1 =	vmul.f32 v6, v4;
	v4 =	vld [tilespmem:s14+$0x2D00]  }
0x27e: {  	v6 =	vld [tilespmem:s14+$0x3D00]  }
0x27f: {  	v0 =	vadd.f32 v1, v0;
	v1 =	vmul.f32 v5, v3;
	v3 =	vld [tilespmem:s14+$0x2D80]  }
0x280: {  	v5 =	vld [tilespmem:s14+$0x3D80]  }
0x281: {  	v0 =	vadd.f32 v1, v0;
	v1 =	vmul.f32 v7, v2;
	_ =	sdelay $0x1  }
0x282: {  	v0 =	vadd.f32 v1, v0;
	v1 =	vmul.f32 v6, v4;
	_ =	sdelay $0x1  }
0x283: {  	v0 =	vadd.f32 v1, v0;
	v1 =	vmul.f32 v5, v3;
	_ =	sdelay $0x1  }
0x284: {  	v0 =	vadd.f32 v1, v0;
	_ =	sdelay $0x1  }
0x285: {  	[tilespmem:s14+$0x4700] =	vst v0  }
0x286: {  	_ =	swait.ge [sflag:s29], $0x800  }
0x287: {  	[sflag:s29] =	ssyncset.done $0x0  }
0x288: {  	[sflag:s29] =	ssyncadd.s32 $0xFFFFF800  }
0x289: {  	_ =	swait.ge [sflag:s30], $0x800  }
0x28a: {  	[sflag:s30] =	ssyncset.done $0x0  }
0x28b: {  	s0 =	simm.s32 $0x0;
	[sflag:s30] =	ssyncadd.s32 $0xFFFFF800  }
0x28c: {  	v0 =	vld [tilespmem:s0+$0x2E00]  }
0x28d: {  	v1 =	vld [tilespmem:s0+$0x3E00]  }
0x28e: {  	v2 =	vld [tilespmem:s0+$0x2E80]  }
0x28f: {  	v3 =	vld [tilespmem:s0+$0x3E80]  }
0x290: {  	v4 =	vld [tilespmem:s0+$0x2F00]  }
0x291: {  	v5 =	vld [tilespmem:s0+$0x3F00]  }
0x292: {  	v6 =	vld [tilespmem:s0+$0x3F80];
	v0 =	vmul.f32 v1, v0  }
0x293: {  	v1 =	vld [tilespmem:s0+$0x2F80]  }
0x294: {  	v7 =	vld [tilespmem:s0+$0x4000];
	v2 =	vmul.f32 v3, v2;
	v0 =	vadd.f32 $0.0e+00, v0  }
0x295: {  	v3 =	vld [tilespmem:s0+$0x3000]  }
0x296: {  	v0 =	vadd.f32 v2, v0;
	v2 =	vmul.f32 v5, v4;
	v4 =	vld [tilespmem:s0+$0x3080]  }
0x297: {  	v5 =	vld [tilespmem:s0+$0x4080]  }
0x298: {  	v1 =	vmul.f32 v6, v1;
	v6 =	vld [tilespmem:s0+$0x4100];
	v0 =	vadd.f32 v2, v0  }
0x299: {  	v2 =	vld [tilespmem:s0+$0x3100]  }
0x29a: {  	v0 =	vadd.f32 v1, v0;
	v1 =	vmul.f32 v7, v3;
	v3 =	vld [tilespmem:s0+$0x3180]  }
0x29b: {  	v7 =	vld [tilespmem:s0+$0x4180]  }
0x29c: {  	v0 =	vadd.f32 v1, v0;
	v1 =	vmul.f32 v5, v4;
	v4 =	vld [tilespmem:s0+$0x3200]  }
0x29d: {  	v5 =	vld [tilespmem:s0+$0x4200]  }
0x29e: {  	v0 =	vadd.f32 v1, v0;
	v1 =	vmul.f32 v6, v2;
	v2 =	vld [tilespmem:s0+$0x3280]  }
0x29f: {  	v6 =	vld [tilespmem:s0+$0x4280]  }
0x2a0: {  	v0 =	vadd.f32 v1, v0;
	v1 =	vmul.f32 v7, v3;
	v3 =	vld [tilespmem:s0+$0x3300]  }
0x2a1: {  	v7 =	vld [tilespmem:s0+$0x4300]  }
0x2a2: {  	v0 =	vadd.f32 v1, v0;
	v1 =	vmul.f32 v5, v4;
	v4 =	vld [tilespmem:s0+$0x3380]  }
0x2a3: {  	v5 =	vld [tilespmem:s0+$0x4380]  }
0x2a4: {  	v0 =	vadd.f32 v1, v0;
	v1 =	vmul.f32 v6, v2;
	v2 =	vld [tilespmem:s0+$0x3400]  }
0x2a5: {  	v6 =	vld [tilespmem:s0+$0x4400]  }
0x2a6: {  	v8 =	vld [tilespmem:s0+$0x4480];
	v0 =	vadd.f32 v1, v0;
	v1 =	vmul.f32 v7, v3  }
0x2a7: {  	v7 =	vld [tilespmem:s0+$0x3480]  }
0x2a8: {  	v3 =	vld [tilespmem:s0+$0x4500];
	v4 =	vmul.f32 v5, v4;
	v1 =	vadd.f32 v1, v0  }
0x2a9: {  	v0 =	vld [tilespmem:s0+$0x3500]  }
0x2aa: {  	v6 =	vmul.f32 v6, v2;
	v5 =	vadd.f32 v4, v1;
	v1 =	vld [tilespmem:s0+$0x3580]  }
0x2ab: {  	s14 =	simm.s32 $0x10;
	v4 =	vld [tilespmem:s0+$0x4580]  }
0x2ac: {  	s15 =	simm.s32 $0x80;
	v2 =	vld [tilespmem:s14+$0x2E00];
	v5 =	vadd.f32 v6, v5;
	v6 =	vmul.f32 v8, v7  }
.LBB2_16:
0x2ad: {  	p0 =	sne.s32 s15, $0x1C0;
	v7 =	vld [tilespmem:s14+$0x3E00]  }
0x2ae: {  	v8 =	vld [tilespmem:s14+$0x2E80];
	v5 =	vadd.f32 v6, v5;
	v0 =	vmul.f32 v3, v0  }
0x2af: {  	v3 =	vld [tilespmem:s14+$0x3E80]  }
0x2b0: {  	v6 =	vld [tilespmem:s14+$0x2F00];
	v0 =	vadd.f32 v0, v5;
	v1 =	vmul.f32 v4, v1  }
0x2b1: {  	v4 =	vld [tilespmem:s14+$0x3F00]  }
0x2b2: {  	v2 =	vmul.f32 v7, v2;
	v5 =	vld [tilespmem:s14+$0x2F80];
	v0 =	vadd.f32 v1, v0  }
0x2b3: {  	v1 =	vld [tilespmem:s14+$0x3F80]  }
0x2b4: {  	v2 =	vadd.f32 $0.0e+00, v2;
	v3 =	vmul.f32 v3, v8;
	v7 =	vld [tilespmem:s14+$0x3000];
	[tilespmem:s0+$0x4780] =	vst v0;
	s0 =	smov.u32 s14  }
0x2b5: {  	v0 =	vld [tilespmem:s0+$0x4000]  }
0x2b6: {  	v2 =	vadd.f32 v3, v2;
	v3 =	vmul.f32 v4, v6;
	v4 =	vld [tilespmem:s0+$0x3080]  }
0x2b7: {  	v6 =	vld [tilespmem:s0+$0x4080]  }
0x2b8: {  	v2 =	vadd.f32 v3, v2;
	v1 =	vmul.f32 v1, v5;
	v3 =	vld [tilespmem:s0+$0x3100]  }
0x2b9: {  	v5 =	vld [tilespmem:s0+$0x4100]  }
0x2ba: {  	v1 =	vadd.f32 v1, v2;
	v0 =	vmul.f32 v0, v7;
	v2 =	vld [tilespmem:s0+$0x3180]  }
0x2bb: {  	v7 =	vld [tilespmem:s0+$0x4180]  }
0x2bc: {  	v0 =	vadd.f32 v0, v1;
	v1 =	vmul.f32 v6, v4;
	v4 =	vld [tilespmem:s0+$0x3200]  }
0x2bd: {  	v6 =	vld [tilespmem:s0+$0x4200]  }
0x2be: {  	v0 =	vadd.f32 v1, v0;
	v1 =	vmul.f32 v5, v3;
	v3 =	vld [tilespmem:s0+$0x3280]  }
0x2bf: {  	v5 =	vld [tilespmem:s0+$0x4280]  }
0x2c0: {  	v0 =	vadd.f32 v1, v0;
	v1 =	vmul.f32 v7, v2;
	v2 =	vld [tilespmem:s0+$0x3300]  }
0x2c1: {  	v7 =	vld [tilespmem:s0+$0x4300]  }
0x2c2: {  	v0 =	vadd.f32 v1, v0;
	v1 =	vmul.f32 v6, v4;
	v4 =	vld [tilespmem:s0+$0x3380]  }
0x2c3: {  	v6 =	vld [tilespmem:s0+$0x4380]  }
0x2c4: {  	v0 =	vadd.f32 v1, v0;
	v1 =	vmul.f32 v5, v3;
	v5 =	vld [tilespmem:s0+$0x3400]  }
0x2c5: {  	v8 =	vld [tilespmem:s0+$0x4400]  }
0x2c6: {  	v0 =	vadd.f32 v1, v0;
	v1 =	vmul.f32 v7, v2;
	v7 =	vld [tilespmem:s0+$0x3480]  }
0x2c7: {  	v9 =	vld [tilespmem:s0+$0x4480]  }
.Ltmp7:
0x2c8: {  	v1 =	vadd.f32 v1, v0;
	v2 =	vmul.f32 v6, v4;
	v0 =	vld [tilespmem:s0+$0x3500];
	(pc) =	sbr.rel @p0 .LBB2_16-.Ltmp7, $4  }
0x2c9: {  	v3 =	vld [tilespmem:s0+$0x4500]  }
0x2ca: {  	v6 =	vadd.f32 v2, v1;
	v5 =	vmul.f32 v8, v5;
	v1 =	vld [tilespmem:s0+$0x3580]  }
0x2cb: {  	s14 =	sshra.s32 s15, $0x2;
	v4 =	vld [tilespmem:s0+$0x4580]  }
0x2cc: {  	s15 =	sadd.s32 $0x40, s15;
	v2 =	vld [tilespmem:s14+$0x2E00];
	v5 =	vadd.f32 v5, v6;
	v6 =	vmul.f32 v9, v7  }
0x2cd: {  	v7 =	vld [tilespmem:s14+$0x3E00]  }
0x2ce: {  	v8 =	vld [tilespmem:s14+$0x2E80];
	v5 =	vadd.f32 v6, v5;
	v0 =	vmul.f32 v3, v0  }
0x2cf: {  	v24 =	vld [tilespmem:s14+$0x3E80]  }
0x2d0: {  	v25 =	vld [tilespmem:s14+$0x2F00];
	v0 =	vadd.f32 v0, v5;
	v1 =	vmul.f32 v4, v1  }
0x2d1: {  	v26 =	vld [tilespmem:s14+$0x3F00]  }
0x2d2: {  	v27 =	vld [tilespmem:s14+$0x2F80];
	v2 =	vmul.f32 v7, v2;
	v0 =	vadd.f32 v1, v0  }
0x2d3: {  	v28 =	vld [tilespmem:s14+$0x3F80]  }
0x2d4: {  	v29 =	vld [tilespmem:s14+$0x3000];
	v3 =	vmul.f32 v24, v8;
	v2 =	vadd.f32 $0.0e+00, v2;
	[tilespmem:s0+$0x4780] =	vst v0  }
0x2d5: {  	v0 =	vld [tilespmem:s14+$0x4000]  }
0x2d6: {  	v30 =	vmul.f32 v26, v25;
	v31 =	vld [tilespmem:s14+$0x3080];
	v2 =	vadd.f32 v3, v2  }
0x2d7: {  	v32 =	vld [tilespmem:s14+$0x4080]  }
0x2d8: {  	v1 =	vmul.f32 v28, v27;
	v33 =	vld [tilespmem:s14+$0x3100];
	v2 =	vadd.f32 v30, v2  }
0x2d9: {  	v34 =	vld [tilespmem:s14+$0x4100]  }
0x2da: {  	v35 =	vld [tilespmem:s14+$0x3180];
	v1 =	vadd.f32 v1, v2;
	v0 =	vmul.f32 v0, v29  }
0x2db: {  	v36 =	vld [tilespmem:s14+$0x4180]  }
0x2dc: {  	v38 =	vld [tilespmem:s14+$0x3200];
	v37 =	vmul.f32 v32, v31;
	v0 =	vadd.f32 v0, v1  }
0x2dd: {  	v39 =	vld [tilespmem:s14+$0x4200]  }
0x2de: {  	v41 =	vld [tilespmem:s14+$0x3280];
	v40 =	vmul.f32 v34, v33;
	v0 =	vadd.f32 v37, v0  }
0x2df: {  	v42 =	vld [tilespmem:s14+$0x4280]  }
0x2e0: {  	v44 =	vld [tilespmem:s14+$0x3300];
	v43 =	vmul.f32 v36, v35;
	v0 =	vadd.f32 v40, v0  }
0x2e1: {  	v45 =	vld [tilespmem:s14+$0x4300]  }
0x2e2: {  	v47 =	vld [tilespmem:s14+$0x3380];
	v46 =	vmul.f32 v39, v38;
	v0 =	vadd.f32 v43, v0  }
0x2e3: {  	v48 =	vld [tilespmem:s14+$0x4380]  }
0x2e4: {  	v50 =	vld [tilespmem:s14+$0x3400];
	v49 =	vmul.f32 v42, v41;
	v0 =	vadd.f32 v46, v0  }
0x2e5: {  	v51 =	vld [tilespmem:s14+$0x4400]  }
0x2e6: {  	v53 =	vld [tilespmem:s14+$0x3480];
	v52 =	vmul.f32 v45, v44;
	v0 =	vadd.f32 v49, v0  }
0x2e7: {  	v54 =	vld [tilespmem:s14+$0x4480]  }
0x2e8: {  	v56 =	vld [tilespmem:s14+$0x3500];
	v55 =	vmul.f32 v48, v47;
	v0 =	vadd.f32 v52, v0  }
0x2e9: {  	v57 =	vld [tilespmem:s14+$0x4500]  }
0x2ea: {  	v59 =	vld [tilespmem:s14+$0x3580];
	v58 =	vmul.f32 v51, v50;
	v0 =	vadd.f32 v55, v0  }
0x2eb: {  	v60 =	vld [tilespmem:s14+$0x4580]  }
0x2ec: {  	v61 =	vmul.f32 v54, v53;
	v0 =	vadd.f32 v58, v0;
	_ =	sdelay $0x1  }
0x2ed: {  	v62 =	vmul.f32 v57, v56;
	v0 =	vadd.f32 v61, v0;
	_ =	sdelay $0x1  }
0x2ee: {  	v63 =	vmul.f32 v60, v59;
	v0 =	vadd.f32 v62, v0;
	_ =	sdelay $0x1  }
0x2ef: {  	s2 =	sadd.s32 $0x1, s2;
	v0 =	vadd.f32 v63, v0  }
0x2f0: {  	p0 =	sne.s32 s2, s11  }
.Ltmp8:
0x2f1: {  	s31 =	simm.s32 $0x4600;
	[tilespmem:s14+$0x4780] =	vst v0;
	(pc) =	sbr.rel @p0 .LBB2_1-.Ltmp8, $4  }
0x2f2: {  	[hbm4b:s10+s4] =	stream.linear.scatter [tilespmem:s31], [sflag:$0x6], $0x200, $0x38;
	[tilespmem:$0x1CF00] =	vst v63  }
0x2f3: {  	_ =	swait.ge [sflag:s13], $0x200  }
0x2f4: {  	[sflag:s13] =	ssyncset.done $0x0  }
0x2f5: {  	[sflag:s13] =	ssyncadd.s32 $0xFFFFFE00  }
0x2f6: {  	_ =	sfence.sel $0x180000  }
0x2f7: {  	[bflag:$0x0] =	sbarrier.arrive $0xFFFF  }
0x2f8: {  	_ =	strace $0x90000047  }
0x2f9: {  	s0 =	stileid.u32;
	[bflag:$0x2] =	sbarrier.arrive $0xFFFF  }
0x2fa: {  	p0 =	sne.s32 s0, $0x0;
	s0 =	rddreg [dreg:$0x7]  }
0x2fb: {  	s0 =	sadd.s32 @!p0 $0x100000, s0  }
0x2fc: {  	[sflag:s0] =	ssyncadd.tile.s32 @!p0 $0x1;
	_ =	shalt  }
.Lfunc_end2:
_tile_overlayer_lowered:
.L_overlay_start_2:
0x2fd: {  	(tag) =	ssettag $0x2  }
0x2fe: {  	s0 =	rddreg [dreg:$0x0];
	s2 =	stileid.u32  }
0x2ff: {  	s1 =	rddreg [dreg:$0x1];
	p0 =	sne.s32 s2, $0x0  }
0x300: {  	s3 =	rddreg [dreg:$0x2];
	[bflag:$0x3] =	sbarrier.arrive $0xFFFF;
	s2 =	simm.s32 @!p0 $0x1C06  }
0x301: {  	[timem:s3], [sflag:s2] =	dma.local @!p0 [hbm:s0], s1  }
0x302: {  	s0 =	simm.s32 @!p0 $0x6  }
0x303: {  	_ =	swait.ge @!p0 [sflag:s0], s1  }
0x304: {  	s1 =	ssub.s32 @!p0 $0x0, s1;
	[sflag:s0] =	ssyncset.done @!p0 $0x0  }
0x305: {  	[sflag:s0] =	ssyncadd.s32 @!p0 s1  }
0x306: {  	[bflag:$0x3] =	sbarrier.arrive $0xFFFF  }
0x307: {  	_ =	shalt  }

</sc_bundles>
